<compile_context>
chip_gen: v7x
topology: tpu7x:2x2x1
jax: 0.10.2.dev20260603
libtpu: 0.0.44.dev20260713+nightly
codegen_flags: <defaults>
</compile_context>

<pallas_src>
import functools

import jax
import jax.numpy as jnp
from jax import lax
from jax.experimental import pallas as pl
from jax.experimental.pallas import tpu as pltpu
from jax.experimental.pallas import tpu_sc as plsc

HIDDEN = 1024
MOE_FF = 512
SHARED_FF = 1024
E = 8
T = 2048
TK = 2 * T
TB = 256
NBMAX = 23
NSLOT = NBMAX * TB
TBS = 512
LANES = 16

NW = 32
SPW = TK // NW
TPW = T // NW
NCHD = 4
DCH = SPW // NCHD
NCHG = 4
GCH = TPW // 2


def _dot_t(a, b, prec=jnp.float32):
    return jax.lax.dot_general(a, b, (((1,), (1,)), ((), ())),
                               preferred_element_type=prec)


def _prefix_rows(m):
    acc = m
    sh = 1
    while sh < T:
        acc = acc + jnp.pad(acc[:, :T - sh], ((0, 0), (sh, 0)))
        sh *= 2
    return acc



def _router_body(x_ref, gw_ref, tw_ref, pos_ref, bexp_ref):
    lg = _dot_t(gw_ref[...], x_ref[...])
    iota = jax.lax.broadcasted_iota(jnp.int32, (E, T), 0)
    m1 = jnp.max(lg, axis=0, keepdims=True)
    i1 = jnp.min(jnp.where(lg == m1, iota, E), axis=0, keepdims=True)
    masked = jnp.where(iota == i1, -jnp.inf, lg)
    m2 = jnp.max(masked, axis=0, keepdims=True)
    i2 = jnp.min(jnp.where(masked == m2, iota, E), axis=0, keepdims=True)
    d = jnp.exp(m2 - m1)
    w1 = 1.0 / (1.0 + d)
    ti = jnp.concatenate([i1, i2], axis=0)
    tw_ref[...] = jnp.concatenate([w1, 1.0 - w1], axis=0)

    rank = jnp.zeros((2, T), jnp.int32)
    cnt = jnp.zeros((1, E), jnp.int32)
    eiota = jax.lax.broadcasted_iota(jnp.int32, (1, E), 1)
    for e in range(E):
        me = jnp.where(ti == e, 1, 0)
        pre = _prefix_rows(me)
        tot0 = lax.slice(pre, (0, T - 1), (1, T))
        tot1 = lax.slice(pre, (1, T - 1), (2, T))
        carry = jnp.concatenate(
            [jnp.zeros((1, 1), jnp.int32), tot0], axis=0)
        re = pre - me + carry
        rank = rank + me * re
        cnt = cnt + jnp.where(eiota == e, tot0 + tot1, 0)

    nb = lax.shift_right_logical(cnt + (TB - 1), 8)
    blk = lax.shift_left(nb, 8)
    lt = (jax.lax.broadcasted_iota(jnp.int32, (E, E), 0)
          < jax.lax.broadcasted_iota(jnp.int32, (E, E), 1))
    excl = jax.lax.dot_general(
        blk.astype(jnp.float32), lt.astype(jnp.float32),
        (((1,), (0,)), ((), ())),
        preferred_element_type=jnp.float32).astype(jnp.int32)
    nbt = jnp.sum(nb, axis=1, keepdims=True)

    pos = rank
    for e in range(E):
        ex_e = lax.slice(excl, (0, e), (1, e + 1))
        pos = pos + jnp.where(ti == e, ex_e, 0)
    pos_ref[...] = pos

    biota = jax.lax.broadcasted_iota(jnp.int32, (1, 2 * LANES), 1)
    bb = jnp.minimum(biota, nbt - 1)
    acc = jnp.zeros((1, 2 * LANES), jnp.int32)
    exb = lax.shift_right_logical(excl, 8)
    for e in range(E):
        exb_e = lax.slice(exb, (0, e), (1, e + 1))
        acc = acc + jnp.where(bb >= exb_e, 1, 0)
    bexp_ref[...] = jnp.where(biota == NBMAX, nbt, acc - 1)



def _dispatch_body(tok_hbm, pos_hbm, x_hbm, xs_hbm, idx_m, pos_m,
                   rows0, rows1, sg0, sg1, ss0, ss1):
    wid = lax.axis_index("s") * 2 + lax.axis_index("c")
    pltpu.sync_copy(tok_hbm.at[pl.ds(wid * NCHD, NCHD), :], idx_m)
    pltpu.sync_copy(pos_hbm.at[pl.ds(wid * NCHD, NCHD), :], pos_m)
    bufs = (rows0, rows1)
    gsem = (sg0, sg1)
    ssem = (ss0, ss1)
    gd = {}
    sd = {}
    gd[0] = pltpu.async_copy(x_hbm.at[idx_m.at[0]], bufs[0], gsem[0])
    for c in range(NCHD):
        if c + 1 < NCHD:
            if c - 1 >= 0:
                sd[c - 1].wait()
            gd[c + 1] = pltpu.async_copy(
                x_hbm.at[idx_m.at[c + 1]], bufs[(c + 1) % 2],
                gsem[(c + 1) % 2])
        gd[c].wait()
        sd[c] = pltpu.async_copy(bufs[c % 2], xs_hbm.at[pos_m.at[c]],
                                 ssem[c % 2])
    sd[NCHD - 2].wait()
    sd[NCHD - 1].wait()



def _ffn_body(bexp_ref, xs_ref, wg_ref, wu_ref, wd_ref, ys_ref):
    i = pl.program_id(0)

    @pl.when(i < bexp_ref[NBMAX])
    def _do():
        xb = xs_ref[...].astype(jnp.bfloat16)
        g = _dot_t(xb, wg_ref[0])
        u = _dot_t(xb, wu_ref[0])
        h = (g * jax.nn.sigmoid(g) * u).astype(jnp.bfloat16)
        ys_ref[...] = _dot_t(h, wd_ref[0])



def _gather2_body(pos_hbm, ys_hbm, y0_hbm, y1_hbm, idx_m,
                  rows0, rows1, sg0, sg1, ss0, ss1):
    wid = lax.axis_index("s") * 2 + lax.axis_index("c")
    tbase = wid * TPW
    pltpu.sync_copy(pos_hbm.at[pl.ds(2 * wid, 2), :],
                    idx_m.at[pl.ds(0, 2), :])
    pltpu.sync_copy(pos_hbm.at[pl.ds(T // GCH + 2 * wid, 2), :],
                    idx_m.at[pl.ds(2, 2), :])
    dsts = [(c // 2, tbase + (c % 2) * GCH) for c in range(NCHG)]
    outs = (y0_hbm, y1_hbm)
    bufs = (rows0, rows1)
    gsem = (sg0, sg1)
    ssem = (ss0, ss1)
    gd = {}
    sd = {}
    gd[0] = pltpu.async_copy(ys_hbm.at[idx_m.at[0]], bufs[0], gsem[0])
    for c in range(NCHG):
        if c + 1 < NCHG:
            if c - 1 >= 0:
                sd[c - 1].wait()
            gd[c + 1] = pltpu.async_copy(
                ys_hbm.at[idx_m.at[c + 1]], bufs[(c + 1) % 2],
                gsem[(c + 1) % 2])
        gd[c].wait()
        k, off = dsts[c]
        sd[c] = pltpu.async_copy(bufs[c % 2],
                                 outs[k].at[pl.ds(off, GCH), :],
                                 ssem[c % 2])
    sd[NCHG - 2].wait()
    sd[NCHG - 1].wait()



def _shared_combine_body(x_ref, sg_ref, su_ref, sd_ref, segw_ref,
                         y0_ref, y1_ref, w0_ref, w1_ref, out_ref):
    x = x_ref[...]
    xb = x.astype(jnp.bfloat16)
    g = _dot_t(xb, sg_ref[...])
    u = _dot_t(xb, su_ref[...])
    h = (g * jax.nn.sigmoid(g) * u).astype(jnp.bfloat16)
    sh = _dot_t(h, sd_ref[...])
    sgate = jax.nn.sigmoid(_dot_t(x, segw_ref[...]))
    out_ref[...] = (sgate * sh + w0_ref[...] * y0_ref[...]
                    + w1_ref[...] * y1_ref[...])



_SC_MESH = plsc.VectorSubcoreMesh(core_axis_name="c", subcore_axis_name="s",
                                  num_cores=2, num_subcores=16)

_dispatch = functools.partial(
    pl.kernel,
    mesh=_SC_MESH,
    compiler_params=pltpu.CompilerParams(needs_layout_passes=False),
    out_type=jax.ShapeDtypeStruct((NSLOT, HIDDEN), jnp.float32),
    scratch_types=[
        pltpu.VMEM((NCHD, DCH), jnp.int32),
        pltpu.VMEM((NCHD, DCH), jnp.int32),
        pltpu.VMEM((DCH, HIDDEN), jnp.float32),
        pltpu.VMEM((DCH, HIDDEN), jnp.float32),
        pltpu.SemaphoreType.DMA,
        pltpu.SemaphoreType.DMA,
        pltpu.SemaphoreType.DMA,
        pltpu.SemaphoreType.DMA,
    ],
)(_dispatch_body)

_gather2 = functools.partial(
    pl.kernel,
    mesh=_SC_MESH,
    compiler_params=pltpu.CompilerParams(needs_layout_passes=False),
    out_type=[
        jax.ShapeDtypeStruct((T, HIDDEN), jnp.float32),
        jax.ShapeDtypeStruct((T, HIDDEN), jnp.float32),
    ],
    scratch_types=[
        pltpu.VMEM((NCHG, GCH), jnp.int32),
        pltpu.VMEM((GCH, HIDDEN), jnp.float32),
        pltpu.VMEM((GCH, HIDDEN), jnp.float32),
        pltpu.SemaphoreType.DMA,
        pltpu.SemaphoreType.DMA,
        pltpu.SemaphoreType.DMA,
        pltpu.SemaphoreType.DMA,
    ],
)(_gather2_body)


@jax.jit
def kernel(hidden_states, gate_w, Wg, Wu, Wd, Sg, Su, Sd, seg_w):
    bsz, s, d = hidden_states.shape
    x = hidden_states.reshape(bsz * s, d)

    tw, pos, bexp = pl.pallas_call(
        _router_body,
        in_specs=[
            pl.BlockSpec((T, HIDDEN), lambda: (0, 0)),
            pl.BlockSpec((E, HIDDEN), lambda: (0, 0)),
        ],
        out_specs=[
            pl.BlockSpec((2, T), lambda: (0, 0)),
            pl.BlockSpec((2, T), lambda: (0, 0)),
            pl.BlockSpec((1, 2 * LANES), lambda: (0, 0)),
        ],
        out_shape=[
            jax.ShapeDtypeStruct((2, T), jnp.float32),
            jax.ShapeDtypeStruct((2, T), jnp.int32),
            jax.ShapeDtypeStruct((1, 2 * LANES), jnp.int32),
        ],
    )(x, gate_w)

    tok2d = jnp.tile(jnp.arange(T, dtype=jnp.int32), 2).reshape(
        TK // DCH, DCH)
    xs = _dispatch(tok2d, pos.reshape(TK // DCH, DCH), x)

    ys = pl.pallas_call(
        _ffn_body,
        grid_spec=pltpu.PrefetchScalarGridSpec(
            num_scalar_prefetch=1,
            grid=(NBMAX,),
            in_specs=[
                pl.BlockSpec((TB, HIDDEN),
                             lambda i, be: (jnp.minimum(i, be[NBMAX] - 1), 0)),
                pl.BlockSpec((1, MOE_FF, HIDDEN), lambda i, be: (be[i], 0, 0)),
                pl.BlockSpec((1, MOE_FF, HIDDEN), lambda i, be: (be[i], 0, 0)),
                pl.BlockSpec((1, HIDDEN, MOE_FF), lambda i, be: (be[i], 0, 0)),
            ],
            out_specs=pl.BlockSpec(
                (TB, HIDDEN), lambda i, be: (jnp.minimum(i, be[NBMAX] - 1), 0)),
        ),
        out_shape=jax.ShapeDtypeStruct((NSLOT, HIDDEN), jnp.float32),
        compiler_params=pltpu.CompilerParams(
            dimension_semantics=("arbitrary",)),
    )(bexp.reshape(2 * LANES), xs, Wg.astype(jnp.bfloat16),
      Wu.astype(jnp.bfloat16), Wd.astype(jnp.bfloat16))

    y0, y1 = _gather2(pos.reshape(TK // GCH, GCH), ys)

    out = pl.pallas_call(
        _shared_combine_body,
        grid=(T // TBS,),
        in_specs=[
            pl.BlockSpec((TBS, HIDDEN), lambda i: (i, 0)),
            pl.BlockSpec((SHARED_FF, HIDDEN), lambda i: (0, 0)),
            pl.BlockSpec((SHARED_FF, HIDDEN), lambda i: (0, 0)),
            pl.BlockSpec((HIDDEN, SHARED_FF), lambda i: (0, 0)),
            pl.BlockSpec((1, HIDDEN), lambda i: (0, 0)),
            pl.BlockSpec((TBS, HIDDEN), lambda i: (i, 0)),
            pl.BlockSpec((TBS, HIDDEN), lambda i: (i, 0)),
            pl.BlockSpec((TBS, 1), lambda i: (i, 0)),
            pl.BlockSpec((TBS, 1), lambda i: (i, 0)),
        ],
        out_specs=pl.BlockSpec((TBS, HIDDEN), lambda i: (i, 0)),
        out_shape=jax.ShapeDtypeStruct((T, HIDDEN), jnp.float32),
    )(x, Sg.astype(jnp.bfloat16), Su.astype(jnp.bfloat16),
      Sd.astype(jnp.bfloat16), seg_w,
      y0, y1, tw[0].reshape(T, 1), tw[1].reshape(T, 1))

    return out.reshape(bsz, s, d)

# --- scband reference (transcript-rebuilt; emitter-appended) ---
"""Pipeline reference for scband-qwen3-next-sparse-moe-block-24687472017510 (READ-ONLY COPY).

The authoritative reference and input builder live on the scoring server;
editing this copy changes nothing except your own understanding.
"""

import jax, jax.numpy as jnp
import numpy as np

HIDDEN = 1024
MOE_FF = 512
SHARED_FF = 1024
E = 8
TOP_K = 2
B, S = 1, 2048


def _silu(x):
    return x * jax.nn.sigmoid(x)


def setup_inputs(seed: int = 0) -> dict:
    key = jax.random.key(seed)
    ks = jax.random.split(key, 9)
    inp = {
        "hidden_states": jax.random.normal(ks[0], (B, S, HIDDEN), dtype=jnp.float32),
        "gate_w": jax.random.normal(ks[1], (E, HIDDEN), dtype=jnp.float32) * 0.02,
        "Wg": jax.random.normal(ks[2], (E, MOE_FF, HIDDEN), dtype=jnp.float32) * 0.02,
        "Wu": jax.random.normal(ks[3], (E, MOE_FF, HIDDEN), dtype=jnp.float32) * 0.02,
        "Wd": jax.random.normal(ks[4], (E, HIDDEN, MOE_FF), dtype=jnp.float32) * 0.02,
        "Sg": jax.random.normal(ks[5], (SHARED_FF, HIDDEN), dtype=jnp.float32) * 0.02,
        "Su": jax.random.normal(ks[6], (SHARED_FF, HIDDEN), dtype=jnp.float32) * 0.02,
        "Sd": jax.random.normal(ks[7], (HIDDEN, SHARED_FF), dtype=jnp.float32) * 0.02,
        "seg_w": jax.random.normal(ks[8], (1, HIDDEN), dtype=jnp.float32) * 0.02,
    }
    return inp


def reference(hidden_states, gate_w, Wg, Wu, Wd, Sg, Su, Sd, seg_w):
    b, s, d = hidden_states.shape
    x = hidden_states.reshape(b * s, d)
    # shared expert MLP (SwiGLU)
    shared = (_silu(x @ Sg.T) * (x @ Su.T)) @ Sd.T
    # router: softmax in float32, top-k, renormalize (norm_topk_prob=True)
    logits = x @ gate_w.T
    probs = jax.nn.softmax(logits.astype(jnp.float32), axis=-1)
    topw, topi = jax.lax.top_k(probs, TOP_K)
    topw = topw / jnp.sum(topw, axis=-1, keepdims=True)
    topw = topw.astype(x.dtype)
    t = x.shape[0]
    # scatter top-k weights into a dense [tokens, E] matrix; equals the
    # index_add_ dispatch in the torch reference (zero weight => zero contribution)
    dense_w = jnp.zeros((t, E), dtype=x.dtype).at[jnp.arange(t)[:, None], topi].add(topw)
    # per-expert SwiGLU applied to all tokens, combined with dense routing weights
    g = jnp.einsum('td,efd->tef', x, Wg)
    u = jnp.einsum('td,efd->tef', x, Wu)
    h = _silu(g) * u
    eo = jnp.einsum('tef,edf->ted', h, Wd)
    expert_out = jnp.einsum('te,ted->td', dense_w, eo)
    # shared expert gate
    sgate = jax.nn.sigmoid(x @ seg_w.T)
    out = expert_out + sgate * shared
    return out.reshape(b, s, d)

if __name__ == "__main__":
    import jax
    _d = setup_inputs()
    print(jax.jit(kernel)(*tuple(_d.values())))

</pallas_src>

<mosaic_0001>
#map = affine_map<(d0, d1) -> (0, 0)>
module attributes {stable_mosaic.version = 14 : i64} {
  func.func @_gather2_body(%arg0: i32, %arg1: i32, %arg2: memref<128x32xi32, #tpu.memory_space<hbm>>, %arg3: memref<5888x1024xf32, #tpu.memory_space<hbm>>, %arg4: memref<2048x1024xf32, #tpu.memory_space<hbm>>, %arg5: memref<2048x1024xf32, #tpu.memory_space<hbm>>, %arg6: memref<4x32xi32, #tpu.memory_space<vmem>>, %arg7: memref<32x1024xf32, #tpu.memory_space<vmem>>, %arg8: memref<32x1024xf32, #tpu.memory_space<vmem>>, %arg9: memref<!tpu.dma_semaphore, #tpu.memory_space<semaphore_mem>>, %arg10: memref<!tpu.dma_semaphore, #tpu.memory_space<semaphore_mem>>, %arg11: memref<!tpu.dma_semaphore, #tpu.memory_space<semaphore_mem>>, %arg12: memref<!tpu.dma_semaphore, #tpu.memory_space<semaphore_mem>>) attributes {dimension_semantics = [#tpu.dimension_semantics<core_parallel>, #tpu.dimension_semantics<subcore_parallel>], iteration_bounds = array<i64: 2, 16>, scalar_prefetch = 0 : i64, scratch_operands = 7 : i64, tpu.core_type = #tpu.core_type<sc_vector_subcore>, window_params = [{transform_indices = #map}, {transform_indices = #map}, {transform_indices = #map}, {transform_indices = #map}]} {
    %mul3A = arith.constant 2 : i32
    %mul3A_0 = arith.muli %arg1, %mul3A : i32
    %add3A = arith.addi %mul3A_0, %arg0 : i32
    %mul3A_1 = arith.constant 64 : i32
    %mul3A_2 = arith.muli %add3A, %mul3A_1 : i32
    %mul3A_3 = arith.constant 2 : i32
    %mul3A_4 = arith.muli %mul3A_3, %add3A : i32
    "tpu.region"() ({
      %run_scoped3A = tpu.sem_alloc : memref<!tpu.dma_semaphore, #tpu.memory_space<semaphore_mem>>
      %dma_start3A_103 = arith.constant 0 : i32
      %dma_start3A_104 = arith.constant 0 : i32
      %dma_start3A_105 = tpu.memref_slice %arg6[%dma_start3A_103, %dma_start3A_104] : memref<4x32xi32, #tpu.memory_space<vmem>> -> memref<2x32xi32, #tpu.memory_space<vmem>>
      %dma_start3A_106 = arith.constant 0 : i32
      %dma_start3A_107 = tpu.memref_slice %arg2[%mul3A_4, %dma_start3A_106] : memref<128x32xi32, #tpu.memory_space<hbm>> -> memref<2x32xi32, #tpu.memory_space<hbm>>
      %dma_start3A_108 = arith.constant 0 : i32
      %dma_start3A_109 = arith.constant 0 : i32
      %dma_start3A_110 = tpu.memref_slice %arg6[%dma_start3A_108, %dma_start3A_109] : memref<4x32xi32, #tpu.memory_space<vmem>> -> memref<2x32xi32, #tpu.memory_space<vmem>>
      %dma_start3A_111 = arith.constant 0 : i32
      %dma_start3A_112 = tpu.memref_slice %arg2[%mul3A_4, %dma_start3A_111] : memref<128x32xi32, #tpu.memory_space<hbm>> -> memref<2x32xi32, #tpu.memory_space<hbm>>
      tpu.enqueue_dma source(%dma_start3A_112 : memref<2x32xi32, #tpu.memory_space<hbm>>) target(%dma_start3A_110 : memref<2x32xi32, #tpu.memory_space<vmem>>) target_semaphore(%run_scoped3A : memref<!tpu.dma_semaphore, #tpu.memory_space<semaphore_mem>>)
      %dma_wait3A_113 = arith.constant 0 : i32
      %dma_wait3A_114 = arith.constant 0 : i32
      %dma_wait3A_115 = tpu.memref_slice %arg6[%dma_wait3A_113, %dma_wait3A_114] : memref<4x32xi32, #tpu.memory_space<vmem>> -> memref<2x32xi32, #tpu.memory_space<vmem>>
      %dma_wait3A_116 = arith.constant 0 : i32
      %dma_wait3A_117 = tpu.memref_slice %arg2[%mul3A_4, %dma_wait3A_116] : memref<128x32xi32, #tpu.memory_space<hbm>> -> memref<2x32xi32, #tpu.memory_space<hbm>>
      %dma_wait3A_118 = arith.constant 0 : i32
      %dma_wait3A_119 = arith.constant 0 : i32
      %dma_wait3A_120 = tpu.memref_slice %arg6[%dma_wait3A_118, %dma_wait3A_119] : memref<4x32xi32, #tpu.memory_space<vmem>> -> memref<2x32xi32, #tpu.memory_space<vmem>>
      %dma_wait3A_121 = arith.constant 0 : i32
      %dma_wait3A_122 = tpu.memref_slice %arg2[%mul3A_4, %dma_wait3A_121] : memref<128x32xi32, #tpu.memory_space<hbm>> -> memref<2x32xi32, #tpu.memory_space<hbm>>
      tpu.wait_dma2 semaphore(%run_scoped3A : memref<!tpu.dma_semaphore, #tpu.memory_space<semaphore_mem>>) src(%dma_wait3A_122 : memref<2x32xi32, #tpu.memory_space<hbm>>) dst(%dma_wait3A_120 : memref<2x32xi32, #tpu.memory_space<vmem>>)
      tpu.yield
    }) : () -> ()
    %mul3A_5 = arith.constant 2 : i32
    %mul3A_6 = arith.muli %mul3A_5, %add3A : i32
    %add3A_7 = arith.constant 64 : i32
    %add3A_8 = arith.addi %add3A_7, %mul3A_6 : i32
    "tpu.region"() ({
      %run_scoped3A = tpu.sem_alloc : memref<!tpu.dma_semaphore, #tpu.memory_space<semaphore_mem>>
      %dma_start3A_103 = arith.constant 2 : i32
      %dma_start3A_104 = arith.constant 0 : i32
      %dma_start3A_105 = tpu.memref_slice %arg6[%dma_start3A_103, %dma_start3A_104] : memref<4x32xi32, #tpu.memory_space<vmem>> -> memref<2x32xi32, #tpu.memory_space<vmem>>
      %dma_start3A_106 = arith.constant 0 : i32
      %dma_start3A_107 = tpu.memref_slice %arg2[%add3A_8, %dma_start3A_106] : memref<128x32xi32, #tpu.memory_space<hbm>> -> memref<2x32xi32, #tpu.memory_space<hbm>>
      %dma_start3A_108 = arith.constant 2 : i32
      %dma_start3A_109 = arith.constant 0 : i32
      %dma_start3A_110 = tpu.memref_slice %arg6[%dma_start3A_108, %dma_start3A_109] : memref<4x32xi32, #tpu.memory_space<vmem>> -> memref<2x32xi32, #tpu.memory_space<vmem>>
      %dma_start3A_111 = arith.constant 0 : i32
      %dma_start3A_112 = tpu.memref_slice %arg2[%add3A_8, %dma_start3A_111] : memref<128x32xi32, #tpu.memory_space<hbm>> -> memref<2x32xi32, #tpu.memory_space<hbm>>
      tpu.enqueue_dma source(%dma_start3A_112 : memref<2x32xi32, #tpu.memory_space<hbm>>) target(%dma_start3A_110 : memref<2x32xi32, #tpu.memory_space<vmem>>) target_semaphore(%run_scoped3A : memref<!tpu.dma_semaphore, #tpu.memory_space<semaphore_mem>>)
      %dma_wait3A_113 = arith.constant 2 : i32
      %dma_wait3A_114 = arith.constant 0 : i32
      %dma_wait3A_115 = tpu.memref_slice %arg6[%dma_wait3A_113, %dma_wait3A_114] : memref<4x32xi32, #tpu.memory_space<vmem>> -> memref<2x32xi32, #tpu.memory_space<vmem>>
      %dma_wait3A_116 = arith.constant 0 : i32
      %dma_wait3A_117 = tpu.memref_slice %arg2[%add3A_8, %dma_wait3A_116] : memref<128x32xi32, #tpu.memory_space<hbm>> -> memref<2x32xi32, #tpu.memory_space<hbm>>
      %dma_wait3A_118 = arith.constant 2 : i32
      %dma_wait3A_119 = arith.constant 0 : i32
      %dma_wait3A_120 = tpu.memref_slice %arg6[%dma_wait3A_118, %dma_wait3A_119] : memref<4x32xi32, #tpu.memory_space<vmem>> -> memref<2x32xi32, #tpu.memory_space<vmem>>
      %dma_wait3A_121 = arith.constant 0 : i32
      %dma_wait3A_122 = tpu.memref_slice %arg2[%add3A_8, %dma_wait3A_121] : memref<128x32xi32, #tpu.memory_space<hbm>> -> memref<2x32xi32, #tpu.memory_space<hbm>>
      tpu.wait_dma2 semaphore(%run_scoped3A : memref<!tpu.dma_semaphore, #tpu.memory_space<semaphore_mem>>) src(%dma_wait3A_122 : memref<2x32xi32, #tpu.memory_space<hbm>>) dst(%dma_wait3A_120 : memref<2x32xi32, #tpu.memory_space<vmem>>)
      tpu.yield
    }) : () -> ()
    %add3A_9 = arith.constant 0 : i32
    %add3A_10 = arith.addi %mul3A_2, %add3A_9 : i32
    %add3A_11 = arith.constant 32 : i32
    %add3A_12 = arith.addi %mul3A_2, %add3A_11 : i32
    %add3A_13 = arith.constant 0 : i32
    %add3A_14 = arith.addi %mul3A_2, %add3A_13 : i32
    %add3A_15 = arith.constant 32 : i32
    %add3A_16 = arith.addi %mul3A_2, %add3A_15 : i32
    %dma_start3A = arith.constant 0 : i32
    %dma_start3A_17 = arith.constant 0 : i32
    %dma_start3A_18 = tpu.memref_slice %arg6[%dma_start3A, %dma_start3A_17] : memref<4x32xi32, #tpu.memory_space<vmem>> -> memref<1x32xi32, #tpu.memory_space<vmem>>
    %dma_start3A_19 = tpu.memref_squeeze %dma_start3A_18 : memref<1x32xi32, #tpu.memory_space<vmem>> -> memref<32xi32, #tpu.memory_space<vmem>>
    %dma_start3A_20 = arith.constant 0 : i32
    %dma_start3A_21 = arith.constant 0 : i32
    %dma_start3A_22 = tpu.memref_slice %arg3[%dma_start3A_20, %dma_start3A_21] : memref<5888x1024xf32, #tpu.memory_space<hbm>> -> memref<5888x1024xf32, #tpu.memory_space<hbm>>
    tpu.enqueue_indirect_dma source(%dma_start3A_22 : memref<5888x1024xf32, #tpu.memory_space<hbm>>) target(%arg7 : memref<32x1024xf32, #tpu.memory_space<vmem>>) offsets(%dma_start3A_19 : memref<32xi32, #tpu.memory_space<vmem>>) semaphore(%arg9 : memref<!tpu.dma_semaphore, #tpu.memory_space<semaphore_mem>>)
    %dma_start3A_23 = arith.constant 1 : i32
    %dma_start3A_24 = arith.constant 0 : i32
    %dma_start3A_25 = tpu.memref_slice %arg6[%dma_start3A_23, %dma_start3A_24] : memref<4x32xi32, #tpu.memory_space<vmem>> -> memref<1x32xi32, #tpu.memory_space<vmem>>
    %dma_start3A_26 = tpu.memref_squeeze %dma_start3A_25 : memref<1x32xi32, #tpu.memory_space<vmem>> -> memref<32xi32, #tpu.memory_space<vmem>>
    %dma_start3A_27 = arith.constant 0 : i32
    %dma_start3A_28 = arith.constant 0 : i32
    %dma_start3A_29 = tpu.memref_slice %arg3[%dma_start3A_27, %dma_start3A_28] : memref<5888x1024xf32, #tpu.memory_space<hbm>> -> memref<5888x1024xf32, #tpu.memory_space<hbm>>
    tpu.enqueue_indirect_dma source(%dma_start3A_29 : memref<5888x1024xf32, #tpu.memory_space<hbm>>) target(%arg8 : memref<32x1024xf32, #tpu.memory_space<vmem>>) offsets(%dma_start3A_26 : memref<32xi32, #tpu.memory_space<vmem>>) semaphore(%arg10 : memref<!tpu.dma_semaphore, #tpu.memory_space<semaphore_mem>>)
    %dma_wait3A = arith.constant 0 : i32
    %dma_wait3A_30 = arith.constant 0 : i32
    %dma_wait3A_31 = tpu.memref_slice %arg6[%dma_wait3A, %dma_wait3A_30] : memref<4x32xi32, #tpu.memory_space<vmem>> -> memref<1x32xi32, #tpu.memory_space<vmem>>
    %dma_wait3A_32 = tpu.memref_squeeze %dma_wait3A_31 : memref<1x32xi32, #tpu.memory_space<vmem>> -> memref<32xi32, #tpu.memory_space<vmem>>
    %dma_wait3A_33 = arith.constant 0 : i32
    %dma_wait3A_34 = arith.constant 0 : i32
    %dma_wait3A_35 = tpu.memref_slice %arg3[%dma_wait3A_33, %dma_wait3A_34] : memref<5888x1024xf32, #tpu.memory_space<hbm>> -> memref<5888x1024xf32, #tpu.memory_space<hbm>>
    tpu.wait_indirect_dma semaphore(%arg9 : memref<!tpu.dma_semaphore, #tpu.memory_space<semaphore_mem>>) src(%dma_wait3A_35 : memref<5888x1024xf32, #tpu.memory_space<hbm>>) dst(%arg7 : memref<32x1024xf32, #tpu.memory_space<vmem>>)
    %dma_start3A_36 = arith.constant 0 : i32
    %dma_start3A_37 = tpu.memref_slice %arg4[%add3A_10, %dma_start3A_36] : memref<2048x1024xf32, #tpu.memory_space<hbm>> -> memref<32x1024xf32, #tpu.memory_space<hbm>>
    %dma_start3A_38 = arith.constant 0 : i32
    %dma_start3A_39 = tpu.memref_slice %arg4[%add3A_10, %dma_start3A_38] : memref<2048x1024xf32, #tpu.memory_space<hbm>> -> memref<32x1024xf32, #tpu.memory_space<hbm>>
    tpu.enqueue_dma source(%arg7 : memref<32x1024xf32, #tpu.memory_space<vmem>>) target(%dma_start3A_39 : memref<32x1024xf32, #tpu.memory_space<hbm>>) target_semaphore(%arg11 : memref<!tpu.dma_semaphore, #tpu.memory_space<semaphore_mem>>)
    %dma_wait3A_40 = arith.constant 0 : i32
    %dma_wait3A_41 = tpu.memref_slice %arg4[%add3A_10, %dma_wait3A_40] : memref<2048x1024xf32, #tpu.memory_space<hbm>> -> memref<32x1024xf32, #tpu.memory_space<hbm>>
    %dma_wait3A_42 = arith.constant 0 : i32
    %dma_wait3A_43 = tpu.memref_slice %arg4[%add3A_10, %dma_wait3A_42] : memref<2048x1024xf32, #tpu.memory_space<hbm>> -> memref<32x1024xf32, #tpu.memory_space<hbm>>
    tpu.wait_dma2 semaphore(%arg11 : memref<!tpu.dma_semaphore, #tpu.memory_space<semaphore_mem>>) src(%arg7 : memref<32x1024xf32, #tpu.memory_space<vmem>>) dst(%dma_wait3A_43 : memref<32x1024xf32, #tpu.memory_space<hbm>>)
    %dma_start3A_44 = arith.constant 2 : i32
    %dma_start3A_45 = arith.constant 0 : i32
    %dma_start3A_46 = tpu.memref_slice %arg6[%dma_start3A_44, %dma_start3A_45] : memref<4x32xi32, #tpu.memory_space<vmem>> -> memref<1x32xi32, #tpu.memory_space<vmem>>
    %dma_start3A_47 = tpu.memref_squeeze %dma_start3A_46 : memref<1x32xi32, #tpu.memory_space<vmem>> -> memref<32xi32, #tpu.memory_space<vmem>>
    %dma_start3A_48 = arith.constant 0 : i32
    %dma_start3A_49 = arith.constant 0 : i32
    %dma_start3A_50 = tpu.memref_slice %arg3[%dma_start3A_48, %dma_start3A_49] : memref<5888x1024xf32, #tpu.memory_space<hbm>> -> memref<5888x1024xf32, #tpu.memory_space<hbm>>
    tpu.enqueue_indirect_dma source(%dma_start3A_50 : memref<5888x1024xf32, #tpu.memory_space<hbm>>) target(%arg7 : memref<32x1024xf32, #tpu.memory_space<vmem>>) offsets(%dma_start3A_47 : memref<32xi32, #tpu.memory_space<vmem>>) semaphore(%arg9 : memref<!tpu.dma_semaphore, #tpu.memory_space<semaphore_mem>>)
    %dma_wait3A_51 = arith.constant 1 : i32
    %dma_wait3A_52 = arith.constant 0 : i32
    %dma_wait3A_53 = tpu.memref_slice %arg6[%dma_wait3A_51, %dma_wait3A_52] : memref<4x32xi32, #tpu.memory_space<vmem>> -> memref<1x32xi32, #tpu.memory_space<vmem>>
    %dma_wait3A_54 = tpu.memref_squeeze %dma_wait3A_53 : memref<1x32xi32, #tpu.memory_space<vmem>> -> memref<32xi32, #tpu.memory_space<vmem>>
    %dma_wait3A_55 = arith.constant 0 : i32
    %dma_wait3A_56 = arith.constant 0 : i32
    %dma_wait3A_57 = tpu.memref_slice %arg3[%dma_wait3A_55, %dma_wait3A_56] : memref<5888x1024xf32, #tpu.memory_space<hbm>> -> memref<5888x1024xf32, #tpu.memory_space<hbm>>
    tpu.wait_indirect_dma semaphore(%arg10 : memref<!tpu.dma_semaphore, #tpu.memory_space<semaphore_mem>>) src(%dma_wait3A_57 : memref<5888x1024xf32, #tpu.memory_space<hbm>>) dst(%arg8 : memref<32x1024xf32, #tpu.memory_space<vmem>>)
    %dma_start3A_58 = arith.constant 0 : i32
    %dma_start3A_59 = tpu.memref_slice %arg4[%add3A_12, %dma_start3A_58] : memref<2048x1024xf32, #tpu.memory_space<hbm>> -> memref<32x1024xf32, #tpu.memory_space<hbm>>
    %dma_start3A_60 = arith.constant 0 : i32
    %dma_start3A_61 = tpu.memref_slice %arg4[%add3A_12, %dma_start3A_60] : memref<2048x1024xf32, #tpu.memory_space<hbm>> -> memref<32x1024xf32, #tpu.memory_space<hbm>>
    tpu.enqueue_dma source(%arg8 : memref<32x1024xf32, #tpu.memory_space<vmem>>) target(%dma_start3A_61 : memref<32x1024xf32, #tpu.memory_space<hbm>>) target_semaphore(%arg12 : memref<!tpu.dma_semaphore, #tpu.memory_space<semaphore_mem>>)
    %dma_wait3A_62 = arith.constant 0 : i32
    %dma_wait3A_63 = tpu.memref_slice %arg4[%add3A_12, %dma_wait3A_62] : memref<2048x1024xf32, #tpu.memory_space<hbm>> -> memref<32x1024xf32, #tpu.memory_space<hbm>>
    %dma_wait3A_64 = arith.constant 0 : i32
    %dma_wait3A_65 = tpu.memref_slice %arg4[%add3A_12, %dma_wait3A_64] : memref<2048x1024xf32, #tpu.memory_space<hbm>> -> memref<32x1024xf32, #tpu.memory_space<hbm>>
    tpu.wait_dma2 semaphore(%arg12 : memref<!tpu.dma_semaphore, #tpu.memory_space<semaphore_mem>>) src(%arg8 : memref<32x1024xf32, #tpu.memory_space<vmem>>) dst(%dma_wait3A_65 : memref<32x1024xf32, #tpu.memory_space<hbm>>)
    %dma_start3A_66 = arith.constant 3 : i32
    %dma_start3A_67 = arith.constant 0 : i32
    %dma_start3A_68 = tpu.memref_slice %arg6[%dma_start3A_66, %dma_start3A_67] : memref<4x32xi32, #tpu.memory_space<vmem>> -> memref<1x32xi32, #tpu.memory_space<vmem>>
    %dma_start3A_69 = tpu.memref_squeeze %dma_start3A_68 : memref<1x32xi32, #tpu.memory_space<vmem>> -> memref<32xi32, #tpu.memory_space<vmem>>
    %dma_start3A_70 = arith.constant 0 : i32
    %dma_start3A_71 = arith.constant 0 : i32
    %dma_start3A_72 = tpu.memref_slice %arg3[%dma_start3A_70, %dma_start3A_71] : memref<5888x1024xf32, #tpu.memory_space<hbm>> -> memref<5888x1024xf32, #tpu.memory_space<hbm>>
    tpu.enqueue_indirect_dma source(%dma_start3A_72 : memref<5888x1024xf32, #tpu.memory_space<hbm>>) target(%arg8 : memref<32x1024xf32, #tpu.memory_space<vmem>>) offsets(%dma_start3A_69 : memref<32xi32, #tpu.memory_space<vmem>>) semaphore(%arg10 : memref<!tpu.dma_semaphore, #tpu.memory_space<semaphore_mem>>)
    %dma_wait3A_73 = arith.constant 2 : i32
    %dma_wait3A_74 = arith.constant 0 : i32
    %dma_wait3A_75 = tpu.memref_slice %arg6[%dma_wait3A_73, %dma_wait3A_74] : memref<4x32xi32, #tpu.memory_space<vmem>> -> memref<1x32xi32, #tpu.memory_space<vmem>>
    %dma_wait3A_76 = tpu.memref_squeeze %dma_wait3A_75 : memref<1x32xi32, #tpu.memory_space<vmem>> -> memref<32xi32, #tpu.memory_space<vmem>>
    %dma_wait3A_77 = arith.constant 0 : i32
    %dma_wait3A_78 = arith.constant 0 : i32
    %dma_wait3A_79 = tpu.memref_slice %arg3[%dma_wait3A_77, %dma_wait3A_78] : memref<5888x1024xf32, #tpu.memory_space<hbm>> -> memref<5888x1024xf32, #tpu.memory_space<hbm>>
    tpu.wait_indirect_dma semaphore(%arg9 : memref<!tpu.dma_semaphore, #tpu.memory_space<semaphore_mem>>) src(%dma_wait3A_79 : memref<5888x1024xf32, #tpu.memory_space<hbm>>) dst(%arg7 : memref<32x1024xf32, #tpu.memory_space<vmem>>)
    %dma_start3A_80 = arith.constant 0 : i32
    %dma_start3A_81 = tpu.memref_slice %arg5[%add3A_14, %dma_start3A_80] : memref<2048x1024xf32, #tpu.memory_space<hbm>> -> memref<32x1024xf32, #tpu.memory_space<hbm>>
    %dma_start3A_82 = arith.constant 0 : i32
    %dma_start3A_83 = tpu.memref_slice %arg5[%add3A_14, %dma_start3A_82] : memref<2048x1024xf32, #tpu.memory_space<hbm>> -> memref<32x1024xf32, #tpu.memory_space<hbm>>
    tpu.enqueue_dma source(%arg7 : memref<32x1024xf32, #tpu.memory_space<vmem>>) target(%dma_start3A_83 : memref<32x1024xf32, #tpu.memory_space<hbm>>) target_semaphore(%arg11 : memref<!tpu.dma_semaphore, #tpu.memory_space<semaphore_mem>>)
    %dma_wait3A_84 = arith.constant 3 : i32
    %dma_wait3A_85 = arith.constant 0 : i32
    %dma_wait3A_86 = tpu.memref_slice %arg6[%dma_wait3A_84, %dma_wait3A_85] : memref<4x32xi32, #tpu.memory_space<vmem>> -> memref<1x32xi32, #tpu.memory_space<vmem>>
    %dma_wait3A_87 = tpu.memref_squeeze %dma_wait3A_86 : memref<1x32xi32, #tpu.memory_space<vmem>> -> memref<32xi32, #tpu.memory_space<vmem>>
    %dma_wait3A_88 = arith.constant 0 : i32
    %dma_wait3A_89 = arith.constant 0 : i32
    %dma_wait3A_90 = tpu.memref_slice %arg3[%dma_wait3A_88, %dma_wait3A_89] : memref<5888x1024xf32, #tpu.memory_space<hbm>> -> memref<5888x1024xf32, #tpu.memory_space<hbm>>
    tpu.wait_indirect_dma semaphore(%arg10 : memref<!tpu.dma_semaphore, #tpu.memory_space<semaphore_mem>>) src(%dma_wait3A_90 : memref<5888x1024xf32, #tpu.memory_space<hbm>>) dst(%arg8 : memref<32x1024xf32, #tpu.memory_space<vmem>>)
    %dma_start3A_91 = arith.constant 0 : i32
    %dma_start3A_92 = tpu.memref_slice %arg5[%add3A_16, %dma_start3A_91] : memref<2048x1024xf32, #tpu.memory_space<hbm>> -> memref<32x1024xf32, #tpu.memory_space<hbm>>
    %dma_start3A_93 = arith.constant 0 : i32
    %dma_start3A_94 = tpu.memref_slice %arg5[%add3A_16, %dma_start3A_93] : memref<2048x1024xf32, #tpu.memory_space<hbm>> -> memref<32x1024xf32, #tpu.memory_space<hbm>>
    tpu.enqueue_dma source(%arg8 : memref<32x1024xf32, #tpu.memory_space<vmem>>) target(%dma_start3A_94 : memref<32x1024xf32, #tpu.memory_space<hbm>>) target_semaphore(%arg12 : memref<!tpu.dma_semaphore, #tpu.memory_space<semaphore_mem>>)
    %dma_wait3A_95 = arith.constant 0 : i32
    %dma_wait3A_96 = tpu.memref_slice %arg5[%add3A_14, %dma_wait3A_95] : memref<2048x1024xf32, #tpu.memory_space<hbm>> -> memref<32x1024xf32, #tpu.memory_space<hbm>>
    %dma_wait3A_97 = arith.constant 0 : i32
    %dma_wait3A_98 = tpu.memref_slice %arg5[%add3A_14, %dma_wait3A_97] : memref<2048x1024xf32, #tpu.memory_space<hbm>> -> memref<32x1024xf32, #tpu.memory_space<hbm>>
    tpu.wait_dma2 semaphore(%arg11 : memref<!tpu.dma_semaphore, #tpu.memory_space<semaphore_mem>>) src(%arg7 : memref<32x1024xf32, #tpu.memory_space<vmem>>) dst(%dma_wait3A_98 : memref<32x1024xf32, #tpu.memory_space<hbm>>)
    %dma_wait3A_99 = arith.constant 0 : i32
    %dma_wait3A_100 = tpu.memref_slice %arg5[%add3A_16, %dma_wait3A_99] : memref<2048x1024xf32, #tpu.memory_space<hbm>> -> memref<32x1024xf32, #tpu.memory_space<hbm>>
    %dma_wait3A_101 = arith.constant 0 : i32
    %dma_wait3A_102 = tpu.memref_slice %arg5[%add3A_16, %dma_wait3A_101] : memref<2048x1024xf32, #tpu.memory_space<hbm>> -> memref<32x1024xf32, #tpu.memory_space<hbm>>
    tpu.wait_dma2 semaphore(%arg12 : memref<!tpu.dma_semaphore, #tpu.memory_space<semaphore_mem>>) src(%arg8 : memref<32x1024xf32, #tpu.memory_space<vmem>>) dst(%dma_wait3A_102 : memref<32x1024xf32, #tpu.memory_space<hbm>>)
    return
  }
}

#map = affine_map<(d0, d1) -> (0, 0)>
module attributes {stable_mosaic.version = 14 : i64} {
  func.func @_dispatch_body(%arg0: i32, %arg1: i32, %arg2: memref<128x32xi32, #tpu.memory_space<hbm>>, %arg3: memref<128x32xi32, #tpu.memory_space<hbm>>, %arg4: memref<2048x1024xf32, #tpu.memory_space<hbm>>, %arg5: memref<5888x1024xf32, #tpu.memory_space<hbm>>, %arg6: memref<4x32xi32, #tpu.memory_space<vmem>>, %arg7: memref<4x32xi32, #tpu.memory_space<vmem>>, %arg8: memref<32x1024xf32, #tpu.memory_space<vmem>>, %arg9: memref<32x1024xf32, #tpu.memory_space<vmem>>, %arg10: memref<!tpu.dma_semaphore, #tpu.memory_space<semaphore_mem>>, %arg11: memref<!tpu.dma_semaphore, #tpu.memory_space<semaphore_mem>>, %arg12: memref<!tpu.dma_semaphore, #tpu.memory_space<semaphore_mem>>, %arg13: memref<!tpu.dma_semaphore, #tpu.memory_space<semaphore_mem>>) attributes {dimension_semantics = [#tpu.dimension_semantics<core_parallel>, #tpu.dimension_semantics<subcore_parallel>], iteration_bounds = array<i64: 2, 16>, scalar_prefetch = 0 : i64, scratch_operands = 8 : i64, tpu.core_type = #tpu.core_type<sc_vector_subcore>, window_params = [{transform_indices = #map}, {transform_indices = #map}, {transform_indices = #map}, {transform_indices = #map}]} {
    %mul3A = arith.constant 2 : i32
    %mul3A_0 = arith.muli %arg1, %mul3A : i32
    %add3A = arith.addi %mul3A_0, %arg0 : i32
    %mul3A_1 = arith.constant 4 : i32
    %mul3A_2 = arith.muli %add3A, %mul3A_1 : i32
    "tpu.region"() ({
      %run_scoped3A = tpu.sem_alloc : memref<!tpu.dma_semaphore, #tpu.memory_space<semaphore_mem>>
      %dma_start3A_115 = arith.constant 0 : i32
      %dma_start3A_116 = tpu.memref_slice %arg2[%mul3A_2, %dma_start3A_115] : memref<128x32xi32, #tpu.memory_space<hbm>> -> memref<4x32xi32, #tpu.memory_space<hbm>>
      %dma_start3A_117 = arith.constant 0 : i32
      %dma_start3A_118 = tpu.memref_slice %arg2[%mul3A_2, %dma_start3A_117] : memref<128x32xi32, #tpu.memory_space<hbm>> -> memref<4x32xi32, #tpu.memory_space<hbm>>
      tpu.enqueue_dma source(%dma_start3A_118 : memref<4x32xi32, #tpu.memory_space<hbm>>) target(%arg6 : memref<4x32xi32, #tpu.memory_space<vmem>>) target_semaphore(%run_scoped3A : memref<!tpu.dma_semaphore, #tpu.memory_space<semaphore_mem>>)
      %dma_wait3A_119 = arith.constant 0 : i32
      %dma_wait3A_120 = tpu.memref_slice %arg2[%mul3A_2, %dma_wait3A_119] : memref<128x32xi32, #tpu.memory_space<hbm>> -> memref<4x32xi32, #tpu.memory_space<hbm>>
      %dma_wait3A_121 = arith.constant 0 : i32
      %dma_wait3A_122 = tpu.memref_slice %arg2[%mul3A_2, %dma_wait3A_121] : memref<128x32xi32, #tpu.memory_space<hbm>> -> memref<4x32xi32, #tpu.memory_space<hbm>>
      tpu.wait_dma2 semaphore(%run_scoped3A : memref<!tpu.dma_semaphore, #tpu.memory_space<semaphore_mem>>) src(%dma_wait3A_122 : memref<4x32xi32, #tpu.memory_space<hbm>>) dst(%arg6 : memref<4x32xi32, #tpu.memory_space<vmem>>)
      tpu.yield
    }) : () -> ()
    %mul3A_3 = arith.constant 4 : i32
    %mul3A_4 = arith.muli %add3A, %mul3A_3 : i32
    "tpu.region"() ({
      %run_scoped3A = tpu.sem_alloc : memref<!tpu.dma_semaphore, #tpu.memory_space<semaphore_mem>>
      %dma_start3A_115 = arith.constant 0 : i32
      %dma_start3A_116 = tpu.memref_slice %arg3[%mul3A_4, %dma_start3A_115] : memref<128x32xi32, #tpu.memory_space<hbm>> -> memref<4x32xi32, #tpu.memory_space<hbm>>
      %dma_start3A_117 = arith.constant 0 : i32
      %dma_start3A_118 = tpu.memref_slice %arg3[%mul3A_4, %dma_start3A_117] : memref<128x32xi32, #tpu.memory_space<hbm>> -> memref<4x32xi32, #tpu.memory_space<hbm>>
      tpu.enqueue_dma source(%dma_start3A_118 : memref<4x32xi32, #tpu.memory_space<hbm>>) target(%arg7 : memref<4x32xi32, #tpu.memory_space<vmem>>) target_semaphore(%run_scoped3A : memref<!tpu.dma_semaphore, #tpu.memory_space<semaphore_mem>>)
      %dma_wait3A_119 = arith.constant 0 : i32
      %dma_wait3A_120 = tpu.memref_slice %arg3[%mul3A_4, %dma_wait3A_119] : memref<128x32xi32, #tpu.memory_space<hbm>> -> memref<4x32xi32, #tpu.memory_space<hbm>>
      %dma_wait3A_121 = arith.constant 0 : i32
      %dma_wait3A_122 = tpu.memref_slice %arg3[%mul3A_4, %dma_wait3A_121] : memref<128x32xi32, #tpu.memory_space<hbm>> -> memref<4x32xi32, #tpu.memory_space<hbm>>
      tpu.wait_dma2 semaphore(%run_scoped3A : memref<!tpu.dma_semaphore, #tpu.memory_space<semaphore_mem>>) src(%dma_wait3A_122 : memref<4x32xi32, #tpu.memory_space<hbm>>) dst(%arg7 : memref<4x32xi32, #tpu.memory_space<vmem>>)
      tpu.yield
    }) : () -> ()
    %dma_start3A = arith.constant 0 : i32
    %dma_start3A_5 = arith.constant 0 : i32
    %dma_start3A_6 = tpu.memref_slice %arg6[%dma_start3A, %dma_start3A_5] : memref<4x32xi32, #tpu.memory_space<vmem>> -> memref<1x32xi32, #tpu.memory_space<vmem>>
    %dma_start3A_7 = tpu.memref_squeeze %dma_start3A_6 : memref<1x32xi32, #tpu.memory_space<vmem>> -> memref<32xi32, #tpu.memory_space<vmem>>
    %dma_start3A_8 = arith.constant 0 : i32
    %dma_start3A_9 = arith.constant 0 : i32
    %dma_start3A_10 = tpu.memref_slice %arg4[%dma_start3A_8, %dma_start3A_9] : memref<2048x1024xf32, #tpu.memory_space<hbm>> -> memref<2048x1024xf32, #tpu.memory_space<hbm>>
    tpu.enqueue_indirect_dma source(%dma_start3A_10 : memref<2048x1024xf32, #tpu.memory_space<hbm>>) target(%arg8 : memref<32x1024xf32, #tpu.memory_space<vmem>>) offsets(%dma_start3A_7 : memref<32xi32, #tpu.memory_space<vmem>>) semaphore(%arg10 : memref<!tpu.dma_semaphore, #tpu.memory_space<semaphore_mem>>)
    %dma_start3A_11 = arith.constant 1 : i32
    %dma_start3A_12 = arith.constant 0 : i32
    %dma_start3A_13 = tpu.memref_slice %arg6[%dma_start3A_11, %dma_start3A_12] : memref<4x32xi32, #tpu.memory_space<vmem>> -> memref<1x32xi32, #tpu.memory_space<vmem>>
    %dma_start3A_14 = tpu.memref_squeeze %dma_start3A_13 : memref<1x32xi32, #tpu.memory_space<vmem>> -> memref<32xi32, #tpu.memory_space<vmem>>
    %dma_start3A_15 = arith.constant 0 : i32
    %dma_start3A_16 = arith.constant 0 : i32
    %dma_start3A_17 = tpu.memref_slice %arg4[%dma_start3A_15, %dma_start3A_16] : memref<2048x1024xf32, #tpu.memory_space<hbm>> -> memref<2048x1024xf32, #tpu.memory_space<hbm>>
    tpu.enqueue_indirect_dma source(%dma_start3A_17 : memref<2048x1024xf32, #tpu.memory_space<hbm>>) target(%arg9 : memref<32x1024xf32, #tpu.memory_space<vmem>>) offsets(%dma_start3A_14 : memref<32xi32, #tpu.memory_space<vmem>>) semaphore(%arg11 : memref<!tpu.dma_semaphore, #tpu.memory_space<semaphore_mem>>)
    %dma_wait3A = arith.constant 0 : i32
    %dma_wait3A_18 = arith.constant 0 : i32
    %dma_wait3A_19 = tpu.memref_slice %arg6[%dma_wait3A, %dma_wait3A_18] : memref<4x32xi32, #tpu.memory_space<vmem>> -> memref<1x32xi32, #tpu.memory_space<vmem>>
    %dma_wait3A_20 = tpu.memref_squeeze %dma_wait3A_19 : memref<1x32xi32, #tpu.memory_space<vmem>> -> memref<32xi32, #tpu.memory_space<vmem>>
    %dma_wait3A_21 = arith.constant 0 : i32
    %dma_wait3A_22 = arith.constant 0 : i32
    %dma_wait3A_23 = tpu.memref_slice %arg4[%dma_wait3A_21, %dma_wait3A_22] : memref<2048x1024xf32, #tpu.memory_space<hbm>> -> memref<2048x1024xf32, #tpu.memory_space<hbm>>
    tpu.wait_indirect_dma semaphore(%arg10 : memref<!tpu.dma_semaphore, #tpu.memory_space<semaphore_mem>>) src(%dma_wait3A_23 : memref<2048x1024xf32, #tpu.memory_space<hbm>>) dst(%arg8 : memref<32x1024xf32, #tpu.memory_space<vmem>>)
    %dma_start3A_24 = arith.constant 0 : i32
    %dma_start3A_25 = arith.constant 0 : i32
    %dma_start3A_26 = tpu.memref_slice %arg7[%dma_start3A_24, %dma_start3A_25] : memref<4x32xi32, #tpu.memory_space<vmem>> -> memref<1x32xi32, #tpu.memory_space<vmem>>
    %dma_start3A_27 = tpu.memref_squeeze %dma_start3A_26 : memref<1x32xi32, #tpu.memory_space<vmem>> -> memref<32xi32, #tpu.memory_space<vmem>>
    %dma_start3A_28 = arith.constant 0 : i32
    %dma_start3A_29 = arith.constant 0 : i32
    %dma_start3A_30 = tpu.memref_slice %arg5[%dma_start3A_28, %dma_start3A_29] : memref<5888x1024xf32, #tpu.memory_space<hbm>> -> memref<5888x1024xf32, #tpu.memory_space<hbm>>
    tpu.enqueue_indirect_dma source(%arg8 : memref<32x1024xf32, #tpu.memory_space<vmem>>) target(%dma_start3A_30 : memref<5888x1024xf32, #tpu.memory_space<hbm>>) offsets(%dma_start3A_27 : memref<32xi32, #tpu.memory_space<vmem>>) semaphore(%arg12 : memref<!tpu.dma_semaphore, #tpu.memory_space<semaphore_mem>>)
    %dma_wait3A_31 = arith.constant 0 : i32
    %dma_wait3A_32 = arith.constant 0 : i32
    %dma_wait3A_33 = tpu.memref_slice %arg7[%dma_wait3A_31, %dma_wait3A_32] : memref<4x32xi32, #tpu.memory_space<vmem>> -> memref<1x32xi32, #tpu.memory_space<vmem>>
    %dma_wait3A_34 = tpu.memref_squeeze %dma_wait3A_33 : memref<1x32xi32, #tpu.memory_space<vmem>> -> memref<32xi32, #tpu.memory_space<vmem>>
    %dma_wait3A_35 = arith.constant 0 : i32
    %dma_wait3A_36 = arith.constant 0 : i32
    %dma_wait3A_37 = tpu.memref_slice %arg5[%dma_wait3A_35, %dma_wait3A_36] : memref<5888x1024xf32, #tpu.memory_space<hbm>> -> memref<5888x1024xf32, #tpu.memory_space<hbm>>
    tpu.wait_indirect_dma semaphore(%arg12 : memref<!tpu.dma_semaphore, #tpu.memory_space<semaphore_mem>>) src(%arg8 : memref<32x1024xf32, #tpu.memory_space<vmem>>) dst(%dma_wait3A_37 : memref<5888x1024xf32, #tpu.memory_space<hbm>>)
    %dma_start3A_38 = arith.constant 2 : i32
    %dma_start3A_39 = arith.constant 0 : i32
    %dma_start3A_40 = tpu.memref_slice %arg6[%dma_start3A_38, %dma_start3A_39] : memref<4x32xi32, #tpu.memory_space<vmem>> -> memref<1x32xi32, #tpu.memory_space<vmem>>
    %dma_start3A_41 = tpu.memref_squeeze %dma_start3A_40 : memref<1x32xi32, #tpu.memory_space<vmem>> -> memref<32xi32, #tpu.memory_space<vmem>>
    %dma_start3A_42 = arith.constant 0 : i32
    %dma_start3A_43 = arith.constant 0 : i32
    %dma_start3A_44 = tpu.memref_slice %arg4[%dma_start3A_42, %dma_start3A_43] : memref<2048x1024xf32, #tpu.memory_space<hbm>> -> memref<2048x1024xf32, #tpu.memory_space<hbm>>
    tpu.enqueue_indirect_dma source(%dma_start3A_44 : memref<2048x1024xf32, #tpu.memory_space<hbm>>) target(%arg8 : memref<32x1024xf32, #tpu.memory_space<vmem>>) offsets(%dma_start3A_41 : memref<32xi32, #tpu.memory_space<vmem>>) semaphore(%arg10 : memref<!tpu.dma_semaphore, #tpu.memory_space<semaphore_mem>>)
    %dma_wait3A_45 = arith.constant 1 : i32
    %dma_wait3A_46 = arith.constant 0 : i32
    %dma_wait3A_47 = tpu.memref_slice %arg6[%dma_wait3A_45, %dma_wait3A_46] : memref<4x32xi32, #tpu.memory_space<vmem>> -> memref<1x32xi32, #tpu.memory_space<vmem>>
    %dma_wait3A_48 = tpu.memref_squeeze %dma_wait3A_47 : memref<1x32xi32, #tpu.memory_space<vmem>> -> memref<32xi32, #tpu.memory_space<vmem>>
    %dma_wait3A_49 = arith.constant 0 : i32
    %dma_wait3A_50 = arith.constant 0 : i32
    %dma_wait3A_51 = tpu.memref_slice %arg4[%dma_wait3A_49, %dma_wait3A_50] : memref<2048x1024xf32, #tpu.memory_space<hbm>> -> memref<2048x1024xf32, #tpu.memory_space<hbm>>
    tpu.wait_indirect_dma semaphore(%arg11 : memref<!tpu.dma_semaphore, #tpu.memory_space<semaphore_mem>>) src(%dma_wait3A_51 : memref<2048x1024xf32, #tpu.memory_space<hbm>>) dst(%arg9 : memref<32x1024xf32, #tpu.memory_space<vmem>>)
    %dma_start3A_52 = arith.constant 1 : i32
    %dma_start3A_53 = arith.constant 0 : i32
    %dma_start3A_54 = tpu.memref_slice %arg7[%dma_start3A_52, %dma_start3A_53] : memref<4x32xi32, #tpu.memory_space<vmem>> -> memref<1x32xi32, #tpu.memory_space<vmem>>
    %dma_start3A_55 = tpu.memref_squeeze %dma_start3A_54 : memref<1x32xi32, #tpu.memory_space<vmem>> -> memref<32xi32, #tpu.memory_space<vmem>>
    %dma_start3A_56 = arith.constant 0 : i32
    %dma_start3A_57 = arith.constant 0 : i32
    %dma_start3A_58 = tpu.memref_slice %arg5[%dma_start3A_56, %dma_start3A_57] : memref<5888x1024xf32, #tpu.memory_space<hbm>> -> memref<5888x1024xf32, #tpu.memory_space<hbm>>
    tpu.enqueue_indirect_dma source(%arg9 : memref<32x1024xf32, #tpu.memory_space<vmem>>) target(%dma_start3A_58 : memref<5888x1024xf32, #tpu.memory_space<hbm>>) offsets(%dma_start3A_55 : memref<32xi32, #tpu.memory_space<vmem>>) semaphore(%arg13 : memref<!tpu.dma_semaphore, #tpu.memory_space<semaphore_mem>>)
    %dma_wait3A_59 = arith.constant 1 : i32
    %dma_wait3A_60 = arith.constant 0 : i32
    %dma_wait3A_61 = tpu.memref_slice %arg7[%dma_wait3A_59, %dma_wait3A_60] : memref<4x32xi32, #tpu.memory_space<vmem>> -> memref<1x32xi32, #tpu.memory_space<vmem>>
    %dma_wait3A_62 = tpu.memref_squeeze %dma_wait3A_61 : memref<1x32xi32, #tpu.memory_space<vmem>> -> memref<32xi32, #tpu.memory_space<vmem>>
    %dma_wait3A_63 = arith.constant 0 : i32
    %dma_wait3A_64 = arith.constant 0 : i32
    %dma_wait3A_65 = tpu.memref_slice %arg5[%dma_wait3A_63, %dma_wait3A_64] : memref<5888x1024xf32, #tpu.memory_space<hbm>> -> memref<5888x1024xf32, #tpu.memory_space<hbm>>
    tpu.wait_indirect_dma semaphore(%arg13 : memref<!tpu.dma_semaphore, #tpu.memory_space<semaphore_mem>>) src(%arg9 : memref<32x1024xf32, #tpu.memory_space<vmem>>) dst(%dma_wait3A_65 : memref<5888x1024xf32, #tpu.memory_space<hbm>>)
    %dma_start3A_66 = arith.constant 3 : i32
    %dma_start3A_67 = arith.constant 0 : i32
    %dma_start3A_68 = tpu.memref_slice %arg6[%dma_start3A_66, %dma_start3A_67] : memref<4x32xi32, #tpu.memory_space<vmem>> -> memref<1x32xi32, #tpu.memory_space<vmem>>
    %dma_start3A_69 = tpu.memref_squeeze %dma_start3A_68 : memref<1x32xi32, #tpu.memory_space<vmem>> -> memref<32xi32, #tpu.memory_space<vmem>>
    %dma_start3A_70 = arith.constant 0 : i32
    %dma_start3A_71 = arith.constant 0 : i32
    %dma_start3A_72 = tpu.memref_slice %arg4[%dma_start3A_70, %dma_start3A_71] : memref<2048x1024xf32, #tpu.memory_space<hbm>> -> memref<2048x1024xf32, #tpu.memory_space<hbm>>
    tpu.enqueue_indirect_dma source(%dma_start3A_72 : memref<2048x1024xf32, #tpu.memory_space<hbm>>) target(%arg9 : memref<32x1024xf32, #tpu.memory_space<vmem>>) offsets(%dma_start3A_69 : memref<32xi32, #tpu.memory_space<vmem>>) semaphore(%arg11 : memref<!tpu.dma_semaphore, #tpu.memory_space<semaphore_mem>>)
    %dma_wait3A_73 = arith.constant 2 : i32
    %dma_wait3A_74 = arith.constant 0 : i32
    %dma_wait3A_75 = tpu.memref_slice %arg6[%dma_wait3A_73, %dma_wait3A_74] : memref<4x32xi32, #tpu.memory_space<vmem>> -> memref<1x32xi32, #tpu.memory_space<vmem>>
    %dma_wait3A_76 = tpu.memref_squeeze %dma_wait3A_75 : memref<1x32xi32, #tpu.memory_space<vmem>> -> memref<32xi32, #tpu.memory_space<vmem>>
    %dma_wait3A_77 = arith.constant 0 : i32
    %dma_wait3A_78 = arith.constant 0 : i32
    %dma_wait3A_79 = tpu.memref_slice %arg4[%dma_wait3A_77, %dma_wait3A_78] : memref<2048x1024xf32, #tpu.memory_space<hbm>> -> memref<2048x1024xf32, #tpu.memory_space<hbm>>
    tpu.wait_indirect_dma semaphore(%arg10 : memref<!tpu.dma_semaphore, #tpu.memory_space<semaphore_mem>>) src(%dma_wait3A_79 : memref<2048x1024xf32, #tpu.memory_space<hbm>>) dst(%arg8 : memref<32x1024xf32, #tpu.memory_space<vmem>>)
    %dma_start3A_80 = arith.constant 2 : i32
    %dma_start3A_81 = arith.constant 0 : i32
    %dma_start3A_82 = tpu.memref_slice %arg7[%dma_start3A_80, %dma_start3A_81] : memref<4x32xi32, #tpu.memory_space<vmem>> -> memref<1x32xi32, #tpu.memory_space<vmem>>
    %dma_start3A_83 = tpu.memref_squeeze %dma_start3A_82 : memref<1x32xi32, #tpu.memory_space<vmem>> -> memref<32xi32, #tpu.memory_space<vmem>>
    %dma_start3A_84 = arith.constant 0 : i32
    %dma_start3A_85 = arith.constant 0 : i32
    %dma_start3A_86 = tpu.memref_slice %arg5[%dma_start3A_84, %dma_start3A_85] : memref<5888x1024xf32, #tpu.memory_space<hbm>> -> memref<5888x1024xf32, #tpu.memory_space<hbm>>
    tpu.enqueue_indirect_dma source(%arg8 : memref<32x1024xf32, #tpu.memory_space<vmem>>) target(%dma_start3A_86 : memref<5888x1024xf32, #tpu.memory_space<hbm>>) offsets(%dma_start3A_83 : memref<32xi32, #tpu.memory_space<vmem>>) semaphore(%arg12 : memref<!tpu.dma_semaphore, #tpu.memory_space<semaphore_mem>>)
    %dma_wait3A_87 = arith.constant 3 : i32
    %dma_wait3A_88 = arith.constant 0 : i32
    %dma_wait3A_89 = tpu.memref_slice %arg6[%dma_wait3A_87, %dma_wait3A_88] : memref<4x32xi32, #tpu.memory_space<vmem>> -> memref<1x32xi32, #tpu.memory_space<vmem>>
    %dma_wait3A_90 = tpu.memref_squeeze %dma_wait3A_89 : memref<1x32xi32, #tpu.memory_space<vmem>> -> memref<32xi32, #tpu.memory_space<vmem>>
    %dma_wait3A_91 = arith.constant 0 : i32
    %dma_wait3A_92 = arith.constant 0 : i32
    %dma_wait3A_93 = tpu.memref_slice %arg4[%dma_wait3A_91, %dma_wait3A_92] : memref<2048x1024xf32, #tpu.memory_space<hbm>> -> memref<2048x1024xf32, #tpu.memory_space<hbm>>
    tpu.wait_indirect_dma semaphore(%arg11 : memref<!tpu.dma_semaphore, #tpu.memory_space<semaphore_mem>>) src(%dma_wait3A_93 : memref<2048x1024xf32, #tpu.memory_space<hbm>>) dst(%arg9 : memref<32x1024xf32, #tpu.memory_space<vmem>>)
    %dma_start3A_94 = arith.constant 3 : i32
    %dma_start3A_95 = arith.constant 0 : i32
    %dma_start3A_96 = tpu.memref_slice %arg7[%dma_start3A_94, %dma_start3A_95] : memref<4x32xi32, #tpu.memory_space<vmem>> -> memref<1x32xi32, #tpu.memory_space<vmem>>
    %dma_start3A_97 = tpu.memref_squeeze %dma_start3A_96 : memref<1x32xi32, #tpu.memory_space<vmem>> -> memref<32xi32, #tpu.memory_space<vmem>>
    %dma_start3A_98 = arith.constant 0 : i32
    %dma_start3A_99 = arith.constant 0 : i32
    %dma_start3A_100 = tpu.memref_slice %arg5[%dma_start3A_98, %dma_start3A_99] : memref<5888x1024xf32, #tpu.memory_space<hbm>> -> memref<5888x1024xf32, #tpu.memory_space<hbm>>
    tpu.enqueue_indirect_dma source(%arg9 : memref<32x1024xf32, #tpu.memory_space<vmem>>) target(%dma_start3A_100 : memref<5888x1024xf32, #tpu.memory_space<hbm>>) offsets(%dma_start3A_97 : memref<32xi32, #tpu.memory_space<vmem>>) semaphore(%arg13 : memref<!tpu.dma_semaphore, #tpu.memory_space<semaphore_mem>>)
    %dma_wait3A_101 = arith.constant 2 : i32
    %dma_wait3A_102 = arith.constant 0 : i32
    %dma_wait3A_103 = tpu.memref_slice %arg7[%dma_wait3A_101, %dma_wait3A_102] : memref<4x32xi32, #tpu.memory_space<vmem>> -> memref<1x32xi32, #tpu.memory_space<vmem>>
    %dma_wait3A_104 = tpu.memref_squeeze %dma_wait3A_103 : memref<1x32xi32, #tpu.memory_space<vmem>> -> memref<32xi32, #tpu.memory_space<vmem>>
    %dma_wait3A_105 = arith.constant 0 : i32
    %dma_wait3A_106 = arith.constant 0 : i32
    %dma_wait3A_107 = tpu.memref_slice %arg5[%dma_wait3A_105, %dma_wait3A_106] : memref<5888x1024xf32, #tpu.memory_space<hbm>> -> memref<5888x1024xf32, #tpu.memory_space<hbm>>
    tpu.wait_indirect_dma semaphore(%arg12 : memref<!tpu.dma_semaphore, #tpu.memory_space<semaphore_mem>>) src(%arg8 : memref<32x1024xf32, #tpu.memory_space<vmem>>) dst(%dma_wait3A_107 : memref<5888x1024xf32, #tpu.memory_space<hbm>>)
    %dma_wait3A_108 = arith.constant 3 : i32
    %dma_wait3A_109 = arith.constant 0 : i32
    %dma_wait3A_110 = tpu.memref_slice %arg7[%dma_wait3A_108, %dma_wait3A_109] : memref<4x32xi32, #tpu.memory_space<vmem>> -> memref<1x32xi32, #tpu.memory_space<vmem>>
    %dma_wait3A_111 = tpu.memref_squeeze %dma_wait3A_110 : memref<1x32xi32, #tpu.memory_space<vmem>> -> memref<32xi32, #tpu.memory_space<vmem>>
    %dma_wait3A_112 = arith.constant 0 : i32
    %dma_wait3A_113 = arith.constant 0 : i32
    %dma_wait3A_114 = tpu.memref_slice %arg5[%dma_wait3A_112, %dma_wait3A_113] : memref<5888x1024xf32, #tpu.memory_space<hbm>> -> memref<5888x1024xf32, #tpu.memory_space<hbm>>
    tpu.wait_indirect_dma semaphore(%arg13 : memref<!tpu.dma_semaphore, #tpu.memory_space<semaphore_mem>>) src(%arg9 : memref<32x1024xf32, #tpu.memory_space<vmem>>) dst(%dma_wait3A_114 : memref<5888x1024xf32, #tpu.memory_space<hbm>>)
    return
  }
}

module attributes {stable_mosaic.version = 14 : i64} {
  func.func @_router_body(%arg0: memref<2048x1024xf32, #tpu.memory_space<vmem>>, %arg1: memref<8x1024xf32, #tpu.memory_space<vmem>>, %arg2: memref<2x2048xf32, #tpu.memory_space<vmem>>, %arg3: memref<2x2048xi32, #tpu.memory_space<vmem>>, %arg4: memref<1x32xi32, #tpu.memory_space<vmem>>) attributes {dimension_semantics = [], scalar_prefetch = 0 : i64, scratch_operands = 0 : i64, tpu.core_type = #tpu.core_type<tc>} {
    %get3A = arith.constant 0 : index
    %get3A_0 = arith.constant 0 : index
    %get3A_1 = vector.load %arg1[%get3A, %get3A_0] : memref<8x1024xf32, #tpu.memory_space<vmem>>, vector<8x1024xf32>
    %get3A_2 = arith.constant 0 : index
    %get3A_3 = arith.constant 0 : index
    %get3A_4 = vector.load %arg0[%get3A_2, %get3A_3] : memref<2048x1024xf32, #tpu.memory_space<vmem>>, vector<2048x1024xf32>
    %dot_general3A = arith.constant dense<0.000000e+00> : vector<8x2048xf32>
    %dot_general3A_5 = tpu.matmul %get3A_1, %get3A_4, %dot_general3A {dimension_numbers = #tpu.dot_dimension_numbers<[1], [1], [0], [0], [0, 0, 1, 0], [], []>, transpose_lhs_hint = false} : vector<8x1024xf32>, vector<2048x1024xf32>, vector<8x2048xf32> -> vector<8x2048xf32>
    %iota3A = tpu.iota {dimensions = array<i32: 0>} : vector<8x2048xi32>
    %reduce_max3A = arith.constant dense<0xFF800000> : vector<2048xf32>
    %reduce_max3A_6 = vector.multi_reduction <maximumf>, %dot_general3A_5, %reduce_max3A [0] : vector<8x2048xf32> to vector<2048xf32>
    %broadcast_in_dim3A = vector.shape_cast %reduce_max3A_6 : vector<2048xf32> to vector<1x2048xf32>
    %eq3A = vector.broadcast %broadcast_in_dim3A : vector<1x2048xf32> to vector<8x2048xf32>
    %eq3A_7 = arith.cmpf oeq, %dot_general3A_5, %eq3A : vector<8x2048xf32>
    %jit3A = arith.constant 8 : i32
    %broadcast_in_dim3A_8 = vector.broadcast %jit3A : i32 to vector<8x2048xi32>
    %select_n3A = arith.select %eq3A_7, %iota3A, %broadcast_in_dim3A_8 : vector<8x2048xi1>, vector<8x2048xi32>
    %reduce_min3A = arith.constant dense<2147483647> : vector<2048xi32>
    %reduce_min3A_9 = vector.multi_reduction <minsi>, %select_n3A, %reduce_min3A [0] : vector<8x2048xi32> to vector<2048xi32>
    %broadcast_in_dim3A_10 = vector.shape_cast %reduce_min3A_9 : vector<2048xi32> to vector<1x2048xi32>
    %eq3A_11 = vector.broadcast %broadcast_in_dim3A_10 : vector<1x2048xi32> to vector<8x2048xi32>
    %eq3A_12 = arith.cmpi eq, %iota3A, %eq3A_11 : vector<8x2048xi32>
    %jit3A_13 = arith.constant 0xFF800000 : f32
    %broadcast_in_dim3A_14 = vector.broadcast %jit3A_13 : f32 to vector<8x2048xf32>
    %select_n3A_15 = arith.select %eq3A_12, %broadcast_in_dim3A_14, %dot_general3A_5 : vector<8x2048xi1>, vector<8x2048xf32>
    %reduce_max3A_16 = arith.constant dense<0xFF800000> : vector<2048xf32>
    %reduce_max3A_17 = vector.multi_reduction <maximumf>, %select_n3A_15, %reduce_max3A_16 [0] : vector<8x2048xf32> to vector<2048xf32>
    %broadcast_in_dim3A_18 = vector.shape_cast %reduce_max3A_17 : vector<2048xf32> to vector<1x2048xf32>
    %eq3A_19 = vector.broadcast %broadcast_in_dim3A_18 : vector<1x2048xf32> to vector<8x2048xf32>
    %eq3A_20 = arith.cmpf oeq, %select_n3A_15, %eq3A_19 : vector<8x2048xf32>
    %jit3A_21 = arith.constant 8 : i32
    %broadcast_in_dim3A_22 = vector.broadcast %jit3A_21 : i32 to vector<8x2048xi32>
    %select_n3A_23 = arith.select %eq3A_20, %iota3A, %broadcast_in_dim3A_22 : vector<8x2048xi1>, vector<8x2048xi32>
    %reduce_min3A_24 = arith.constant dense<2147483647> : vector<2048xi32>
    %reduce_min3A_25 = vector.multi_reduction <minsi>, %select_n3A_23, %reduce_min3A_24 [0] : vector<8x2048xi32> to vector<2048xi32>
    %broadcast_in_dim3A_26 = vector.shape_cast %reduce_min3A_25 : vector<2048xi32> to vector<1x2048xi32>
    %sub3A = arith.subf %broadcast_in_dim3A_18, %broadcast_in_dim3A : vector<1x2048xf32>
    %exp3A = math.exp %sub3A : vector<1x2048xf32>
    %add3A = arith.constant 1.000000e+00 : f32
    %add3A_27 = vector.broadcast %add3A : f32 to vector<1x2048xf32>
    %add3A_28 = arith.addf %add3A_27, %exp3A : vector<1x2048xf32>
    %div3A = arith.constant 1.000000e+00 : f32
    %div3A_29 = vector.broadcast %div3A : f32 to vector<1x2048xf32>
    %div3A_30 = arith.divf %div3A_29, %add3A_28 : vector<1x2048xf32>
    %concatenate3A = tpu.concatenate %broadcast_in_dim3A_10, %broadcast_in_dim3A_26 in 0 : vector<1x2048xi32>, vector<1x2048xi32> -> vector<2x2048xi32>
    %sub3A_31 = arith.constant 1.000000e+00 : f32
    %sub3A_32 = vector.broadcast %sub3A_31 : f32 to vector<1x2048xf32>
    %sub3A_33 = arith.subf %sub3A_32, %div3A_30 : vector<1x2048xf32>
    %concatenate3A_34 = tpu.concatenate %div3A_30, %sub3A_33 in 0 : vector<1x2048xf32>, vector<1x2048xf32> -> vector<2x2048xf32>
    %swap3A = arith.constant 0 : index
    %swap3A_35 = arith.constant 0 : index
    %swap3A_36 = vector.load %arg2[%swap3A, %swap3A_35] : memref<2x2048xf32, #tpu.memory_space<vmem>>, vector<2x2048xf32>
    tpu.vector_store %arg2[%swap3A, %swap3A_35], %concatenate3A_34 {strides = array<i32>} : memref<2x2048xf32, #tpu.memory_space<vmem>>, vector<2x2048xf32>,
    %broadcast_in_dim3A_37 = arith.constant 0 : i32
    %broadcast_in_dim3A_38 = vector.broadcast %broadcast_in_dim3A_37 : i32 to vector<2x2048xi32>
    %broadcast_in_dim3A_39 = arith.constant 0 : i32
    %broadcast_in_dim3A_40 = vector.broadcast %broadcast_in_dim3A_39 : i32 to vector<1x8xi32>
    %iota3A_41 = tpu.iota {dimensions = array<i32: 1>} : vector<1x8xi32>
    %eq3A_42 = arith.constant 0 : i32
    %eq3A_43 = vector.broadcast %eq3A_42 : i32 to vector<2x2048xi32>
    %eq3A_44 = arith.cmpi eq, %concatenate3A, %eq3A_43 : vector<2x2048xi32>
    %jit3A_45 = arith.constant 1 : i32
    %jit3A_46 = arith.constant 0 : i32
    %broadcast_in_dim3A_47 = vector.broadcast %jit3A_45 : i32 to vector<2x2048xi32>
    %broadcast_in_dim3A_48 = vector.broadcast %jit3A_46 : i32 to vector<2x2048xi32>
    %select_n3A_49 = arith.select %eq3A_44, %broadcast_in_dim3A_47, %broadcast_in_dim3A_48 : vector<2x2048xi1>, vector<2x2048xi32>
    %slice3A = vector.extract_strided_slice %select_n3A_49 {offsets = [0, 0], sizes = [2, 2047], strides = [1, 1]} : vector<2x2048xi32> to vector<2x2047xi32>
    %jit3A_50 = arith.constant 0 : i32
    %pad3A = vector.broadcast %jit3A_50 : i32 to vector<2x1xi32>
    %pad3A_51 = tpu.concatenate %pad3A, %slice3A in 1 : vector<2x1xi32>, vector<2x2047xi32> -> vector<2x2048xi32>
    %add3A_52 = arith.addi %select_n3A_49, %pad3A_51 : vector<2x2048xi32>
    %slice3A_53 = vector.extract_strided_slice %add3A_52 {offsets = [0, 0], sizes = [2, 2046], strides = [1, 1]} : vector<2x2048xi32> to vector<2x2046xi32>
    %jit3A_54 = arith.constant 0 : i32
    %pad3A_55 = vector.broadcast %jit3A_54 : i32 to vector<2x2xi32>
    %pad3A_56 = tpu.concatenate %pad3A_55, %slice3A_53 in 1 : vector<2x2xi32>, vector<2x2046xi32> -> vector<2x2048xi32>
    %add3A_57 = arith.addi %add3A_52, %pad3A_56 : vector<2x2048xi32>
    %slice3A_58 = vector.extract_strided_slice %add3A_57 {offsets = [0, 0], sizes = [2, 2044], strides = [1, 1]} : vector<2x2048xi32> to vector<2x2044xi32>
    %jit3A_59 = arith.constant 0 : i32
    %pad3A_60 = vector.broadcast %jit3A_59 : i32 to vector<2x4xi32>
    %pad3A_61 = tpu.concatenate %pad3A_60, %slice3A_58 in 1 : vector<2x4xi32>, vector<2x2044xi32> -> vector<2x2048xi32>
    %add3A_62 = arith.addi %add3A_57, %pad3A_61 : vector<2x2048xi32>
    %slice3A_63 = vector.extract_strided_slice %add3A_62 {offsets = [0, 0], sizes = [2, 2040], strides = [1, 1]} : vector<2x2048xi32> to vector<2x2040xi32>
    %jit3A_64 = arith.constant 0 : i32
    %pad3A_65 = vector.broadcast %jit3A_64 : i32 to vector<2x8xi32>
    %pad3A_66 = tpu.concatenate %pad3A_65, %slice3A_63 in 1 : vector<2x8xi32>, vector<2x2040xi32> -> vector<2x2048xi32>
    %add3A_67 = arith.addi %add3A_62, %pad3A_66 : vector<2x2048xi32>
    %slice3A_68 = vector.extract_strided_slice %add3A_67 {offsets = [0, 0], sizes = [2, 2032], strides = [1, 1]} : vector<2x2048xi32> to vector<2x2032xi32>
    %jit3A_69 = arith.constant 0 : i32
    %pad3A_70 = vector.broadcast %jit3A_69 : i32 to vector<2x16xi32>
    %pad3A_71 = tpu.concatenate %pad3A_70, %slice3A_68 in 1 : vector<2x16xi32>, vector<2x2032xi32> -> vector<2x2048xi32>
    %add3A_72 = arith.addi %add3A_67, %pad3A_71 : vector<2x2048xi32>
    %slice3A_73 = vector.extract_strided_slice %add3A_72 {offsets = [0, 0], sizes = [2, 2016], strides = [1, 1]} : vector<2x2048xi32> to vector<2x2016xi32>
    %jit3A_74 = arith.constant 0 : i32
    %pad3A_75 = vector.broadcast %jit3A_74 : i32 to vector<2x32xi32>
    %pad3A_76 = tpu.concatenate %pad3A_75, %slice3A_73 in 1 : vector<2x32xi32>, vector<2x2016xi32> -> vector<2x2048xi32>
    %add3A_77 = arith.addi %add3A_72, %pad3A_76 : vector<2x2048xi32>
    %slice3A_78 = vector.extract_strided_slice %add3A_77 {offsets = [0, 0], sizes = [2, 1984], strides = [1, 1]} : vector<2x2048xi32> to vector<2x1984xi32>
    %jit3A_79 = arith.constant 0 : i32
    %pad3A_80 = vector.broadcast %jit3A_79 : i32 to vector<2x64xi32>
    %pad3A_81 = tpu.concatenate %pad3A_80, %slice3A_78 in 1 : vector<2x64xi32>, vector<2x1984xi32> -> vector<2x2048xi32>
    %add3A_82 = arith.addi %add3A_77, %pad3A_81 : vector<2x2048xi32>
    %slice3A_83 = vector.extract_strided_slice %add3A_82 {offsets = [0, 0], sizes = [2, 1920], strides = [1, 1]} : vector<2x2048xi32> to vector<2x1920xi32>
    %jit3A_84 = arith.constant 0 : i32
    %pad3A_85 = vector.broadcast %jit3A_84 : i32 to vector<2x128xi32>
    %pad3A_86 = tpu.concatenate %pad3A_85, %slice3A_83 in 1 : vector<2x128xi32>, vector<2x1920xi32> -> vector<2x2048xi32>
    %add3A_87 = arith.addi %add3A_82, %pad3A_86 : vector<2x2048xi32>
    %slice3A_88 = vector.extract_strided_slice %add3A_87 {offsets = [0, 0], sizes = [2, 1792], strides = [1, 1]} : vector<2x2048xi32> to vector<2x1792xi32>
    %jit3A_89 = arith.constant 0 : i32
    %pad3A_90 = vector.broadcast %jit3A_89 : i32 to vector<2x256xi32>
    %pad3A_91 = tpu.concatenate %pad3A_90, %slice3A_88 in 1 : vector<2x256xi32>, vector<2x1792xi32> -> vector<2x2048xi32>
    %add3A_92 = arith.addi %add3A_87, %pad3A_91 : vector<2x2048xi32>
    %slice3A_93 = vector.extract_strided_slice %add3A_92 {offsets = [0, 0], sizes = [2, 1536], strides = [1, 1]} : vector<2x2048xi32> to vector<2x1536xi32>
    %jit3A_94 = arith.constant 0 : i32
    %pad3A_95 = vector.broadcast %jit3A_94 : i32 to vector<2x512xi32>
    %pad3A_96 = tpu.concatenate %pad3A_95, %slice3A_93 in 1 : vector<2x512xi32>, vector<2x1536xi32> -> vector<2x2048xi32>
    %add3A_97 = arith.addi %add3A_92, %pad3A_96 : vector<2x2048xi32>
    %slice3A_98 = vector.extract_strided_slice %add3A_97 {offsets = [0, 0], sizes = [2, 1024], strides = [1, 1]} : vector<2x2048xi32> to vector<2x1024xi32>
    %jit3A_99 = arith.constant 0 : i32
    %pad3A_100 = vector.broadcast %jit3A_99 : i32 to vector<2x1024xi32>
    %pad3A_101 = tpu.concatenate %pad3A_100, %slice3A_98 in 1 : vector<2x1024xi32>, vector<2x1024xi32> -> vector<2x2048xi32>
    %add3A_102 = arith.addi %add3A_97, %pad3A_101 : vector<2x2048xi32>
    %slice3A_103 = vector.extract_strided_slice %add3A_102 {offsets = [0, 2047], sizes = [1, 1], strides = [1, 1]} : vector<2x2048xi32> to vector<1x1xi32>
    %slice3A_104 = vector.extract_strided_slice %add3A_102 {offsets = [1, 2047], sizes = [1, 1], strides = [1, 1]} : vector<2x2048xi32> to vector<1x1xi32>
    %broadcast_in_dim3A_105 = arith.constant 0 : i32
    %broadcast_in_dim3A_106 = vector.broadcast %broadcast_in_dim3A_105 : i32 to vector<1x1xi32>
    %concatenate3A_107 = tpu.concatenate %broadcast_in_dim3A_106, %slice3A_103 in 0 : vector<1x1xi32>, vector<1x1xi32> -> vector<2x1xi32>
    %sub3A_108 = arith.subi %add3A_102, %select_n3A_49 : vector<2x2048xi32>
    %add3A_109 = vector.broadcast %concatenate3A_107 : vector<2x1xi32> to vector<2x2048xi32>
    %add3A_110 = arith.addi %sub3A_108, %add3A_109 : vector<2x2048xi32>
    %mul3A = arith.muli %select_n3A_49, %add3A_110 : vector<2x2048xi32>
    %add3A_111 = arith.addi %broadcast_in_dim3A_38, %mul3A : vector<2x2048xi32>
    %eq3A_112 = arith.constant 0 : i32
    %eq3A_113 = vector.broadcast %eq3A_112 : i32 to vector<1x8xi32>
    %eq3A_114 = arith.cmpi eq, %iota3A_41, %eq3A_113 : vector<1x8xi32>
    %add3A_115 = arith.addi %slice3A_103, %slice3A_104 : vector<1x1xi32>
    %jit3A_116 = arith.constant 0 : i32
    %broadcast_in_dim3A_117 = vector.shape_cast %add3A_115 : vector<1x1xi32> to vector<1x1xi32>
    %broadcast_in_dim3A_118 = vector.broadcast %broadcast_in_dim3A_117 : vector<1x1xi32> to vector<1x8xi32>
    %broadcast_in_dim3A_119 = vector.broadcast %jit3A_116 : i32 to vector<1x8xi32>
    %select_n3A_120 = arith.select %eq3A_114, %broadcast_in_dim3A_118, %broadcast_in_dim3A_119 : vector<1x8xi1>, vector<1x8xi32>
    %add3A_121 = arith.addi %broadcast_in_dim3A_40, %select_n3A_120 : vector<1x8xi32>
    %eq3A_122 = arith.constant 1 : i32
    %eq3A_123 = vector.broadcast %eq3A_122 : i32 to vector<2x2048xi32>
    %eq3A_124 = arith.cmpi eq, %concatenate3A, %eq3A_123 : vector<2x2048xi32>
    %jit3A_125 = arith.constant 1 : i32
    %jit3A_126 = arith.constant 0 : i32
    %broadcast_in_dim3A_127 = vector.broadcast %jit3A_125 : i32 to vector<2x2048xi32>
    %broadcast_in_dim3A_128 = vector.broadcast %jit3A_126 : i32 to vector<2x2048xi32>
    %select_n3A_129 = arith.select %eq3A_124, %broadcast_in_dim3A_127, %broadcast_in_dim3A_128 : vector<2x2048xi1>, vector<2x2048xi32>
    %slice3A_130 = vector.extract_strided_slice %select_n3A_129 {offsets = [0, 0], sizes = [2, 2047], strides = [1, 1]} : vector<2x2048xi32> to vector<2x2047xi32>
    %jit3A_131 = arith.constant 0 : i32
    %pad3A_132 = vector.broadcast %jit3A_131 : i32 to vector<2x1xi32>
    %pad3A_133 = tpu.concatenate %pad3A_132, %slice3A_130 in 1 : vector<2x1xi32>, vector<2x2047xi32> -> vector<2x2048xi32>
    %add3A_134 = arith.addi %select_n3A_129, %pad3A_133 : vector<2x2048xi32>
    %slice3A_135 = vector.extract_strided_slice %add3A_134 {offsets = [0, 0], sizes = [2, 2046], strides = [1, 1]} : vector<2x2048xi32> to vector<2x2046xi32>
    %jit3A_136 = arith.constant 0 : i32
    %pad3A_137 = vector.broadcast %jit3A_136 : i32 to vector<2x2xi32>
    %pad3A_138 = tpu.concatenate %pad3A_137, %slice3A_135 in 1 : vector<2x2xi32>, vector<2x2046xi32> -> vector<2x2048xi32>
    %add3A_139 = arith.addi %add3A_134, %pad3A_138 : vector<2x2048xi32>
    %slice3A_140 = vector.extract_strided_slice %add3A_139 {offsets = [0, 0], sizes = [2, 2044], strides = [1, 1]} : vector<2x2048xi32> to vector<2x2044xi32>
    %jit3A_141 = arith.constant 0 : i32
    %pad3A_142 = vector.broadcast %jit3A_141 : i32 to vector<2x4xi32>
    %pad3A_143 = tpu.concatenate %pad3A_142, %slice3A_140 in 1 : vector<2x4xi32>, vector<2x2044xi32> -> vector<2x2048xi32>
    %add3A_144 = arith.addi %add3A_139, %pad3A_143 : vector<2x2048xi32>
    %slice3A_145 = vector.extract_strided_slice %add3A_144 {offsets = [0, 0], sizes = [2, 2040], strides = [1, 1]} : vector<2x2048xi32> to vector<2x2040xi32>
    %jit3A_146 = arith.constant 0 : i32
    %pad3A_147 = vector.broadcast %jit3A_146 : i32 to vector<2x8xi32>
    %pad3A_148 = tpu.concatenate %pad3A_147, %slice3A_145 in 1 : vector<2x8xi32>, vector<2x2040xi32> -> vector<2x2048xi32>
    %add3A_149 = arith.addi %add3A_144, %pad3A_148 : vector<2x2048xi32>
    %slice3A_150 = vector.extract_strided_slice %add3A_149 {offsets = [0, 0], sizes = [2, 2032], strides = [1, 1]} : vector<2x2048xi32> to vector<2x2032xi32>
    %jit3A_151 = arith.constant 0 : i32
    %pad3A_152 = vector.broadcast %jit3A_151 : i32 to vector<2x16xi32>
    %pad3A_153 = tpu.concatenate %pad3A_152, %slice3A_150 in 1 : vector<2x16xi32>, vector<2x2032xi32> -> vector<2x2048xi32>
    %add3A_154 = arith.addi %add3A_149, %pad3A_153 : vector<2x2048xi32>
    %slice3A_155 = vector.extract_strided_slice %add3A_154 {offsets = [0, 0], sizes = [2, 2016], strides = [1, 1]} : vector<2x2048xi32> to vector<2x2016xi32>
    %jit3A_156 = arith.constant 0 : i32
    %pad3A_157 = vector.broadcast %jit3A_156 : i32 to vector<2x32xi32>
    %pad3A_158 = tpu.concatenate %pad3A_157, %slice3A_155 in 1 : vector<2x32xi32>, vector<2x2016xi32> -> vector<2x2048xi32>
    %add3A_159 = arith.addi %add3A_154, %pad3A_158 : vector<2x2048xi32>
    %slice3A_160 = vector.extract_strided_slice %add3A_159 {offsets = [0, 0], sizes = [2, 1984], strides = [1, 1]} : vector<2x2048xi32> to vector<2x1984xi32>
    %jit3A_161 = arith.constant 0 : i32
    %pad3A_162 = vector.broadcast %jit3A_161 : i32 to vector<2x64xi32>
    %pad3A_163 = tpu.concatenate %pad3A_162, %slice3A_160 in 1 : vector<2x64xi32>, vector<2x1984xi32> -> vector<2x2048xi32>
    %add3A_164 = arith.addi %add3A_159, %pad3A_163 : vector<2x2048xi32>
    %slice3A_165 = vector.extract_strided_slice %add3A_164 {offsets = [0, 0], sizes = [2, 1920], strides = [1, 1]} : vector<2x2048xi32> to vector<2x1920xi32>
    %jit3A_166 = arith.constant 0 : i32
    %pad3A_167 = vector.broadcast %jit3A_166 : i32 to vector<2x128xi32>
    %pad3A_168 = tpu.concatenate %pad3A_167, %slice3A_165 in 1 : vector<2x128xi32>, vector<2x1920xi32> -> vector<2x2048xi32>
    %add3A_169 = arith.addi %add3A_164, %pad3A_168 : vector<2x2048xi32>
    %slice3A_170 = vector.extract_strided_slice %add3A_169 {offsets = [0, 0], sizes = [2, 1792], strides = [1, 1]} : vector<2x2048xi32> to vector<2x1792xi32>
    %jit3A_171 = arith.constant 0 : i32
    %pad3A_172 = vector.broadcast %jit3A_171 : i32 to vector<2x256xi32>
    %pad3A_173 = tpu.concatenate %pad3A_172, %slice3A_170 in 1 : vector<2x256xi32>, vector<2x1792xi32> -> vector<2x2048xi32>
    %add3A_174 = arith.addi %add3A_169, %pad3A_173 : vector<2x2048xi32>
    %slice3A_175 = vector.extract_strided_slice %add3A_174 {offsets = [0, 0], sizes = [2, 1536], strides = [1, 1]} : vector<2x2048xi32> to vector<2x1536xi32>
    %jit3A_176 = arith.constant 0 : i32
    %pad3A_177 = vector.broadcast %jit3A_176 : i32 to vector<2x512xi32>
    %pad3A_178 = tpu.concatenate %pad3A_177, %slice3A_175 in 1 : vector<2x512xi32>, vector<2x1536xi32> -> vector<2x2048xi32>
    %add3A_179 = arith.addi %add3A_174, %pad3A_178 : vector<2x2048xi32>
    %slice3A_180 = vector.extract_strided_slice %add3A_179 {offsets = [0, 0], sizes = [2, 1024], strides = [1, 1]} : vector<2x2048xi32> to vector<2x1024xi32>
    %jit3A_181 = arith.constant 0 : i32
    %pad3A_182 = vector.broadcast %jit3A_181 : i32 to vector<2x1024xi32>
    %pad3A_183 = tpu.concatenate %pad3A_182, %slice3A_180 in 1 : vector<2x1024xi32>, vector<2x1024xi32> -> vector<2x2048xi32>
    %add3A_184 = arith.addi %add3A_179, %pad3A_183 : vector<2x2048xi32>
    %slice3A_185 = vector.extract_strided_slice %add3A_184 {offsets = [0, 2047], sizes = [1, 1], strides = [1, 1]} : vector<2x2048xi32> to vector<1x1xi32>
    %slice3A_186 = vector.extract_strided_slice %add3A_184 {offsets = [1, 2047], sizes = [1, 1], strides = [1, 1]} : vector<2x2048xi32> to vector<1x1xi32>
    %broadcast_in_dim3A_187 = arith.constant 0 : i32
    %broadcast_in_dim3A_188 = vector.broadcast %broadcast_in_dim3A_187 : i32 to vector<1x1xi32>
    %concatenate3A_189 = tpu.concatenate %broadcast_in_dim3A_188, %slice3A_185 in 0 : vector<1x1xi32>, vector<1x1xi32> -> vector<2x1xi32>
    %sub3A_190 = arith.subi %add3A_184, %select_n3A_129 : vector<2x2048xi32>
    %add3A_191 = vector.broadcast %concatenate3A_189 : vector<2x1xi32> to vector<2x2048xi32>
    %add3A_192 = arith.addi %sub3A_190, %add3A_191 : vector<2x2048xi32>
    %mul3A_193 = arith.muli %select_n3A_129, %add3A_192 : vector<2x2048xi32>
    %add3A_194 = arith.addi %add3A_111, %mul3A_193 : vector<2x2048xi32>
    %eq3A_195 = arith.constant 1 : i32
    %eq3A_196 = vector.broadcast %eq3A_195 : i32 to vector<1x8xi32>
    %eq3A_197 = arith.cmpi eq, %iota3A_41, %eq3A_196 : vector<1x8xi32>
    %add3A_198 = arith.addi %slice3A_185, %slice3A_186 : vector<1x1xi32>
    %jit3A_199 = arith.constant 0 : i32
    %broadcast_in_dim3A_200 = vector.shape_cast %add3A_198 : vector<1x1xi32> to vector<1x1xi32>
    %broadcast_in_dim3A_201 = vector.broadcast %broadcast_in_dim3A_200 : vector<1x1xi32> to vector<1x8xi32>
    %broadcast_in_dim3A_202 = vector.broadcast %jit3A_199 : i32 to vector<1x8xi32>
    %select_n3A_203 = arith.select %eq3A_197, %broadcast_in_dim3A_201, %broadcast_in_dim3A_202 : vector<1x8xi1>, vector<1x8xi32>
    %add3A_204 = arith.addi %add3A_121, %select_n3A_203 : vector<1x8xi32>
    %eq3A_205 = arith.constant 2 : i32
    %eq3A_206 = vector.broadcast %eq3A_205 : i32 to vector<2x2048xi32>
    %eq3A_207 = arith.cmpi eq, %concatenate3A, %eq3A_206 : vector<2x2048xi32>
    %jit3A_208 = arith.constant 1 : i32
    %jit3A_209 = arith.constant 0 : i32
    %broadcast_in_dim3A_210 = vector.broadcast %jit3A_208 : i32 to vector<2x2048xi32>
    %broadcast_in_dim3A_211 = vector.broadcast %jit3A_209 : i32 to vector<2x2048xi32>
    %select_n3A_212 = arith.select %eq3A_207, %broadcast_in_dim3A_210, %broadcast_in_dim3A_211 : vector<2x2048xi1>, vector<2x2048xi32>
    %slice3A_213 = vector.extract_strided_slice %select_n3A_212 {offsets = [0, 0], sizes = [2, 2047], strides = [1, 1]} : vector<2x2048xi32> to vector<2x2047xi32>
    %jit3A_214 = arith.constant 0 : i32
    %pad3A_215 = vector.broadcast %jit3A_214 : i32 to vector<2x1xi32>
    %pad3A_216 = tpu.concatenate %pad3A_215, %slice3A_213 in 1 : vector<2x1xi32>, vector<2x2047xi32> -> vector<2x2048xi32>
    %add3A_217 = arith.addi %select_n3A_212, %pad3A_216 : vector<2x2048xi32>
    %slice3A_218 = vector.extract_strided_slice %add3A_217 {offsets = [0, 0], sizes = [2, 2046], strides = [1, 1]} : vector<2x2048xi32> to vector<2x2046xi32>
    %jit3A_219 = arith.constant 0 : i32
    %pad3A_220 = vector.broadcast %jit3A_219 : i32 to vector<2x2xi32>
    %pad3A_221 = tpu.concatenate %pad3A_220, %slice3A_218 in 1 : vector<2x2xi32>, vector<2x2046xi32> -> vector<2x2048xi32>
    %add3A_222 = arith.addi %add3A_217, %pad3A_221 : vector<2x2048xi32>
    %slice3A_223 = vector.extract_strided_slice %add3A_222 {offsets = [0, 0], sizes = [2, 2044], strides = [1, 1]} : vector<2x2048xi32> to vector<2x2044xi32>
    %jit3A_224 = arith.constant 0 : i32
    %pad3A_225 = vector.broadcast %jit3A_224 : i32 to vector<2x4xi32>
    %pad3A_226 = tpu.concatenate %pad3A_225, %slice3A_223 in 1 : vector<2x4xi32>, vector<2x2044xi32> -> vector<2x2048xi32>
    %add3A_227 = arith.addi %add3A_222, %pad3A_226 : vector<2x2048xi32>
    %slice3A_228 = vector.extract_strided_slice %add3A_227 {offsets = [0, 0], sizes = [2, 2040], strides = [1, 1]} : vector<2x2048xi32> to vector<2x2040xi32>
    %jit3A_229 = arith.constant 0 : i32
    %pad3A_230 = vector.broadcast %jit3A_229 : i32 to vector<2x8xi32>
    %pad3A_231 = tpu.concatenate %pad3A_230, %slice3A_228 in 1 : vector<2x8xi32>, vector<2x2040xi32> -> vector<2x2048xi32>
    %add3A_232 = arith.addi %add3A_227, %pad3A_231 : vector<2x2048xi32>
    %slice3A_233 = vector.extract_strided_slice %add3A_232 {offsets = [0, 0], sizes = [2, 2032], strides = [1, 1]} : vector<2x2048xi32> to vector<2x2032xi32>
    %jit3A_234 = arith.constant 0 : i32
    %pad3A_235 = vector.broadcast %jit3A_234 : i32 to vector<2x16xi32>
    %pad3A_236 = tpu.concatenate %pad3A_235, %slice3A_233 in 1 : vector<2x16xi32>, vector<2x2032xi32> -> vector<2x2048xi32>
    %add3A_237 = arith.addi %add3A_232, %pad3A_236 : vector<2x2048xi32>
    %slice3A_238 = vector.extract_strided_slice %add3A_237 {offsets = [0, 0], sizes = [2, 2016], strides = [1, 1]} : vector<2x2048xi32> to vector<2x2016xi32>
    %jit3A_239 = arith.constant 0 : i32
    %pad3A_240 = vector.broadcast %jit3A_239 : i32 to vector<2x32xi32>
    %pad3A_241 = tpu.concatenate %pad3A_240, %slice3A_238 in 1 : vector<2x32xi32>, vector<2x2016xi32> -> vector<2x2048xi32>
    %add3A_242 = arith.addi %add3A_237, %pad3A_241 : vector<2x2048xi32>
    %slice3A_243 = vector.extract_strided_slice %add3A_242 {offsets = [0, 0], sizes = [2, 1984], strides = [1, 1]} : vector<2x2048xi32> to vector<2x1984xi32>
    %jit3A_244 = arith.constant 0 : i32
    %pad3A_245 = vector.broadcast %jit3A_244 : i32 to vector<2x64xi32>
    %pad3A_246 = tpu.concatenate %pad3A_245, %slice3A_243 in 1 : vector<2x64xi32>, vector<2x1984xi32> -> vector<2x2048xi32>
    %add3A_247 = arith.addi %add3A_242, %pad3A_246 : vector<2x2048xi32>
    %slice3A_248 = vector.extract_strided_slice %add3A_247 {offsets = [0, 0], sizes = [2, 1920], strides = [1, 1]} : vector<2x2048xi32> to vector<2x1920xi32>
    %jit3A_249 = arith.constant 0 : i32
    %pad3A_250 = vector.broadcast %jit3A_249 : i32 to vector<2x128xi32>
    %pad3A_251 = tpu.concatenate %pad3A_250, %slice3A_248 in 1 : vector<2x128xi32>, vector<2x1920xi32> -> vector<2x2048xi32>
    %add3A_252 = arith.addi %add3A_247, %pad3A_251 : vector<2x2048xi32>
    %slice3A_253 = vector.extract_strided_slice %add3A_252 {offsets = [0, 0], sizes = [2, 1792], strides = [1, 1]} : vector<2x2048xi32> to vector<2x1792xi32>
    %jit3A_254 = arith.constant 0 : i32
    %pad3A_255 = vector.broadcast %jit3A_254 : i32 to vector<2x256xi32>
    %pad3A_256 = tpu.concatenate %pad3A_255, %slice3A_253 in 1 : vector<2x256xi32>, vector<2x1792xi32> -> vector<2x2048xi32>
    %add3A_257 = arith.addi %add3A_252, %pad3A_256 : vector<2x2048xi32>
    %slice3A_258 = vector.extract_strided_slice %add3A_257 {offsets = [0, 0], sizes = [2, 1536], strides = [1, 1]} : vector<2x2048xi32> to vector<2x1536xi32>
    %jit3A_259 = arith.constant 0 : i32
    %pad3A_260 = vector.broadcast %jit3A_259 : i32 to vector<2x512xi32>
    %pad3A_261 = tpu.concatenate %pad3A_260, %slice3A_258 in 1 : vector<2x512xi32>, vector<2x1536xi32> -> vector<2x2048xi32>
    %add3A_262 = arith.addi %add3A_257, %pad3A_261 : vector<2x2048xi32>
    %slice3A_263 = vector.extract_strided_slice %add3A_262 {offsets = [0, 0], sizes = [2, 1024], strides = [1, 1]} : vector<2x2048xi32> to vector<2x1024xi32>
    %jit3A_264 = arith.constant 0 : i32
    %pad3A_265 = vector.broadcast %jit3A_264 : i32 to vector<2x1024xi32>
    %pad3A_266 = tpu.concatenate %pad3A_265, %slice3A_263 in 1 : vector<2x1024xi32>, vector<2x1024xi32> -> vector<2x2048xi32>
    %add3A_267 = arith.addi %add3A_262, %pad3A_266 : vector<2x2048xi32>
    %slice3A_268 = vector.extract_strided_slice %add3A_267 {offsets = [0, 2047], sizes = [1, 1], strides = [1, 1]} : vector<2x2048xi32> to vector<1x1xi32>
    %slice3A_269 = vector.extract_strided_slice %add3A_267 {offsets = [1, 2047], sizes = [1, 1], strides = [1, 1]} : vector<2x2048xi32> to vector<1x1xi32>
    %broadcast_in_dim3A_270 = arith.constant 0 : i32
    %broadcast_in_dim3A_271 = vector.broadcast %broadcast_in_dim3A_270 : i32 to vector<1x1xi32>
    %concatenate3A_272 = tpu.concatenate %broadcast_in_dim3A_271, %slice3A_268 in 0 : vector<1x1xi32>, vector<1x1xi32> -> vector<2x1xi32>
    %sub3A_273 = arith.subi %add3A_267, %select_n3A_212 : vector<2x2048xi32>
    %add3A_274 = vector.broadcast %concatenate3A_272 : vector<2x1xi32> to vector<2x2048xi32>
    %add3A_275 = arith.addi %sub3A_273, %add3A_274 : vector<2x2048xi32>
    %mul3A_276 = arith.muli %select_n3A_212, %add3A_275 : vector<2x2048xi32>
    %add3A_277 = arith.addi %add3A_194, %mul3A_276 : vector<2x2048xi32>
    %eq3A_278 = arith.constant 2 : i32
    %eq3A_279 = vector.broadcast %eq3A_278 : i32 to vector<1x8xi32>
    %eq3A_280 = arith.cmpi eq, %iota3A_41, %eq3A_279 : vector<1x8xi32>
    %add3A_281 = arith.addi %slice3A_268, %slice3A_269 : vector<1x1xi32>
    %jit3A_282 = arith.constant 0 : i32
    %broadcast_in_dim3A_283 = vector.shape_cast %add3A_281 : vector<1x1xi32> to vector<1x1xi32>
    %broadcast_in_dim3A_284 = vector.broadcast %broadcast_in_dim3A_283 : vector<1x1xi32> to vector<1x8xi32>
    %broadcast_in_dim3A_285 = vector.broadcast %jit3A_282 : i32 to vector<1x8xi32>
    %select_n3A_286 = arith.select %eq3A_280, %broadcast_in_dim3A_284, %broadcast_in_dim3A_285 : vector<1x8xi1>, vector<1x8xi32>
    %add3A_287 = arith.addi %add3A_204, %select_n3A_286 : vector<1x8xi32>
    %eq3A_288 = arith.constant 3 : i32
    %eq3A_289 = vector.broadcast %eq3A_288 : i32 to vector<2x2048xi32>
    %eq3A_290 = arith.cmpi eq, %concatenate3A, %eq3A_289 : vector<2x2048xi32>
    %jit3A_291 = arith.constant 1 : i32
    %jit3A_292 = arith.constant 0 : i32
    %broadcast_in_dim3A_293 = vector.broadcast %jit3A_291 : i32 to vector<2x2048xi32>
    %broadcast_in_dim3A_294 = vector.broadcast %jit3A_292 : i32 to vector<2x2048xi32>
    %select_n3A_295 = arith.select %eq3A_290, %broadcast_in_dim3A_293, %broadcast_in_dim3A_294 : vector<2x2048xi1>, vector<2x2048xi32>
    %slice3A_296 = vector.extract_strided_slice %select_n3A_295 {offsets = [0, 0], sizes = [2, 2047], strides = [1, 1]} : vector<2x2048xi32> to vector<2x2047xi32>
    %jit3A_297 = arith.constant 0 : i32
    %pad3A_298 = vector.broadcast %jit3A_297 : i32 to vector<2x1xi32>
    %pad3A_299 = tpu.concatenate %pad3A_298, %slice3A_296 in 1 : vector<2x1xi32>, vector<2x2047xi32> -> vector<2x2048xi32>
    %add3A_300 = arith.addi %select_n3A_295, %pad3A_299 : vector<2x2048xi32>
    %slice3A_301 = vector.extract_strided_slice %add3A_300 {offsets = [0, 0], sizes = [2, 2046], strides = [1, 1]} : vector<2x2048xi32> to vector<2x2046xi32>
    %jit3A_302 = arith.constant 0 : i32
    %pad3A_303 = vector.broadcast %jit3A_302 : i32 to vector<2x2xi32>
    %pad3A_304 = tpu.concatenate %pad3A_303, %slice3A_301 in 1 : vector<2x2xi32>, vector<2x2046xi32> -> vector<2x2048xi32>
    %add3A_305 = arith.addi %add3A_300, %pad3A_304 : vector<2x2048xi32>
    %slice3A_306 = vector.extract_strided_slice %add3A_305 {offsets = [0, 0], sizes = [2, 2044], strides = [1, 1]} : vector<2x2048xi32> to vector<2x2044xi32>
    %jit3A_307 = arith.constant 0 : i32
    %pad3A_308 = vector.broadcast %jit3A_307 : i32 to vector<2x4xi32>
    %pad3A_309 = tpu.concatenate %pad3A_308, %slice3A_306 in 1 : vector<2x4xi32>, vector<2x2044xi32> -> vector<2x2048xi32>
    %add3A_310 = arith.addi %add3A_305, %pad3A_309 : vector<2x2048xi32>
    %slice3A_311 = vector.extract_strided_slice %add3A_310 {offsets = [0, 0], sizes = [2, 2040], strides = [1, 1]} : vector<2x2048xi32> to vector<2x2040xi32>
    %jit3A_312 = arith.constant 0 : i32
    %pad3A_313 = vector.broadcast %jit3A_312 : i32 to vector<2x8xi32>
    %pad3A_314 = tpu.concatenate %pad3A_313, %slice3A_311 in 1 : vector<2x8xi32>, vector<2x2040xi32> -> vector<2x2048xi32>
    %add3A_315 = arith.addi %add3A_310, %pad3A_314 : vector<2x2048xi32>
    %slice3A_316 = vector.extract_strided_slice %add3A_315 {offsets = [0, 0], sizes = [2, 2032], strides = [1, 1]} : vector<2x2048xi32> to vector<2x2032xi32>
    %jit3A_317 = arith.constant 0 : i32
    %pad3A_318 = vector.broadcast %jit3A_317 : i32 to vector<2x16xi32>
    %pad3A_319 = tpu.concatenate %pad3A_318, %slice3A_316 in 1 : vector<2x16xi32>, vector<2x2032xi32> -> vector<2x2048xi32>
    %add3A_320 = arith.addi %add3A_315, %pad3A_319 : vector<2x2048xi32>
    %slice3A_321 = vector.extract_strided_slice %add3A_320 {offsets = [0, 0], sizes = [2, 2016], strides = [1, 1]} : vector<2x2048xi32> to vector<2x2016xi32>
    %jit3A_322 = arith.constant 0 : i32
    %pad3A_323 = vector.broadcast %jit3A_322 : i32 to vector<2x32xi32>
    %pad3A_324 = tpu.concatenate %pad3A_323, %slice3A_321 in 1 : vector<2x32xi32>, vector<2x2016xi32> -> vector<2x2048xi32>
    %add3A_325 = arith.addi %add3A_320, %pad3A_324 : vector<2x2048xi32>
    %slice3A_326 = vector.extract_strided_slice %add3A_325 {offsets = [0, 0], sizes = [2, 1984], strides = [1, 1]} : vector<2x2048xi32> to vector<2x1984xi32>
    %jit3A_327 = arith.constant 0 : i32
    %pad3A_328 = vector.broadcast %jit3A_327 : i32 to vector<2x64xi32>
    %pad3A_329 = tpu.concatenate %pad3A_328, %slice3A_326 in 1 : vector<2x64xi32>, vector<2x1984xi32> -> vector<2x2048xi32>
    %add3A_330 = arith.addi %add3A_325, %pad3A_329 : vector<2x2048xi32>
    %slice3A_331 = vector.extract_strided_slice %add3A_330 {offsets = [0, 0], sizes = [2, 1920], strides = [1, 1]} : vector<2x2048xi32> to vector<2x1920xi32>
    %jit3A_332 = arith.constant 0 : i32
    %pad3A_333 = vector.broadcast %jit3A_332 : i32 to vector<2x128xi32>
    %pad3A_334 = tpu.concatenate %pad3A_333, %slice3A_331 in 1 : vector<2x128xi32>, vector<2x1920xi32> -> vector<2x2048xi32>
    %add3A_335 = arith.addi %add3A_330, %pad3A_334 : vector<2x2048xi32>
    %slice3A_336 = vector.extract_strided_slice %add3A_335 {offsets = [0, 0], sizes = [2, 1792], strides = [1, 1]} : vector<2x2048xi32> to vector<2x1792xi32>
    %jit3A_337 = arith.constant 0 : i32
    %pad3A_338 = vector.broadcast %jit3A_337 : i32 to vector<2x256xi32>
    %pad3A_339 = tpu.concatenate %pad3A_338, %slice3A_336 in 1 : vector<2x256xi32>, vector<2x1792xi32> -> vector<2x2048xi32>
    %add3A_340 = arith.addi %add3A_335, %pad3A_339 : vector<2x2048xi32>
    %slice3A_341 = vector.extract_strided_slice %add3A_340 {offsets = [0, 0], sizes = [2, 1536], strides = [1, 1]} : vector<2x2048xi32> to vector<2x1536xi32>
    %jit3A_342 = arith.constant 0 : i32
    %pad3A_343 = vector.broadcast %jit3A_342 : i32 to vector<2x512xi32>
    %pad3A_344 = tpu.concatenate %pad3A_343, %slice3A_341 in 1 : vector<2x512xi32>, vector<2x1536xi32> -> vector<2x2048xi32>
    %add3A_345 = arith.addi %add3A_340, %pad3A_344 : vector<2x2048xi32>
    %slice3A_346 = vector.extract_strided_slice %add3A_345 {offsets = [0, 0], sizes = [2, 1024], strides = [1, 1]} : vector<2x2048xi32> to vector<2x1024xi32>
    %jit3A_347 = arith.constant 0 : i32
    %pad3A_348 = vector.broadcast %jit3A_347 : i32 to vector<2x1024xi32>
    %pad3A_349 = tpu.concatenate %pad3A_348, %slice3A_346 in 1 : vector<2x1024xi32>, vector<2x1024xi32> -> vector<2x2048xi32>
    %add3A_350 = arith.addi %add3A_345, %pad3A_349 : vector<2x2048xi32>
    %slice3A_351 = vector.extract_strided_slice %add3A_350 {offsets = [0, 2047], sizes = [1, 1], strides = [1, 1]} : vector<2x2048xi32> to vector<1x1xi32>
    %slice3A_352 = vector.extract_strided_slice %add3A_350 {offsets = [1, 2047], sizes = [1, 1], strides = [1, 1]} : vector<2x2048xi32> to vector<1x1xi32>
    %broadcast_in_dim3A_353 = arith.constant 0 : i32
    %broadcast_in_dim3A_354 = vector.broadcast %broadcast_in_dim3A_353 : i32 to vector<1x1xi32>
    %concatenate3A_355 = tpu.concatenate %broadcast_in_dim3A_354, %slice3A_351 in 0 : vector<1x1xi32>, vector<1x1xi32> -> vector<2x1xi32>
    %sub3A_356 = arith.subi %add3A_350, %select_n3A_295 : vector<2x2048xi32>
    %add3A_357 = vector.broadcast %concatenate3A_355 : vector<2x1xi32> to vector<2x2048xi32>
    %add3A_358 = arith.addi %sub3A_356, %add3A_357 : vector<2x2048xi32>
    %mul3A_359 = arith.muli %select_n3A_295, %add3A_358 : vector<2x2048xi32>
    %add3A_360 = arith.addi %add3A_277, %mul3A_359 : vector<2x2048xi32>
    %eq3A_361 = arith.constant 3 : i32
    %eq3A_362 = vector.broadcast %eq3A_361 : i32 to vector<1x8xi32>
    %eq3A_363 = arith.cmpi eq, %iota3A_41, %eq3A_362 : vector<1x8xi32>
    %add3A_364 = arith.addi %slice3A_351, %slice3A_352 : vector<1x1xi32>
    %jit3A_365 = arith.constant 0 : i32
    %broadcast_in_dim3A_366 = vector.shape_cast %add3A_364 : vector<1x1xi32> to vector<1x1xi32>
    %broadcast_in_dim3A_367 = vector.broadcast %broadcast_in_dim3A_366 : vector<1x1xi32> to vector<1x8xi32>
    %broadcast_in_dim3A_368 = vector.broadcast %jit3A_365 : i32 to vector<1x8xi32>
    %select_n3A_369 = arith.select %eq3A_363, %broadcast_in_dim3A_367, %broadcast_in_dim3A_368 : vector<1x8xi1>, vector<1x8xi32>
    %add3A_370 = arith.addi %add3A_287, %select_n3A_369 : vector<1x8xi32>
    %eq3A_371 = arith.constant 4 : i32
    %eq3A_372 = vector.broadcast %eq3A_371 : i32 to vector<2x2048xi32>
    %eq3A_373 = arith.cmpi eq, %concatenate3A, %eq3A_372 : vector<2x2048xi32>
    %jit3A_374 = arith.constant 1 : i32
    %jit3A_375 = arith.constant 0 : i32
    %broadcast_in_dim3A_376 = vector.broadcast %jit3A_374 : i32 to vector<2x2048xi32>
    %broadcast_in_dim3A_377 = vector.broadcast %jit3A_375 : i32 to vector<2x2048xi32>
    %select_n3A_378 = arith.select %eq3A_373, %broadcast_in_dim3A_376, %broadcast_in_dim3A_377 : vector<2x2048xi1>, vector<2x2048xi32>
    %slice3A_379 = vector.extract_strided_slice %select_n3A_378 {offsets = [0, 0], sizes = [2, 2047], strides = [1, 1]} : vector<2x2048xi32> to vector<2x2047xi32>
    %jit3A_380 = arith.constant 0 : i32
    %pad3A_381 = vector.broadcast %jit3A_380 : i32 to vector<2x1xi32>
    %pad3A_382 = tpu.concatenate %pad3A_381, %slice3A_379 in 1 : vector<2x1xi32>, vector<2x2047xi32> -> vector<2x2048xi32>
    %add3A_383 = arith.addi %select_n3A_378, %pad3A_382 : vector<2x2048xi32>
    %slice3A_384 = vector.extract_strided_slice %add3A_383 {offsets = [0, 0], sizes = [2, 2046], strides = [1, 1]} : vector<2x2048xi32> to vector<2x2046xi32>
    %jit3A_385 = arith.constant 0 : i32
    %pad3A_386 = vector.broadcast %jit3A_385 : i32 to vector<2x2xi32>
    %pad3A_387 = tpu.concatenate %pad3A_386, %slice3A_384 in 1 : vector<2x2xi32>, vector<2x2046xi32> -> vector<2x2048xi32>
    %add3A_388 = arith.addi %add3A_383, %pad3A_387 : vector<2x2048xi32>
    %slice3A_389 = vector.extract_strided_slice %add3A_388 {offsets = [0, 0], sizes = [2, 2044], strides = [1, 1]} : vector<2x2048xi32> to vector<2x2044xi32>
    %jit3A_390 = arith.constant 0 : i32
    %pad3A_391 = vector.broadcast %jit3A_390 : i32 to vector<2x4xi32>
    %pad3A_392 = tpu.concatenate %pad3A_391, %slice3A_389 in 1 : vector<2x4xi32>, vector<2x2044xi32> -> vector<2x2048xi32>
    %add3A_393 = arith.addi %add3A_388, %pad3A_392 : vector<2x2048xi32>
    %slice3A_394 = vector.extract_strided_slice %add3A_393 {offsets = [0, 0], sizes = [2, 2040], strides = [1, 1]} : vector<2x2048xi32> to vector<2x2040xi32>
    %jit3A_395 = arith.constant 0 : i32
    %pad3A_396 = vector.broadcast %jit3A_395 : i32 to vector<2x8xi32>
    %pad3A_397 = tpu.concatenate %pad3A_396, %slice3A_394 in 1 : vector<2x8xi32>, vector<2x2040xi32> -> vector<2x2048xi32>
    %add3A_398 = arith.addi %add3A_393, %pad3A_397 : vector<2x2048xi32>
    %slice3A_399 = vector.extract_strided_slice %add3A_398 {offsets = [0, 0], sizes = [2, 2032], strides = [1, 1]} : vector<2x2048xi32> to vector<2x2032xi32>
    %jit3A_400 = arith.constant 0 : i32
    %pad3A_401 = vector.broadcast %jit3A_400 : i32 to vector<2x16xi32>
    %pad3A_402 = tpu.concatenate %pad3A_401, %slice3A_399 in 1 : vector<2x16xi32>, vector<2x2032xi32> -> vector<2x2048xi32>
    %add3A_403 = arith.addi %add3A_398, %pad3A_402 : vector<2x2048xi32>
    %slice3A_404 = vector.extract_strided_slice %add3A_403 {offsets = [0, 0], sizes = [2, 2016], strides = [1, 1]} : vector<2x2048xi32> to vector<2x2016xi32>
    %jit3A_405 = arith.constant 0 : i32
    %pad3A_406 = vector.broadcast %jit3A_405 : i32 to vector<2x32xi32>
    %pad3A_407 = tpu.concatenate %pad3A_406, %slice3A_404 in 1 : vector<2x32xi32>, vector<2x2016xi32> -> vector<2x2048xi32>
    %add3A_408 = arith.addi %add3A_403, %pad3A_407 : vector<2x2048xi32>
    %slice3A_409 = vector.extract_strided_slice %add3A_408 {offsets = [0, 0], sizes = [2, 1984], strides = [1, 1]} : vector<2x2048xi32> to vector<2x1984xi32>
    %jit3A_410 = arith.constant 0 : i32
    %pad3A_411 = vector.broadcast %jit3A_410 : i32 to vector<2x64xi32>
    %pad3A_412 = tpu.concatenate %pad3A_411, %slice3A_409 in 1 : vector<2x64xi32>, vector<2x1984xi32> -> vector<2x2048xi32>
    %add3A_413 = arith.addi %add3A_408, %pad3A_412 : vector<2x2048xi32>
    %slice3A_414 = vector.extract_strided_slice %add3A_413 {offsets = [0, 0], sizes = [2, 1920], strides = [1, 1]} : vector<2x2048xi32> to vector<2x1920xi32>
    %jit3A_415 = arith.constant 0 : i32
    %pad3A_416 = vector.broadcast %jit3A_415 : i32 to vector<2x128xi32>
    %pad3A_417 = tpu.concatenate %pad3A_416, %slice3A_414 in 1 : vector<2x128xi32>, vector<2x1920xi32> -> vector<2x2048xi32>
    %add3A_418 = arith.addi %add3A_413, %pad3A_417 : vector<2x2048xi32>
    %slice3A_419 = vector.extract_strided_slice %add3A_418 {offsets = [0, 0], sizes = [2, 1792], strides = [1, 1]} : vector<2x2048xi32> to vector<2x1792xi32>
    %jit3A_420 = arith.constant 0 : i32
    %pad3A_421 = vector.broadcast %jit3A_420 : i32 to vector<2x256xi32>
    %pad3A_422 = tpu.concatenate %pad3A_421, %slice3A_419 in 1 : vector<2x256xi32>, vector<2x1792xi32> -> vector<2x2048xi32>
    %add3A_423 = arith.addi %add3A_418, %pad3A_422 : vector<2x2048xi32>
    %slice3A_424 = vector.extract_strided_slice %add3A_423 {offsets = [0, 0], sizes = [2, 1536], strides = [1, 1]} : vector<2x2048xi32> to vector<2x1536xi32>
    %jit3A_425 = arith.constant 0 : i32
    %pad3A_426 = vector.broadcast %jit3A_425 : i32 to vector<2x512xi32>
    %pad3A_427 = tpu.concatenate %pad3A_426, %slice3A_424 in 1 : vector<2x512xi32>, vector<2x1536xi32> -> vector<2x2048xi32>
    %add3A_428 = arith.addi %add3A_423, %pad3A_427 : vector<2x2048xi32>
    %slice3A_429 = vector.extract_strided_slice %add3A_428 {offsets = [0, 0], sizes = [2, 1024], strides = [1, 1]} : vector<2x2048xi32> to vector<2x1024xi32>
    %jit3A_430 = arith.constant 0 : i32
    %pad3A_431 = vector.broadcast %jit3A_430 : i32 to vector<2x1024xi32>
    %pad3A_432 = tpu.concatenate %pad3A_431, %slice3A_429 in 1 : vector<2x1024xi32>, vector<2x1024xi32> -> vector<2x2048xi32>
    %add3A_433 = arith.addi %add3A_428, %pad3A_432 : vector<2x2048xi32>
    %slice3A_434 = vector.extract_strided_slice %add3A_433 {offsets = [0, 2047], sizes = [1, 1], strides = [1, 1]} : vector<2x2048xi32> to vector<1x1xi32>
    %slice3A_435 = vector.extract_strided_slice %add3A_433 {offsets = [1, 2047], sizes = [1, 1], strides = [1, 1]} : vector<2x2048xi32> to vector<1x1xi32>
    %broadcast_in_dim3A_436 = arith.constant 0 : i32
    %broadcast_in_dim3A_437 = vector.broadcast %broadcast_in_dim3A_436 : i32 to vector<1x1xi32>
    %concatenate3A_438 = tpu.concatenate %broadcast_in_dim3A_437, %slice3A_434 in 0 : vector<1x1xi32>, vector<1x1xi32> -> vector<2x1xi32>
    %sub3A_439 = arith.subi %add3A_433, %select_n3A_378 : vector<2x2048xi32>
    %add3A_440 = vector.broadcast %concatenate3A_438 : vector<2x1xi32> to vector<2x2048xi32>
    %add3A_441 = arith.addi %sub3A_439, %add3A_440 : vector<2x2048xi32>
    %mul3A_442 = arith.muli %select_n3A_378, %add3A_441 : vector<2x2048xi32>
    %add3A_443 = arith.addi %add3A_360, %mul3A_442 : vector<2x2048xi32>
    %eq3A_444 = arith.constant 4 : i32
    %eq3A_445 = vector.broadcast %eq3A_444 : i32 to vector<1x8xi32>
    %eq3A_446 = arith.cmpi eq, %iota3A_41, %eq3A_445 : vector<1x8xi32>
    %add3A_447 = arith.addi %slice3A_434, %slice3A_435 : vector<1x1xi32>
    %jit3A_448 = arith.constant 0 : i32
    %broadcast_in_dim3A_449 = vector.shape_cast %add3A_447 : vector<1x1xi32> to vector<1x1xi32>
    %broadcast_in_dim3A_450 = vector.broadcast %broadcast_in_dim3A_449 : vector<1x1xi32> to vector<1x8xi32>
    %broadcast_in_dim3A_451 = vector.broadcast %jit3A_448 : i32 to vector<1x8xi32>
    %select_n3A_452 = arith.select %eq3A_446, %broadcast_in_dim3A_450, %broadcast_in_dim3A_451 : vector<1x8xi1>, vector<1x8xi32>
    %add3A_453 = arith.addi %add3A_370, %select_n3A_452 : vector<1x8xi32>
    %eq3A_454 = arith.constant 5 : i32
    %eq3A_455 = vector.broadcast %eq3A_454 : i32 to vector<2x2048xi32>
    %eq3A_456 = arith.cmpi eq, %concatenate3A, %eq3A_455 : vector<2x2048xi32>
    %jit3A_457 = arith.constant 1 : i32
    %jit3A_458 = arith.constant 0 : i32
    %broadcast_in_dim3A_459 = vector.broadcast %jit3A_457 : i32 to vector<2x2048xi32>
    %broadcast_in_dim3A_460 = vector.broadcast %jit3A_458 : i32 to vector<2x2048xi32>
    %select_n3A_461 = arith.select %eq3A_456, %broadcast_in_dim3A_459, %broadcast_in_dim3A_460 : vector<2x2048xi1>, vector<2x2048xi32>
    %slice3A_462 = vector.extract_strided_slice %select_n3A_461 {offsets = [0, 0], sizes = [2, 2047], strides = [1, 1]} : vector<2x2048xi32> to vector<2x2047xi32>
    %jit3A_463 = arith.constant 0 : i32
    %pad3A_464 = vector.broadcast %jit3A_463 : i32 to vector<2x1xi32>
    %pad3A_465 = tpu.concatenate %pad3A_464, %slice3A_462 in 1 : vector<2x1xi32>, vector<2x2047xi32> -> vector<2x2048xi32>
    %add3A_466 = arith.addi %select_n3A_461, %pad3A_465 : vector<2x2048xi32>
    %slice3A_467 = vector.extract_strided_slice %add3A_466 {offsets = [0, 0], sizes = [2, 2046], strides = [1, 1]} : vector<2x2048xi32> to vector<2x2046xi32>
    %jit3A_468 = arith.constant 0 : i32
    %pad3A_469 = vector.broadcast %jit3A_468 : i32 to vector<2x2xi32>
    %pad3A_470 = tpu.concatenate %pad3A_469, %slice3A_467 in 1 : vector<2x2xi32>, vector<2x2046xi32> -> vector<2x2048xi32>
    %add3A_471 = arith.addi %add3A_466, %pad3A_470 : vector<2x2048xi32>
    %slice3A_472 = vector.extract_strided_slice %add3A_471 {offsets = [0, 0], sizes = [2, 2044], strides = [1, 1]} : vector<2x2048xi32> to vector<2x2044xi32>
    %jit3A_473 = arith.constant 0 : i32
    %pad3A_474 = vector.broadcast %jit3A_473 : i32 to vector<2x4xi32>
    %pad3A_475 = tpu.concatenate %pad3A_474, %slice3A_472 in 1 : vector<2x4xi32>, vector<2x2044xi32> -> vector<2x2048xi32>
    %add3A_476 = arith.addi %add3A_471, %pad3A_475 : vector<2x2048xi32>
    %slice3A_477 = vector.extract_strided_slice %add3A_476 {offsets = [0, 0], sizes = [2, 2040], strides = [1, 1]} : vector<2x2048xi32> to vector<2x2040xi32>
    %jit3A_478 = arith.constant 0 : i32
    %pad3A_479 = vector.broadcast %jit3A_478 : i32 to vector<2x8xi32>
    %pad3A_480 = tpu.concatenate %pad3A_479, %slice3A_477 in 1 : vector<2x8xi32>, vector<2x2040xi32> -> vector<2x2048xi32>
    %add3A_481 = arith.addi %add3A_476, %pad3A_480 : vector<2x2048xi32>
    %slice3A_482 = vector.extract_strided_slice %add3A_481 {offsets = [0, 0], sizes = [2, 2032], strides = [1, 1]} : vector<2x2048xi32> to vector<2x2032xi32>
    %jit3A_483 = arith.constant 0 : i32
    %pad3A_484 = vector.broadcast %jit3A_483 : i32 to vector<2x16xi32>
    %pad3A_485 = tpu.concatenate %pad3A_484, %slice3A_482 in 1 : vector<2x16xi32>, vector<2x2032xi32> -> vector<2x2048xi32>
    %add3A_486 = arith.addi %add3A_481, %pad3A_485 : vector<2x2048xi32>
    %slice3A_487 = vector.extract_strided_slice %add3A_486 {offsets = [0, 0], sizes = [2, 2016], strides = [1, 1]} : vector<2x2048xi32> to vector<2x2016xi32>
    %jit3A_488 = arith.constant 0 : i32
    %pad3A_489 = vector.broadcast %jit3A_488 : i32 to vector<2x32xi32>
    %pad3A_490 = tpu.concatenate %pad3A_489, %slice3A_487 in 1 : vector<2x32xi32>, vector<2x2016xi32> -> vector<2x2048xi32>
    %add3A_491 = arith.addi %add3A_486, %pad3A_490 : vector<2x2048xi32>
    %slice3A_492 = vector.extract_strided_slice %add3A_491 {offsets = [0, 0], sizes = [2, 1984], strides = [1, 1]} : vector<2x2048xi32> to vector<2x1984xi32>
    %jit3A_493 = arith.constant 0 : i32
    %pad3A_494 = vector.broadcast %jit3A_493 : i32 to vector<2x64xi32>
    %pad3A_495 = tpu.concatenate %pad3A_494, %slice3A_492 in 1 : vector<2x64xi32>, vector<2x1984xi32> -> vector<2x2048xi32>
    %add3A_496 = arith.addi %add3A_491, %pad3A_495 : vector<2x2048xi32>
    %slice3A_497 = vector.extract_strided_slice %add3A_496 {offsets = [0, 0], sizes = [2, 1920], strides = [1, 1]} : vector<2x2048xi32> to vector<2x1920xi32>
    %jit3A_498 = arith.constant 0 : i32
    %pad3A_499 = vector.broadcast %jit3A_498 : i32 to vector<2x128xi32>
    %pad3A_500 = tpu.concatenate %pad3A_499, %slice3A_497 in 1 : vector<2x128xi32>, vector<2x1920xi32> -> vector<2x2048xi32>
    %add3A_501 = arith.addi %add3A_496, %pad3A_500 : vector<2x2048xi32>
    %slice3A_502 = vector.extract_strided_slice %add3A_501 {offsets = [0, 0], sizes = [2, 1792], strides = [1, 1]} : vector<2x2048xi32> to vector<2x1792xi32>
    %jit3A_503 = arith.constant 0 : i32
    %pad3A_504 = vector.broadcast %jit3A_503 : i32 to vector<2x256xi32>
    %pad3A_505 = tpu.concatenate %pad3A_504, %slice3A_502 in 1 : vector<2x256xi32>, vector<2x1792xi32> -> vector<2x2048xi32>
    %add3A_506 = arith.addi %add3A_501, %pad3A_505 : vector<2x2048xi32>
    %slice3A_507 = vector.extract_strided_slice %add3A_506 {offsets = [0, 0], sizes = [2, 1536], strides = [1, 1]} : vector<2x2048xi32> to vector<2x1536xi32>
    %jit3A_508 = arith.constant 0 : i32
    %pad3A_509 = vector.broadcast %jit3A_508 : i32 to vector<2x512xi32>
    %pad3A_510 = tpu.concatenate %pad3A_509, %slice3A_507 in 1 : vector<2x512xi32>, vector<2x1536xi32> -> vector<2x2048xi32>
    %add3A_511 = arith.addi %add3A_506, %pad3A_510 : vector<2x2048xi32>
    %slice3A_512 = vector.extract_strided_slice %add3A_511 {offsets = [0, 0], sizes = [2, 1024], strides = [1, 1]} : vector<2x2048xi32> to vector<2x1024xi32>
    %jit3A_513 = arith.constant 0 : i32
    %pad3A_514 = vector.broadcast %jit3A_513 : i32 to vector<2x1024xi32>
    %pad3A_515 = tpu.concatenate %pad3A_514, %slice3A_512 in 1 : vector<2x1024xi32>, vector<2x1024xi32> -> vector<2x2048xi32>
    %add3A_516 = arith.addi %add3A_511, %pad3A_515 : vector<2x2048xi32>
    %slice3A_517 = vector.extract_strided_slice %add3A_516 {offsets = [0, 2047], sizes = [1, 1], strides = [1, 1]} : vector<2x2048xi32> to vector<1x1xi32>
    %slice3A_518 = vector.extract_strided_slice %add3A_516 {offsets = [1, 2047], sizes = [1, 1], strides = [1, 1]} : vector<2x2048xi32> to vector<1x1xi32>
    %broadcast_in_dim3A_519 = arith.constant 0 : i32
    %broadcast_in_dim3A_520 = vector.broadcast %broadcast_in_dim3A_519 : i32 to vector<1x1xi32>
    %concatenate3A_521 = tpu.concatenate %broadcast_in_dim3A_520, %slice3A_517 in 0 : vector<1x1xi32>, vector<1x1xi32> -> vector<2x1xi32>
    %sub3A_522 = arith.subi %add3A_516, %select_n3A_461 : vector<2x2048xi32>
    %add3A_523 = vector.broadcast %concatenate3A_521 : vector<2x1xi32> to vector<2x2048xi32>
    %add3A_524 = arith.addi %sub3A_522, %add3A_523 : vector<2x2048xi32>
    %mul3A_525 = arith.muli %select_n3A_461, %add3A_524 : vector<2x2048xi32>
    %add3A_526 = arith.addi %add3A_443, %mul3A_525 : vector<2x2048xi32>
    %eq3A_527 = arith.constant 5 : i32
    %eq3A_528 = vector.broadcast %eq3A_527 : i32 to vector<1x8xi32>
    %eq3A_529 = arith.cmpi eq, %iota3A_41, %eq3A_528 : vector<1x8xi32>
    %add3A_530 = arith.addi %slice3A_517, %slice3A_518 : vector<1x1xi32>
    %jit3A_531 = arith.constant 0 : i32
    %broadcast_in_dim3A_532 = vector.shape_cast %add3A_530 : vector<1x1xi32> to vector<1x1xi32>
    %broadcast_in_dim3A_533 = vector.broadcast %broadcast_in_dim3A_532 : vector<1x1xi32> to vector<1x8xi32>
    %broadcast_in_dim3A_534 = vector.broadcast %jit3A_531 : i32 to vector<1x8xi32>
    %select_n3A_535 = arith.select %eq3A_529, %broadcast_in_dim3A_533, %broadcast_in_dim3A_534 : vector<1x8xi1>, vector<1x8xi32>
    %add3A_536 = arith.addi %add3A_453, %select_n3A_535 : vector<1x8xi32>
    %eq3A_537 = arith.constant 6 : i32
    %eq3A_538 = vector.broadcast %eq3A_537 : i32 to vector<2x2048xi32>
    %eq3A_539 = arith.cmpi eq, %concatenate3A, %eq3A_538 : vector<2x2048xi32>
    %jit3A_540 = arith.constant 1 : i32
    %jit3A_541 = arith.constant 0 : i32
    %broadcast_in_dim3A_542 = vector.broadcast %jit3A_540 : i32 to vector<2x2048xi32>
    %broadcast_in_dim3A_543 = vector.broadcast %jit3A_541 : i32 to vector<2x2048xi32>
    %select_n3A_544 = arith.select %eq3A_539, %broadcast_in_dim3A_542, %broadcast_in_dim3A_543 : vector<2x2048xi1>, vector<2x2048xi32>
    %slice3A_545 = vector.extract_strided_slice %select_n3A_544 {offsets = [0, 0], sizes = [2, 2047], strides = [1, 1]} : vector<2x2048xi32> to vector<2x2047xi32>
    %jit3A_546 = arith.constant 0 : i32
    %pad3A_547 = vector.broadcast %jit3A_546 : i32 to vector<2x1xi32>
    %pad3A_548 = tpu.concatenate %pad3A_547, %slice3A_545 in 1 : vector<2x1xi32>, vector<2x2047xi32> -> vector<2x2048xi32>
    %add3A_549 = arith.addi %select_n3A_544, %pad3A_548 : vector<2x2048xi32>
    %slice3A_550 = vector.extract_strided_slice %add3A_549 {offsets = [0, 0], sizes = [2, 2046], strides = [1, 1]} : vector<2x2048xi32> to vector<2x2046xi32>
    %jit3A_551 = arith.constant 0 : i32
    %pad3A_552 = vector.broadcast %jit3A_551 : i32 to vector<2x2xi32>
    %pad3A_553 = tpu.concatenate %pad3A_552, %slice3A_550 in 1 : vector<2x2xi32>, vector<2x2046xi32> -> vector<2x2048xi32>
    %add3A_554 = arith.addi %add3A_549, %pad3A_553 : vector<2x2048xi32>
    %slice3A_555 = vector.extract_strided_slice %add3A_554 {offsets = [0, 0], sizes = [2, 2044], strides = [1, 1]} : vector<2x2048xi32> to vector<2x2044xi32>
    %jit3A_556 = arith.constant 0 : i32
    %pad3A_557 = vector.broadcast %jit3A_556 : i32 to vector<2x4xi32>
    %pad3A_558 = tpu.concatenate %pad3A_557, %slice3A_555 in 1 : vector<2x4xi32>, vector<2x2044xi32> -> vector<2x2048xi32>
    %add3A_559 = arith.addi %add3A_554, %pad3A_558 : vector<2x2048xi32>
    %slice3A_560 = vector.extract_strided_slice %add3A_559 {offsets = [0, 0], sizes = [2, 2040], strides = [1, 1]} : vector<2x2048xi32> to vector<2x2040xi32>
    %jit3A_561 = arith.constant 0 : i32
    %pad3A_562 = vector.broadcast %jit3A_561 : i32 to vector<2x8xi32>
    %pad3A_563 = tpu.concatenate %pad3A_562, %slice3A_560 in 1 : vector<2x8xi32>, vector<2x2040xi32> -> vector<2x2048xi32>
    %add3A_564 = arith.addi %add3A_559, %pad3A_563 : vector<2x2048xi32>
    %slice3A_565 = vector.extract_strided_slice %add3A_564 {offsets = [0, 0], sizes = [2, 2032], strides = [1, 1]} : vector<2x2048xi32> to vector<2x2032xi32>
    %jit3A_566 = arith.constant 0 : i32
    %pad3A_567 = vector.broadcast %jit3A_566 : i32 to vector<2x16xi32>
    %pad3A_568 = tpu.concatenate %pad3A_567, %slice3A_565 in 1 : vector<2x16xi32>, vector<2x2032xi32> -> vector<2x2048xi32>
    %add3A_569 = arith.addi %add3A_564, %pad3A_568 : vector<2x2048xi32>
    %slice3A_570 = vector.extract_strided_slice %add3A_569 {offsets = [0, 0], sizes = [2, 2016], strides = [1, 1]} : vector<2x2048xi32> to vector<2x2016xi32>
    %jit3A_571 = arith.constant 0 : i32
    %pad3A_572 = vector.broadcast %jit3A_571 : i32 to vector<2x32xi32>
    %pad3A_573 = tpu.concatenate %pad3A_572, %slice3A_570 in 1 : vector<2x32xi32>, vector<2x2016xi32> -> vector<2x2048xi32>
    %add3A_574 = arith.addi %add3A_569, %pad3A_573 : vector<2x2048xi32>
    %slice3A_575 = vector.extract_strided_slice %add3A_574 {offsets = [0, 0], sizes = [2, 1984], strides = [1, 1]} : vector<2x2048xi32> to vector<2x1984xi32>
    %jit3A_576 = arith.constant 0 : i32
    %pad3A_577 = vector.broadcast %jit3A_576 : i32 to vector<2x64xi32>
    %pad3A_578 = tpu.concatenate %pad3A_577, %slice3A_575 in 1 : vector<2x64xi32>, vector<2x1984xi32> -> vector<2x2048xi32>
    %add3A_579 = arith.addi %add3A_574, %pad3A_578 : vector<2x2048xi32>
    %slice3A_580 = vector.extract_strided_slice %add3A_579 {offsets = [0, 0], sizes = [2, 1920], strides = [1, 1]} : vector<2x2048xi32> to vector<2x1920xi32>
    %jit3A_581 = arith.constant 0 : i32
    %pad3A_582 = vector.broadcast %jit3A_581 : i32 to vector<2x128xi32>
    %pad3A_583 = tpu.concatenate %pad3A_582, %slice3A_580 in 1 : vector<2x128xi32>, vector<2x1920xi32> -> vector<2x2048xi32>
    %add3A_584 = arith.addi %add3A_579, %pad3A_583 : vector<2x2048xi32>
    %slice3A_585 = vector.extract_strided_slice %add3A_584 {offsets = [0, 0], sizes = [2, 1792], strides = [1, 1]} : vector<2x2048xi32> to vector<2x1792xi32>
    %jit3A_586 = arith.constant 0 : i32
    %pad3A_587 = vector.broadcast %jit3A_586 : i32 to vector<2x256xi32>
    %pad3A_588 = tpu.concatenate %pad3A_587, %slice3A_585 in 1 : vector<2x256xi32>, vector<2x1792xi32> -> vector<2x2048xi32>
    %add3A_589 = arith.addi %add3A_584, %pad3A_588 : vector<2x2048xi32>
    %slice3A_590 = vector.extract_strided_slice %add3A_589 {offsets = [0, 0], sizes = [2, 1536], strides = [1, 1]} : vector<2x2048xi32> to vector<2x1536xi32>
    %jit3A_591 = arith.constant 0 : i32
    %pad3A_592 = vector.broadcast %jit3A_591 : i32 to vector<2x512xi32>
    %pad3A_593 = tpu.concatenate %pad3A_592, %slice3A_590 in 1 : vector<2x512xi32>, vector<2x1536xi32> -> vector<2x2048xi32>
    %add3A_594 = arith.addi %add3A_589, %pad3A_593 : vector<2x2048xi32>
    %slice3A_595 = vector.extract_strided_slice %add3A_594 {offsets = [0, 0], sizes = [2, 1024], strides = [1, 1]} : vector<2x2048xi32> to vector<2x1024xi32>
    %jit3A_596 = arith.constant 0 : i32
    %pad3A_597 = vector.broadcast %jit3A_596 : i32 to vector<2x1024xi32>
    %pad3A_598 = tpu.concatenate %pad3A_597, %slice3A_595 in 1 : vector<2x1024xi32>, vector<2x1024xi32> -> vector<2x2048xi32>
    %add3A_599 = arith.addi %add3A_594, %pad3A_598 : vector<2x2048xi32>
    %slice3A_600 = vector.extract_strided_slice %add3A_599 {offsets = [0, 2047], sizes = [1, 1], strides = [1, 1]} : vector<2x2048xi32> to vector<1x1xi32>
    %slice3A_601 = vector.extract_strided_slice %add3A_599 {offsets = [1, 2047], sizes = [1, 1], strides = [1, 1]} : vector<2x2048xi32> to vector<1x1xi32>
    %broadcast_in_dim3A_602 = arith.constant 0 : i32
    %broadcast_in_dim3A_603 = vector.broadcast %broadcast_in_dim3A_602 : i32 to vector<1x1xi32>
    %concatenate3A_604 = tpu.concatenate %broadcast_in_dim3A_603, %slice3A_600 in 0 : vector<1x1xi32>, vector<1x1xi32> -> vector<2x1xi32>
    %sub3A_605 = arith.subi %add3A_599, %select_n3A_544 : vector<2x2048xi32>
    %add3A_606 = vector.broadcast %concatenate3A_604 : vector<2x1xi32> to vector<2x2048xi32>
    %add3A_607 = arith.addi %sub3A_605, %add3A_606 : vector<2x2048xi32>
    %mul3A_608 = arith.muli %select_n3A_544, %add3A_607 : vector<2x2048xi32>
    %add3A_609 = arith.addi %add3A_526, %mul3A_608 : vector<2x2048xi32>
    %eq3A_610 = arith.constant 6 : i32
    %eq3A_611 = vector.broadcast %eq3A_610 : i32 to vector<1x8xi32>
    %eq3A_612 = arith.cmpi eq, %iota3A_41, %eq3A_611 : vector<1x8xi32>
    %add3A_613 = arith.addi %slice3A_600, %slice3A_601 : vector<1x1xi32>
    %jit3A_614 = arith.constant 0 : i32
    %broadcast_in_dim3A_615 = vector.shape_cast %add3A_613 : vector<1x1xi32> to vector<1x1xi32>
    %broadcast_in_dim3A_616 = vector.broadcast %broadcast_in_dim3A_615 : vector<1x1xi32> to vector<1x8xi32>
    %broadcast_in_dim3A_617 = vector.broadcast %jit3A_614 : i32 to vector<1x8xi32>
    %select_n3A_618 = arith.select %eq3A_612, %broadcast_in_dim3A_616, %broadcast_in_dim3A_617 : vector<1x8xi1>, vector<1x8xi32>
    %add3A_619 = arith.addi %add3A_536, %select_n3A_618 : vector<1x8xi32>
    %eq3A_620 = arith.constant 7 : i32
    %eq3A_621 = vector.broadcast %eq3A_620 : i32 to vector<2x2048xi32>
    %eq3A_622 = arith.cmpi eq, %concatenate3A, %eq3A_621 : vector<2x2048xi32>
    %jit3A_623 = arith.constant 1 : i32
    %jit3A_624 = arith.constant 0 : i32
    %broadcast_in_dim3A_625 = vector.broadcast %jit3A_623 : i32 to vector<2x2048xi32>
    %broadcast_in_dim3A_626 = vector.broadcast %jit3A_624 : i32 to vector<2x2048xi32>
    %select_n3A_627 = arith.select %eq3A_622, %broadcast_in_dim3A_625, %broadcast_in_dim3A_626 : vector<2x2048xi1>, vector<2x2048xi32>
    %slice3A_628 = vector.extract_strided_slice %select_n3A_627 {offsets = [0, 0], sizes = [2, 2047], strides = [1, 1]} : vector<2x2048xi32> to vector<2x2047xi32>
    %jit3A_629 = arith.constant 0 : i32
    %pad3A_630 = vector.broadcast %jit3A_629 : i32 to vector<2x1xi32>
    %pad3A_631 = tpu.concatenate %pad3A_630, %slice3A_628 in 1 : vector<2x1xi32>, vector<2x2047xi32> -> vector<2x2048xi32>
    %add3A_632 = arith.addi %select_n3A_627, %pad3A_631 : vector<2x2048xi32>
    %slice3A_633 = vector.extract_strided_slice %add3A_632 {offsets = [0, 0], sizes = [2, 2046], strides = [1, 1]} : vector<2x2048xi32> to vector<2x2046xi32>
    %jit3A_634 = arith.constant 0 : i32
    %pad3A_635 = vector.broadcast %jit3A_634 : i32 to vector<2x2xi32>
    %pad3A_636 = tpu.concatenate %pad3A_635, %slice3A_633 in 1 : vector<2x2xi32>, vector<2x2046xi32> -> vector<2x2048xi32>
    %add3A_637 = arith.addi %add3A_632, %pad3A_636 : vector<2x2048xi32>
    %slice3A_638 = vector.extract_strided_slice %add3A_637 {offsets = [0, 0], sizes = [2, 2044], strides = [1, 1]} : vector<2x2048xi32> to vector<2x2044xi32>
    %jit3A_639 = arith.constant 0 : i32
    %pad3A_640 = vector.broadcast %jit3A_639 : i32 to vector<2x4xi32>
    %pad3A_641 = tpu.concatenate %pad3A_640, %slice3A_638 in 1 : vector<2x4xi32>, vector<2x2044xi32> -> vector<2x2048xi32>
    %add3A_642 = arith.addi %add3A_637, %pad3A_641 : vector<2x2048xi32>
    %slice3A_643 = vector.extract_strided_slice %add3A_642 {offsets = [0, 0], sizes = [2, 2040], strides = [1, 1]} : vector<2x2048xi32> to vector<2x2040xi32>
    %jit3A_644 = arith.constant 0 : i32
    %pad3A_645 = vector.broadcast %jit3A_644 : i32 to vector<2x8xi32>
    %pad3A_646 = tpu.concatenate %pad3A_645, %slice3A_643 in 1 : vector<2x8xi32>, vector<2x2040xi32> -> vector<2x2048xi32>
    %add3A_647 = arith.addi %add3A_642, %pad3A_646 : vector<2x2048xi32>
    %slice3A_648 = vector.extract_strided_slice %add3A_647 {offsets = [0, 0], sizes = [2, 2032], strides = [1, 1]} : vector<2x2048xi32> to vector<2x2032xi32>
    %jit3A_649 = arith.constant 0 : i32
    %pad3A_650 = vector.broadcast %jit3A_649 : i32 to vector<2x16xi32>
    %pad3A_651 = tpu.concatenate %pad3A_650, %slice3A_648 in 1 : vector<2x16xi32>, vector<2x2032xi32> -> vector<2x2048xi32>
    %add3A_652 = arith.addi %add3A_647, %pad3A_651 : vector<2x2048xi32>
    %slice3A_653 = vector.extract_strided_slice %add3A_652 {offsets = [0, 0], sizes = [2, 2016], strides = [1, 1]} : vector<2x2048xi32> to vector<2x2016xi32>
    %jit3A_654 = arith.constant 0 : i32
    %pad3A_655 = vector.broadcast %jit3A_654 : i32 to vector<2x32xi32>
    %pad3A_656 = tpu.concatenate %pad3A_655, %slice3A_653 in 1 : vector<2x32xi32>, vector<2x2016xi32> -> vector<2x2048xi32>
    %add3A_657 = arith.addi %add3A_652, %pad3A_656 : vector<2x2048xi32>
    %slice3A_658 = vector.extract_strided_slice %add3A_657 {offsets = [0, 0], sizes = [2, 1984], strides = [1, 1]} : vector<2x2048xi32> to vector<2x1984xi32>
    %jit3A_659 = arith.constant 0 : i32
    %pad3A_660 = vector.broadcast %jit3A_659 : i32 to vector<2x64xi32>
    %pad3A_661 = tpu.concatenate %pad3A_660, %slice3A_658 in 1 : vector<2x64xi32>, vector<2x1984xi32> -> vector<2x2048xi32>
    %add3A_662 = arith.addi %add3A_657, %pad3A_661 : vector<2x2048xi32>
    %slice3A_663 = vector.extract_strided_slice %add3A_662 {offsets = [0, 0], sizes = [2, 1920], strides = [1, 1]} : vector<2x2048xi32> to vector<2x1920xi32>
    %jit3A_664 = arith.constant 0 : i32
    %pad3A_665 = vector.broadcast %jit3A_664 : i32 to vector<2x128xi32>
    %pad3A_666 = tpu.concatenate %pad3A_665, %slice3A_663 in 1 : vector<2x128xi32>, vector<2x1920xi32> -> vector<2x2048xi32>
    %add3A_667 = arith.addi %add3A_662, %pad3A_666 : vector<2x2048xi32>
    %slice3A_668 = vector.extract_strided_slice %add3A_667 {offsets = [0, 0], sizes = [2, 1792], strides = [1, 1]} : vector<2x2048xi32> to vector<2x1792xi32>
    %jit3A_669 = arith.constant 0 : i32
    %pad3A_670 = vector.broadcast %jit3A_669 : i32 to vector<2x256xi32>
    %pad3A_671 = tpu.concatenate %pad3A_670, %slice3A_668 in 1 : vector<2x256xi32>, vector<2x1792xi32> -> vector<2x2048xi32>
    %add3A_672 = arith.addi %add3A_667, %pad3A_671 : vector<2x2048xi32>
    %slice3A_673 = vector.extract_strided_slice %add3A_672 {offsets = [0, 0], sizes = [2, 1536], strides = [1, 1]} : vector<2x2048xi32> to vector<2x1536xi32>
    %jit3A_674 = arith.constant 0 : i32
    %pad3A_675 = vector.broadcast %jit3A_674 : i32 to vector<2x512xi32>
    %pad3A_676 = tpu.concatenate %pad3A_675, %slice3A_673 in 1 : vector<2x512xi32>, vector<2x1536xi32> -> vector<2x2048xi32>
    %add3A_677 = arith.addi %add3A_672, %pad3A_676 : vector<2x2048xi32>
    %slice3A_678 = vector.extract_strided_slice %add3A_677 {offsets = [0, 0], sizes = [2, 1024], strides = [1, 1]} : vector<2x2048xi32> to vector<2x1024xi32>
    %jit3A_679 = arith.constant 0 : i32
    %pad3A_680 = vector.broadcast %jit3A_679 : i32 to vector<2x1024xi32>
    %pad3A_681 = tpu.concatenate %pad3A_680, %slice3A_678 in 1 : vector<2x1024xi32>, vector<2x1024xi32> -> vector<2x2048xi32>
    %add3A_682 = arith.addi %add3A_677, %pad3A_681 : vector<2x2048xi32>
    %slice3A_683 = vector.extract_strided_slice %add3A_682 {offsets = [0, 2047], sizes = [1, 1], strides = [1, 1]} : vector<2x2048xi32> to vector<1x1xi32>
    %slice3A_684 = vector.extract_strided_slice %add3A_682 {offsets = [1, 2047], sizes = [1, 1], strides = [1, 1]} : vector<2x2048xi32> to vector<1x1xi32>
    %broadcast_in_dim3A_685 = arith.constant 0 : i32
    %broadcast_in_dim3A_686 = vector.broadcast %broadcast_in_dim3A_685 : i32 to vector<1x1xi32>
    %concatenate3A_687 = tpu.concatenate %broadcast_in_dim3A_686, %slice3A_683 in 0 : vector<1x1xi32>, vector<1x1xi32> -> vector<2x1xi32>
    %sub3A_688 = arith.subi %add3A_682, %select_n3A_627 : vector<2x2048xi32>
    %add3A_689 = vector.broadcast %concatenate3A_687 : vector<2x1xi32> to vector<2x2048xi32>
    %add3A_690 = arith.addi %sub3A_688, %add3A_689 : vector<2x2048xi32>
    %mul3A_691 = arith.muli %select_n3A_627, %add3A_690 : vector<2x2048xi32>
    %add3A_692 = arith.addi %add3A_609, %mul3A_691 : vector<2x2048xi32>
    %eq3A_693 = arith.constant 7 : i32
    %eq3A_694 = vector.broadcast %eq3A_693 : i32 to vector<1x8xi32>
    %eq3A_695 = arith.cmpi eq, %iota3A_41, %eq3A_694 : vector<1x8xi32>
    %add3A_696 = arith.addi %slice3A_683, %slice3A_684 : vector<1x1xi32>
    %jit3A_697 = arith.constant 0 : i32
    %broadcast_in_dim3A_698 = vector.shape_cast %add3A_696 : vector<1x1xi32> to vector<1x1xi32>
    %broadcast_in_dim3A_699 = vector.broadcast %broadcast_in_dim3A_698 : vector<1x1xi32> to vector<1x8xi32>
    %broadcast_in_dim3A_700 = vector.broadcast %jit3A_697 : i32 to vector<1x8xi32>
    %select_n3A_701 = arith.select %eq3A_695, %broadcast_in_dim3A_699, %broadcast_in_dim3A_700 : vector<1x8xi1>, vector<1x8xi32>
    %add3A_702 = arith.addi %add3A_619, %select_n3A_701 : vector<1x8xi32>
    %add3A_703 = arith.constant 255 : i32
    %add3A_704 = vector.broadcast %add3A_703 : i32 to vector<1x8xi32>
    %add3A_705 = arith.addi %add3A_702, %add3A_704 : vector<1x8xi32>
    %shift_right_logical3A = arith.constant 8 : i32
    %shift_right_logical3A_706 = vector.broadcast %shift_right_logical3A : i32 to vector<1x8xi32>
    %shift_right_logical3A_707 = arith.shrui %add3A_705, %shift_right_logical3A_706 : vector<1x8xi32>
    %shift_left3A = arith.constant 8 : i32
    %shift_left3A_708 = vector.broadcast %shift_left3A : i32 to vector<1x8xi32>
    %shift_left3A_709 = arith.shli %shift_right_logical3A_707, %shift_left3A_708 : vector<1x8xi32>
    %iota3A_710 = tpu.iota {dimensions = array<i32: 0>} : vector<8x8xi32>
    %iota3A_711 = tpu.iota {dimensions = array<i32: 1>} : vector<8x8xi32>
    %lt3A = arith.cmpi slt, %iota3A_710, %iota3A_711 : vector<8x8xi32>
    %convert_element_type3A = arith.sitofp %shift_left3A_709 : vector<1x8xi32> to vector<1x8xf32>
    %convert_element_type3A_712 = arith.extui %lt3A : vector<8x8xi1> to vector<8x8xi32>
    %convert_element_type3A_713 = arith.sitofp %convert_element_type3A_712 : vector<8x8xi32> to vector<8x8xf32>
    %dot_general3A_714 = arith.constant dense<0.000000e+00> : vector<1x8xf32>
    %dot_general3A_715 = tpu.matmul %convert_element_type3A, %convert_element_type3A_713, %dot_general3A_714 {dimension_numbers = #tpu.dot_dimension_numbers<[1], [0], [0], [1], [0, 0, 1, 1], [], []>, transpose_lhs_hint = false} : vector<1x8xf32>, vector<8x8xf32>, vector<1x8xf32> -> vector<1x8xf32>
    %convert_element_type3A_716 = arith.fptosi %dot_general3A_715 : vector<1x8xf32> to vector<1x8xi32>
    %reduce_sum3A = arith.constant dense<0> : vector<1xi32>
    %reduce_sum3A_717 = vector.multi_reduction <add>, %shift_right_logical3A_707, %reduce_sum3A [1] : vector<1x8xi32> to vector<1xi32>
    %broadcast_in_dim3A_718 = vector.shape_cast %reduce_sum3A_717 : vector<1xi32> to vector<1x1xi32>
    %slice3A_719 = vector.extract_strided_slice %convert_element_type3A_716 {offsets = [0, 0], sizes = [1, 1], strides = [1, 1]} : vector<1x8xi32> to vector<1x1xi32>
    %eq3A_720 = arith.constant 0 : i32
    %eq3A_721 = vector.broadcast %eq3A_720 : i32 to vector<2x2048xi32>
    %eq3A_722 = arith.cmpi eq, %concatenate3A, %eq3A_721 : vector<2x2048xi32>
    %jit3A_723 = arith.constant 0 : i32
    %broadcast_in_dim3A_724 = vector.shape_cast %slice3A_719 : vector<1x1xi32> to vector<1x1xi32>
    %broadcast_in_dim3A_725 = vector.broadcast %broadcast_in_dim3A_724 : vector<1x1xi32> to vector<2x2048xi32>
    %broadcast_in_dim3A_726 = vector.broadcast %jit3A_723 : i32 to vector<2x2048xi32>
    %select_n3A_727 = arith.select %eq3A_722, %broadcast_in_dim3A_725, %broadcast_in_dim3A_726 : vector<2x2048xi1>, vector<2x2048xi32>
    %add3A_728 = arith.addi %add3A_692, %select_n3A_727 : vector<2x2048xi32>
    %slice3A_729 = vector.extract_strided_slice %convert_element_type3A_716 {offsets = [0, 1], sizes = [1, 1], strides = [1, 1]} : vector<1x8xi32> to vector<1x1xi32>
    %eq3A_730 = arith.constant 1 : i32
    %eq3A_731 = vector.broadcast %eq3A_730 : i32 to vector<2x2048xi32>
    %eq3A_732 = arith.cmpi eq, %concatenate3A, %eq3A_731 : vector<2x2048xi32>
    %jit3A_733 = arith.constant 0 : i32
    %broadcast_in_dim3A_734 = vector.shape_cast %slice3A_729 : vector<1x1xi32> to vector<1x1xi32>
    %broadcast_in_dim3A_735 = vector.broadcast %broadcast_in_dim3A_734 : vector<1x1xi32> to vector<2x2048xi32>
    %broadcast_in_dim3A_736 = vector.broadcast %jit3A_733 : i32 to vector<2x2048xi32>
    %select_n3A_737 = arith.select %eq3A_732, %broadcast_in_dim3A_735, %broadcast_in_dim3A_736 : vector<2x2048xi1>, vector<2x2048xi32>
    %add3A_738 = arith.addi %add3A_728, %select_n3A_737 : vector<2x2048xi32>
    %slice3A_739 = vector.extract_strided_slice %convert_element_type3A_716 {offsets = [0, 2], sizes = [1, 1], strides = [1, 1]} : vector<1x8xi32> to vector<1x1xi32>
    %eq3A_740 = arith.constant 2 : i32
    %eq3A_741 = vector.broadcast %eq3A_740 : i32 to vector<2x2048xi32>
    %eq3A_742 = arith.cmpi eq, %concatenate3A, %eq3A_741 : vector<2x2048xi32>
    %jit3A_743 = arith.constant 0 : i32
    %broadcast_in_dim3A_744 = vector.shape_cast %slice3A_739 : vector<1x1xi32> to vector<1x1xi32>
    %broadcast_in_dim3A_745 = vector.broadcast %broadcast_in_dim3A_744 : vector<1x1xi32> to vector<2x2048xi32>
    %broadcast_in_dim3A_746 = vector.broadcast %jit3A_743 : i32 to vector<2x2048xi32>
    %select_n3A_747 = arith.select %eq3A_742, %broadcast_in_dim3A_745, %broadcast_in_dim3A_746 : vector<2x2048xi1>, vector<2x2048xi32>
    %add3A_748 = arith.addi %add3A_738, %select_n3A_747 : vector<2x2048xi32>
    %slice3A_749 = vector.extract_strided_slice %convert_element_type3A_716 {offsets = [0, 3], sizes = [1, 1], strides = [1, 1]} : vector<1x8xi32> to vector<1x1xi32>
    %eq3A_750 = arith.constant 3 : i32
    %eq3A_751 = vector.broadcast %eq3A_750 : i32 to vector<2x2048xi32>
    %eq3A_752 = arith.cmpi eq, %concatenate3A, %eq3A_751 : vector<2x2048xi32>
    %jit3A_753 = arith.constant 0 : i32
    %broadcast_in_dim3A_754 = vector.shape_cast %slice3A_749 : vector<1x1xi32> to vector<1x1xi32>
    %broadcast_in_dim3A_755 = vector.broadcast %broadcast_in_dim3A_754 : vector<1x1xi32> to vector<2x2048xi32>
    %broadcast_in_dim3A_756 = vector.broadcast %jit3A_753 : i32 to vector<2x2048xi32>
    %select_n3A_757 = arith.select %eq3A_752, %broadcast_in_dim3A_755, %broadcast_in_dim3A_756 : vector<2x2048xi1>, vector<2x2048xi32>
    %add3A_758 = arith.addi %add3A_748, %select_n3A_757 : vector<2x2048xi32>
    %slice3A_759 = vector.extract_strided_slice %convert_element_type3A_716 {offsets = [0, 4], sizes = [1, 1], strides = [1, 1]} : vector<1x8xi32> to vector<1x1xi32>
    %eq3A_760 = arith.constant 4 : i32
    %eq3A_761 = vector.broadcast %eq3A_760 : i32 to vector<2x2048xi32>
    %eq3A_762 = arith.cmpi eq, %concatenate3A, %eq3A_761 : vector<2x2048xi32>
    %jit3A_763 = arith.constant 0 : i32
    %broadcast_in_dim3A_764 = vector.shape_cast %slice3A_759 : vector<1x1xi32> to vector<1x1xi32>
    %broadcast_in_dim3A_765 = vector.broadcast %broadcast_in_dim3A_764 : vector<1x1xi32> to vector<2x2048xi32>
    %broadcast_in_dim3A_766 = vector.broadcast %jit3A_763 : i32 to vector<2x2048xi32>
    %select_n3A_767 = arith.select %eq3A_762, %broadcast_in_dim3A_765, %broadcast_in_dim3A_766 : vector<2x2048xi1>, vector<2x2048xi32>
    %add3A_768 = arith.addi %add3A_758, %select_n3A_767 : vector<2x2048xi32>
    %slice3A_769 = vector.extract_strided_slice %convert_element_type3A_716 {offsets = [0, 5], sizes = [1, 1], strides = [1, 1]} : vector<1x8xi32> to vector<1x1xi32>
    %eq3A_770 = arith.constant 5 : i32
    %eq3A_771 = vector.broadcast %eq3A_770 : i32 to vector<2x2048xi32>
    %eq3A_772 = arith.cmpi eq, %concatenate3A, %eq3A_771 : vector<2x2048xi32>
    %jit3A_773 = arith.constant 0 : i32
    %broadcast_in_dim3A_774 = vector.shape_cast %slice3A_769 : vector<1x1xi32> to vector<1x1xi32>
    %broadcast_in_dim3A_775 = vector.broadcast %broadcast_in_dim3A_774 : vector<1x1xi32> to vector<2x2048xi32>
    %broadcast_in_dim3A_776 = vector.broadcast %jit3A_773 : i32 to vector<2x2048xi32>
    %select_n3A_777 = arith.select %eq3A_772, %broadcast_in_dim3A_775, %broadcast_in_dim3A_776 : vector<2x2048xi1>, vector<2x2048xi32>
    %add3A_778 = arith.addi %add3A_768, %select_n3A_777 : vector<2x2048xi32>
    %slice3A_779 = vector.extract_strided_slice %convert_element_type3A_716 {offsets = [0, 6], sizes = [1, 1], strides = [1, 1]} : vector<1x8xi32> to vector<1x1xi32>
    %eq3A_780 = arith.constant 6 : i32
    %eq3A_781 = vector.broadcast %eq3A_780 : i32 to vector<2x2048xi32>
    %eq3A_782 = arith.cmpi eq, %concatenate3A, %eq3A_781 : vector<2x2048xi32>
    %jit3A_783 = arith.constant 0 : i32
    %broadcast_in_dim3A_784 = vector.shape_cast %slice3A_779 : vector<1x1xi32> to vector<1x1xi32>
    %broadcast_in_dim3A_785 = vector.broadcast %broadcast_in_dim3A_784 : vector<1x1xi32> to vector<2x2048xi32>
    %broadcast_in_dim3A_786 = vector.broadcast %jit3A_783 : i32 to vector<2x2048xi32>
    %select_n3A_787 = arith.select %eq3A_782, %broadcast_in_dim3A_785, %broadcast_in_dim3A_786 : vector<2x2048xi1>, vector<2x2048xi32>
    %add3A_788 = arith.addi %add3A_778, %select_n3A_787 : vector<2x2048xi32>
    %slice3A_789 = vector.extract_strided_slice %convert_element_type3A_716 {offsets = [0, 7], sizes = [1, 1], strides = [1, 1]} : vector<1x8xi32> to vector<1x1xi32>
    %eq3A_790 = arith.constant 7 : i32
    %eq3A_791 = vector.broadcast %eq3A_790 : i32 to vector<2x2048xi32>
    %eq3A_792 = arith.cmpi eq, %concatenate3A, %eq3A_791 : vector<2x2048xi32>
    %jit3A_793 = arith.constant 0 : i32
    %broadcast_in_dim3A_794 = vector.shape_cast %slice3A_789 : vector<1x1xi32> to vector<1x1xi32>
    %broadcast_in_dim3A_795 = vector.broadcast %broadcast_in_dim3A_794 : vector<1x1xi32> to vector<2x2048xi32>
    %broadcast_in_dim3A_796 = vector.broadcast %jit3A_793 : i32 to vector<2x2048xi32>
    %select_n3A_797 = arith.select %eq3A_792, %broadcast_in_dim3A_795, %broadcast_in_dim3A_796 : vector<2x2048xi1>, vector<2x2048xi32>
    %add3A_798 = arith.addi %add3A_788, %select_n3A_797 : vector<2x2048xi32>
    %swap3A_799 = arith.constant 0 : index
    %swap3A_800 = arith.constant 0 : index
    %swap3A_801 = vector.load %arg3[%swap3A_799, %swap3A_800] : memref<2x2048xi32, #tpu.memory_space<vmem>>, vector<2x2048xi32>
    tpu.vector_store %arg3[%swap3A_799, %swap3A_800], %add3A_798 {strides = array<i32>} : memref<2x2048xi32, #tpu.memory_space<vmem>>, vector<2x2048xi32>,
    %iota3A_802 = tpu.iota {dimensions = array<i32: 1>} : vector<1x32xi32>
    %sub3A_803 = arith.constant 1 : i32
    %sub3A_804 = vector.broadcast %sub3A_803 : i32 to vector<1x1xi32>
    %sub3A_805 = arith.subi %broadcast_in_dim3A_718, %sub3A_804 : vector<1x1xi32>
    %min3A = vector.broadcast %sub3A_805 : vector<1x1xi32> to vector<1x32xi32>
    %min3A_806 = arith.minsi %iota3A_802, %min3A : vector<1x32xi32>
    %broadcast_in_dim3A_807 = arith.constant 0 : i32
    %broadcast_in_dim3A_808 = vector.broadcast %broadcast_in_dim3A_807 : i32 to vector<1x32xi32>
    %shift_right_logical3A_809 = arith.constant 8 : i32
    %shift_right_logical3A_810 = vector.broadcast %shift_right_logical3A_809 : i32 to vector<1x8xi32>
    %shift_right_logical3A_811 = arith.shrui %convert_element_type3A_716, %shift_right_logical3A_810 : vector<1x8xi32>
    %slice3A_812 = vector.extract_strided_slice %shift_right_logical3A_811 {offsets = [0, 0], sizes = [1, 1], strides = [1, 1]} : vector<1x8xi32> to vector<1x1xi32>
    %ge3A = vector.broadcast %slice3A_812 : vector<1x1xi32> to vector<1x32xi32>
    %ge3A_813 = arith.cmpi sge, %min3A_806, %ge3A : vector<1x32xi32>
    %jit3A_814 = arith.constant 1 : i32
    %jit3A_815 = arith.constant 0 : i32
    %broadcast_in_dim3A_816 = vector.broadcast %jit3A_814 : i32 to vector<1x32xi32>
    %broadcast_in_dim3A_817 = vector.broadcast %jit3A_815 : i32 to vector<1x32xi32>
    %select_n3A_818 = arith.select %ge3A_813, %broadcast_in_dim3A_816, %broadcast_in_dim3A_817 : vector<1x32xi1>, vector<1x32xi32>
    %add3A_819 = arith.addi %broadcast_in_dim3A_808, %select_n3A_818 : vector<1x32xi32>
    %slice3A_820 = vector.extract_strided_slice %shift_right_logical3A_811 {offsets = [0, 1], sizes = [1, 1], strides = [1, 1]} : vector<1x8xi32> to vector<1x1xi32>
    %ge3A_821 = vector.broadcast %slice3A_820 : vector<1x1xi32> to vector<1x32xi32>
    %ge3A_822 = arith.cmpi sge, %min3A_806, %ge3A_821 : vector<1x32xi32>
    %jit3A_823 = arith.constant 1 : i32
    %jit3A_824 = arith.constant 0 : i32
    %broadcast_in_dim3A_825 = vector.broadcast %jit3A_823 : i32 to vector<1x32xi32>
    %broadcast_in_dim3A_826 = vector.broadcast %jit3A_824 : i32 to vector<1x32xi32>
    %select_n3A_827 = arith.select %ge3A_822, %broadcast_in_dim3A_825, %broadcast_in_dim3A_826 : vector<1x32xi1>, vector<1x32xi32>
    %add3A_828 = arith.addi %add3A_819, %select_n3A_827 : vector<1x32xi32>
    %slice3A_829 = vector.extract_strided_slice %shift_right_logical3A_811 {offsets = [0, 2], sizes = [1, 1], strides = [1, 1]} : vector<1x8xi32> to vector<1x1xi32>
    %ge3A_830 = vector.broadcast %slice3A_829 : vector<1x1xi32> to vector<1x32xi32>
    %ge3A_831 = arith.cmpi sge, %min3A_806, %ge3A_830 : vector<1x32xi32>
    %jit3A_832 = arith.constant 1 : i32
    %jit3A_833 = arith.constant 0 : i32
    %broadcast_in_dim3A_834 = vector.broadcast %jit3A_832 : i32 to vector<1x32xi32>
    %broadcast_in_dim3A_835 = vector.broadcast %jit3A_833 : i32 to vector<1x32xi32>
    %select_n3A_836 = arith.select %ge3A_831, %broadcast_in_dim3A_834, %broadcast_in_dim3A_835 : vector<1x32xi1>, vector<1x32xi32>
    %add3A_837 = arith.addi %add3A_828, %select_n3A_836 : vector<1x32xi32>
    %slice3A_838 = vector.extract_strided_slice %shift_right_logical3A_811 {offsets = [0, 3], sizes = [1, 1], strides = [1, 1]} : vector<1x8xi32> to vector<1x1xi32>
    %ge3A_839 = vector.broadcast %slice3A_838 : vector<1x1xi32> to vector<1x32xi32>
    %ge3A_840 = arith.cmpi sge, %min3A_806, %ge3A_839 : vector<1x32xi32>
    %jit3A_841 = arith.constant 1 : i32
    %jit3A_842 = arith.constant 0 : i32
    %broadcast_in_dim3A_843 = vector.broadcast %jit3A_841 : i32 to vector<1x32xi32>
    %broadcast_in_dim3A_844 = vector.broadcast %jit3A_842 : i32 to vector<1x32xi32>
    %select_n3A_845 = arith.select %ge3A_840, %broadcast_in_dim3A_843, %broadcast_in_dim3A_844 : vector<1x32xi1>, vector<1x32xi32>
    %add3A_846 = arith.addi %add3A_837, %select_n3A_845 : vector<1x32xi32>
    %slice3A_847 = vector.extract_strided_slice %shift_right_logical3A_811 {offsets = [0, 4], sizes = [1, 1], strides = [1, 1]} : vector<1x8xi32> to vector<1x1xi32>
    %ge3A_848 = vector.broadcast %slice3A_847 : vector<1x1xi32> to vector<1x32xi32>
    %ge3A_849 = arith.cmpi sge, %min3A_806, %ge3A_848 : vector<1x32xi32>
    %jit3A_850 = arith.constant 1 : i32
    %jit3A_851 = arith.constant 0 : i32
    %broadcast_in_dim3A_852 = vector.broadcast %jit3A_850 : i32 to vector<1x32xi32>
    %broadcast_in_dim3A_853 = vector.broadcast %jit3A_851 : i32 to vector<1x32xi32>
    %select_n3A_854 = arith.select %ge3A_849, %broadcast_in_dim3A_852, %broadcast_in_dim3A_853 : vector<1x32xi1>, vector<1x32xi32>
    %add3A_855 = arith.addi %add3A_846, %select_n3A_854 : vector<1x32xi32>
    %slice3A_856 = vector.extract_strided_slice %shift_right_logical3A_811 {offsets = [0, 5], sizes = [1, 1], strides = [1, 1]} : vector<1x8xi32> to vector<1x1xi32>
    %ge3A_857 = vector.broadcast %slice3A_856 : vector<1x1xi32> to vector<1x32xi32>
    %ge3A_858 = arith.cmpi sge, %min3A_806, %ge3A_857 : vector<1x32xi32>
    %jit3A_859 = arith.constant 1 : i32
    %jit3A_860 = arith.constant 0 : i32
    %broadcast_in_dim3A_861 = vector.broadcast %jit3A_859 : i32 to vector<1x32xi32>
    %broadcast_in_dim3A_862 = vector.broadcast %jit3A_860 : i32 to vector<1x32xi32>
    %select_n3A_863 = arith.select %ge3A_858, %broadcast_in_dim3A_861, %broadcast_in_dim3A_862 : vector<1x32xi1>, vector<1x32xi32>
    %add3A_864 = arith.addi %add3A_855, %select_n3A_863 : vector<1x32xi32>
    %slice3A_865 = vector.extract_strided_slice %shift_right_logical3A_811 {offsets = [0, 6], sizes = [1, 1], strides = [1, 1]} : vector<1x8xi32> to vector<1x1xi32>
    %ge3A_866 = vector.broadcast %slice3A_865 : vector<1x1xi32> to vector<1x32xi32>
    %ge3A_867 = arith.cmpi sge, %min3A_806, %ge3A_866 : vector<1x32xi32>
    %jit3A_868 = arith.constant 1 : i32
    %jit3A_869 = arith.constant 0 : i32
    %broadcast_in_dim3A_870 = vector.broadcast %jit3A_868 : i32 to vector<1x32xi32>
    %broadcast_in_dim3A_871 = vector.broadcast %jit3A_869 : i32 to vector<1x32xi32>
    %select_n3A_872 = arith.select %ge3A_867, %broadcast_in_dim3A_870, %broadcast_in_dim3A_871 : vector<1x32xi1>, vector<1x32xi32>
    %add3A_873 = arith.addi %add3A_864, %select_n3A_872 : vector<1x32xi32>
    %slice3A_874 = vector.extract_strided_slice %shift_right_logical3A_811 {offsets = [0, 7], sizes = [1, 1], strides = [1, 1]} : vector<1x8xi32> to vector<1x1xi32>
    %ge3A_875 = vector.broadcast %slice3A_874 : vector<1x1xi32> to vector<1x32xi32>
    %ge3A_876 = arith.cmpi sge, %min3A_806, %ge3A_875 : vector<1x32xi32>
    %jit3A_877 = arith.constant 1 : i32
    %jit3A_878 = arith.constant 0 : i32
    %broadcast_in_dim3A_879 = vector.broadcast %jit3A_877 : i32 to vector<1x32xi32>
    %broadcast_in_dim3A_880 = vector.broadcast %jit3A_878 : i32 to vector<1x32xi32>
    %select_n3A_881 = arith.select %ge3A_876, %broadcast_in_dim3A_879, %broadcast_in_dim3A_880 : vector<1x32xi1>, vector<1x32xi32>
    %add3A_882 = arith.addi %add3A_873, %select_n3A_881 : vector<1x32xi32>
    %eq3A_883 = arith.constant 23 : i32
    %eq3A_884 = vector.broadcast %eq3A_883 : i32 to vector<1x32xi32>
    %eq3A_885 = arith.cmpi eq, %iota3A_802, %eq3A_884 : vector<1x32xi32>
    %sub3A_886 = arith.constant 1 : i32
    %sub3A_887 = vector.broadcast %sub3A_886 : i32 to vector<1x32xi32>
    %sub3A_888 = arith.subi %add3A_882, %sub3A_887 : vector<1x32xi32>
    %broadcast_in_dim3A_889 = vector.shape_cast %broadcast_in_dim3A_718 : vector<1x1xi32> to vector<1x1xi32>
    %broadcast_in_dim3A_890 = vector.broadcast %broadcast_in_dim3A_889 : vector<1x1xi32> to vector<1x32xi32>
    %select_n3A_891 = arith.select %eq3A_885, %broadcast_in_dim3A_890, %sub3A_888 : vector<1x32xi1>, vector<1x32xi32>
    %swap3A_892 = arith.constant 0 : index
    %swap3A_893 = arith.constant 0 : index
    %swap3A_894 = vector.load %arg4[%swap3A_892, %swap3A_893] : memref<1x32xi32, #tpu.memory_space<vmem>>, vector<1x32xi32>
    tpu.vector_store %arg4[%swap3A_892, %swap3A_893], %select_n3A_891 {strides = array<i32>} : memref<1x32xi32, #tpu.memory_space<vmem>>, vector<1x32xi32>,
    return
  }
}

module attributes {stable_mosaic.version = 14 : i64} {
  func.func @_ffn_body(%arg0: i32, %arg1: memref<32xi32, #tpu.memory_space<smem>>, %arg2: memref<256x1024xf32, #tpu.memory_space<vmem>>, %arg3: memref<1x512x1024xbf16, #tpu.memory_space<vmem>>, %arg4: memref<1x512x1024xbf16, #tpu.memory_space<vmem>>, %arg5: memref<1x1024x512xbf16, #tpu.memory_space<vmem>>, %arg6: memref<256x1024xf32, #tpu.memory_space<vmem>>) attributes {dimension_semantics = [#tpu.dimension_semantics<arbitrary>], iteration_bounds = array<i64: 23>, scalar_prefetch = 1 : i64, scratch_operands = 0 : i64, tpu.core_type = #tpu.core_type<tc>, window_params = [{transform_indices = @transform_0, window_bounds = array<i64: 256, 1024>}, {transform_indices = @transform_1, window_bounds = array<i64: 1, 512, 1024>}, {transform_indices = @transform_2, window_bounds = array<i64: 1, 512, 1024>}, {transform_indices = @transform_3, window_bounds = array<i64: 1, 1024, 512>}, {transform_indices = @transform_4, window_bounds = array<i64: 256, 1024>}]} {
    %get3A = arith.constant 23 : index
    %get3A_0 = memref.load %arg1[%get3A] : memref<32xi32, #tpu.memory_space<smem>>
    %lt3A = arith.cmpi slt, %arg0, %get3A_0 : i32
    %convert_element_type3A = arith.extui %lt3A : i1 to i32
    %cond3A = arith.constant 0 : i32
    %cond3A_1 = arith.cmpi ne, %convert_element_type3A, %cond3A : i32
    scf.if %cond3A_1 {
      %get3A_2 = arith.constant 0 : index
      %get3A_3 = arith.constant 0 : index
      %get3A_4 = vector.load %arg2[%get3A_2, %get3A_3] : memref<256x1024xf32, #tpu.memory_space<vmem>>, vector<256x1024xf32>
      %convert_element_type3A_5 = arith.truncf %get3A_4 : vector<256x1024xf32> to vector<256x1024xbf16>
      %get3A_6 = arith.constant 0 : index
      %get3A_7 = arith.constant 0 : index
      %get3A_8 = arith.constant 0 : index
      %get3A_9 = vector.load %arg3[%get3A_6, %get3A_7, %get3A_8] : memref<1x512x1024xbf16, #tpu.memory_space<vmem>>, vector<1x512x1024xbf16>
      %get3A_10 = vector.shape_cast %get3A_9 : vector<1x512x1024xbf16> to vector<512x1024xbf16>
      %dot_general3A = arith.constant dense<0.000000e+00> : vector<256x512xf32>
      %dot_general3A_11 = tpu.matmul %convert_element_type3A_5, %get3A_10, %dot_general3A {dimension_numbers = #tpu.dot_dimension_numbers<[1], [1], [0], [0], [0, 0, 1, 0], [], []>, transpose_lhs_hint = false} : vector<256x1024xbf16>, vector<512x1024xbf16>, vector<256x512xf32> -> vector<256x512xf32>
      %get3A_12 = arith.constant 0 : index
      %get3A_13 = arith.constant 0 : index
      %get3A_14 = arith.constant 0 : index
      %get3A_15 = vector.load %arg4[%get3A_12, %get3A_13, %get3A_14] : memref<1x512x1024xbf16, #tpu.memory_space<vmem>>, vector<1x512x1024xbf16>
      %get3A_16 = vector.shape_cast %get3A_15 : vector<1x512x1024xbf16> to vector<512x1024xbf16>
      %dot_general3A_17 = arith.constant dense<0.000000e+00> : vector<256x512xf32>
      %dot_general3A_18 = tpu.matmul %convert_element_type3A_5, %get3A_16, %dot_general3A_17 {dimension_numbers = #tpu.dot_dimension_numbers<[1], [1], [0], [0], [0, 0, 1, 0], [], []>, transpose_lhs_hint = false} : vector<256x1024xbf16>, vector<512x1024xbf16>, vector<256x512xf32> -> vector<256x512xf32>
      %logistic3A = arith.negf %dot_general3A_11 : vector<256x512xf32>
      %logistic3A_19 = math.exp %logistic3A : vector<256x512xf32>
      %logistic3A_20 = arith.constant 1.000000e+00 : f32
      %logistic3A_21 = vector.broadcast %logistic3A_20 : f32 to vector<256x512xf32>
      %logistic3A_22 = arith.addf %logistic3A_21, %logistic3A_19 : vector<256x512xf32>
      %logistic3A_23 = arith.divf %logistic3A_21, %logistic3A_22 : vector<256x512xf32>
      %mul3A = arith.mulf %dot_general3A_11, %logistic3A_23 : vector<256x512xf32>
      %mul3A_24 = arith.mulf %mul3A, %dot_general3A_18 : vector<256x512xf32>
      %convert_element_type3A_25 = arith.truncf %mul3A_24 : vector<256x512xf32> to vector<256x512xbf16>
      %get3A_26 = arith.constant 0 : index
      %get3A_27 = arith.constant 0 : index
      %get3A_28 = arith.constant 0 : index
      %get3A_29 = vector.load %arg5[%get3A_26, %get3A_27, %get3A_28] : memref<1x1024x512xbf16, #tpu.memory_space<vmem>>, vector<1x1024x512xbf16>
      %get3A_30 = vector.shape_cast %get3A_29 : vector<1x1024x512xbf16> to vector<1024x512xbf16>
      %dot_general3A_31 = arith.constant dense<0.000000e+00> : vector<256x1024xf32>
      %dot_general3A_32 = tpu.matmul %convert_element_type3A_25, %get3A_30, %dot_general3A_31 {dimension_numbers = #tpu.dot_dimension_numbers<[1], [1], [0], [0], [0, 0, 1, 0], [], []>, transpose_lhs_hint = false} : vector<256x512xbf16>, vector<1024x512xbf16>, vector<256x1024xf32> -> vector<256x1024xf32>
      %swap3A = arith.constant 0 : index
      %swap3A_33 = arith.constant 0 : index
      %swap3A_34 = vector.load %arg6[%swap3A, %swap3A_33] : memref<256x1024xf32, #tpu.memory_space<vmem>>, vector<256x1024xf32>
      tpu.vector_store %arg6[%swap3A, %swap3A_33], %dot_general3A_32 {strides = array<i32>} : memref<256x1024xf32, #tpu.memory_space<vmem>>, vector<256x1024xf32>,
    } else {
    }
    return
  }
  func.func @transform_0(%arg0: i32, %arg1: memref<32xi32, #tpu.memory_space<smem>>) -> (i32, i32) {
    %get3A = arith.constant 23 : index
    %get3A_0 = memref.load %arg1[%get3A] : memref<32xi32, #tpu.memory_space<smem>>
    %sub3A = arith.constant 1 : i32
    %sub3A_1 = arith.subi %get3A_0, %sub3A : i32
    %min3A = arith.minsi %arg0, %sub3A_1 : i32
    %c0_i32 = arith.constant 0 : i32
    %c0_i32_2 = arith.constant 0 : i32
    return %min3A, %c0_i32 : i32, i32
  }
  func.func @transform_1(%arg0: i32, %arg1: memref<32xi32, #tpu.memory_space<smem>>) -> (i32, i32, i32) {
    %get3A = arith.index_cast %arg0 : i32 to index
    %get3A_0 = memref.load %arg1[%get3A] : memref<32xi32, #tpu.memory_space<smem>>
    %c0_i32 = arith.constant 0 : i32
    %c0_i32_1 = arith.constant 0 : i32
    %c0_i32_2 = arith.constant 0 : i32
    return %get3A_0, %c0_i32, %c0_i32_1 : i32, i32, i32
  }
  func.func @transform_2(%arg0: i32, %arg1: memref<32xi32, #tpu.memory_space<smem>>) -> (i32, i32, i32) {
    %get3A = arith.index_cast %arg0 : i32 to index
    %get3A_0 = memref.load %arg1[%get3A] : memref<32xi32, #tpu.memory_space<smem>>
    %c0_i32 = arith.constant 0 : i32
    %c0_i32_1 = arith.constant 0 : i32
    %c0_i32_2 = arith.constant 0 : i32
    return %get3A_0, %c0_i32, %c0_i32_1 : i32, i32, i32
  }
  func.func @transform_3(%arg0: i32, %arg1: memref<32xi32, #tpu.memory_space<smem>>) -> (i32, i32, i32) {
    %get3A = arith.index_cast %arg0 : i32 to index
    %get3A_0 = memref.load %arg1[%get3A] : memref<32xi32, #tpu.memory_space<smem>>
    %c0_i32 = arith.constant 0 : i32
    %c0_i32_1 = arith.constant 0 : i32
    %c0_i32_2 = arith.constant 0 : i32
    return %get3A_0, %c0_i32, %c0_i32_1 : i32, i32, i32
  }
  func.func @transform_4(%arg0: i32, %arg1: memref<32xi32, #tpu.memory_space<smem>>) -> (i32, i32) {
    %get3A = arith.constant 23 : index
    %get3A_0 = memref.load %arg1[%get3A] : memref<32xi32, #tpu.memory_space<smem>>
    %sub3A = arith.constant 1 : i32
    %sub3A_1 = arith.subi %get3A_0, %sub3A : i32
    %min3A = arith.minsi %arg0, %sub3A_1 : i32
    %c0_i32 = arith.constant 0 : i32
    %c0_i32_2 = arith.constant 0 : i32
    return %min3A, %c0_i32 : i32, i32
  }
}

module attributes {stable_mosaic.version = 14 : i64} {
  func.func @_shared_combine_body(%arg0: i32, %arg1: memref<512x1024xf32, #tpu.memory_space<vmem>>, %arg2: memref<1024x1024xbf16, #tpu.memory_space<vmem>>, %arg3: memref<1024x1024xbf16, #tpu.memory_space<vmem>>, %arg4: memref<1024x1024xbf16, #tpu.memory_space<vmem>>, %arg5: memref<1x1024xf32, #tpu.memory_space<vmem>>, %arg6: memref<512x1024xf32, #tpu.memory_space<vmem>>, %arg7: memref<512x1024xf32, #tpu.memory_space<vmem>>, %arg8: memref<512x1xf32, #tpu.memory_space<vmem>>, %arg9: memref<512x1xf32, #tpu.memory_space<vmem>>, %arg10: memref<512x1024xf32, #tpu.memory_space<vmem>>) attributes {dimension_semantics = [#tpu.dimension_semantics<arbitrary>], iteration_bounds = array<i64: 4>, scalar_prefetch = 0 : i64, scratch_operands = 0 : i64, tpu.core_type = #tpu.core_type<tc>, window_params = [{transform_indices = @transform_0, window_bounds = array<i64: 512, 1024>}, {pipeline_mode = #tpu.pipeline_mode<synchronous>, transform_indices = @transform_1, window_bounds = array<i64: 1024, 1024>}, {pipeline_mode = #tpu.pipeline_mode<synchronous>, transform_indices = @transform_2, window_bounds = array<i64: 1024, 1024>}, {pipeline_mode = #tpu.pipeline_mode<synchronous>, transform_indices = @transform_3, window_bounds = array<i64: 1024, 1024>}, {pipeline_mode = #tpu.pipeline_mode<synchronous>, transform_indices = @transform_4, window_bounds = array<i64: 1, 1024>}, {transform_indices = @transform_5, window_bounds = array<i64: 512, 1024>}, {transform_indices = @transform_6, window_bounds = array<i64: 512, 1024>}, {transform_indices = @transform_7, window_bounds = array<i64: 512, 1>}, {transform_indices = @transform_8, window_bounds = array<i64: 512, 1>}, {transform_indices = @transform_9, window_bounds = array<i64: 512, 1024>}]} {
    %get3A = arith.constant 0 : index
    %get3A_0 = arith.constant 0 : index
    %get3A_1 = vector.load %arg1[%get3A, %get3A_0] : memref<512x1024xf32, #tpu.memory_space<vmem>>, vector<512x1024xf32>
    %convert_element_type3A = arith.truncf %get3A_1 : vector<512x1024xf32> to vector<512x1024xbf16>
    %get3A_2 = arith.constant 0 : index
    %get3A_3 = arith.constant 0 : index
    %get3A_4 = vector.load %arg2[%get3A_2, %get3A_3] : memref<1024x1024xbf16, #tpu.memory_space<vmem>>, vector<1024x1024xbf16>
    %dot_general3A = arith.constant dense<0.000000e+00> : vector<512x1024xf32>
    %dot_general3A_5 = tpu.matmul %convert_element_type3A, %get3A_4, %dot_general3A {dimension_numbers = #tpu.dot_dimension_numbers<[1], [1], [0], [0], [0, 0, 1, 0], [], []>, transpose_lhs_hint = false} : vector<512x1024xbf16>, vector<1024x1024xbf16>, vector<512x1024xf32> -> vector<512x1024xf32>
    %get3A_6 = arith.constant 0 : index
    %get3A_7 = arith.constant 0 : index
    %get3A_8 = vector.load %arg3[%get3A_6, %get3A_7] : memref<1024x1024xbf16, #tpu.memory_space<vmem>>, vector<1024x1024xbf16>
    %dot_general3A_9 = arith.constant dense<0.000000e+00> : vector<512x1024xf32>
    %dot_general3A_10 = tpu.matmul %convert_element_type3A, %get3A_8, %dot_general3A_9 {dimension_numbers = #tpu.dot_dimension_numbers<[1], [1], [0], [0], [0, 0, 1, 0], [], []>, transpose_lhs_hint = false} : vector<512x1024xbf16>, vector<1024x1024xbf16>, vector<512x1024xf32> -> vector<512x1024xf32>
    %logistic3A = arith.negf %dot_general3A_5 : vector<512x1024xf32>
    %logistic3A_11 = math.exp %logistic3A : vector<512x1024xf32>
    %logistic3A_12 = arith.constant 1.000000e+00 : f32
    %logistic3A_13 = vector.broadcast %logistic3A_12 : f32 to vector<512x1024xf32>
    %logistic3A_14 = arith.addf %logistic3A_13, %logistic3A_11 : vector<512x1024xf32>
    %logistic3A_15 = arith.divf %logistic3A_13, %logistic3A_14 : vector<512x1024xf32>
    %mul3A = arith.mulf %dot_general3A_5, %logistic3A_15 : vector<512x1024xf32>
    %mul3A_16 = arith.mulf %mul3A, %dot_general3A_10 : vector<512x1024xf32>
    %convert_element_type3A_17 = arith.truncf %mul3A_16 : vector<512x1024xf32> to vector<512x1024xbf16>
    %get3A_18 = arith.constant 0 : index
    %get3A_19 = arith.constant 0 : index
    %get3A_20 = vector.load %arg4[%get3A_18, %get3A_19] : memref<1024x1024xbf16, #tpu.memory_space<vmem>>, vector<1024x1024xbf16>
    %dot_general3A_21 = arith.constant dense<0.000000e+00> : vector<512x1024xf32>
    %dot_general3A_22 = tpu.matmul %convert_element_type3A_17, %get3A_20, %dot_general3A_21 {dimension_numbers = #tpu.dot_dimension_numbers<[1], [1], [0], [0], [0, 0, 1, 0], [], []>, transpose_lhs_hint = false} : vector<512x1024xbf16>, vector<1024x1024xbf16>, vector<512x1024xf32> -> vector<512x1024xf32>
    %get3A_23 = arith.constant 0 : index
    %get3A_24 = arith.constant 0 : index
    %get3A_25 = vector.load %arg5[%get3A_23, %get3A_24] : memref<1x1024xf32, #tpu.memory_space<vmem>>, vector<1x1024xf32>
    %dot_general3A_26 = arith.constant dense<0.000000e+00> : vector<512x1xf32>
    %dot_general3A_27 = tpu.matmul %get3A_1, %get3A_25, %dot_general3A_26 {dimension_numbers = #tpu.dot_dimension_numbers<[1], [1], [0], [0], [0, 0, 1, 0], [], []>, transpose_lhs_hint = false} : vector<512x1024xf32>, vector<1x1024xf32>, vector<512x1xf32> -> vector<512x1xf32>
    %logistic3A_28 = arith.negf %dot_general3A_27 : vector<512x1xf32>
    %logistic3A_29 = math.exp %logistic3A_28 : vector<512x1xf32>
    %logistic3A_30 = arith.constant 1.000000e+00 : f32
    %logistic3A_31 = vector.broadcast %logistic3A_30 : f32 to vector<512x1xf32>
    %logistic3A_32 = arith.addf %logistic3A_31, %logistic3A_29 : vector<512x1xf32>
    %logistic3A_33 = arith.divf %logistic3A_31, %logistic3A_32 : vector<512x1xf32>
    %mul3A_34 = vector.broadcast %logistic3A_33 : vector<512x1xf32> to vector<512x1024xf32>
    %mul3A_35 = arith.mulf %mul3A_34, %dot_general3A_22 : vector<512x1024xf32>
    %get3A_36 = arith.constant 0 : index
    %get3A_37 = arith.constant 0 : index
    %get3A_38 = vector.load %arg8[%get3A_36, %get3A_37] : memref<512x1xf32, #tpu.memory_space<vmem>>, vector<512x1xf32>
    %get3A_39 = arith.constant 0 : index
    %get3A_40 = arith.constant 0 : index
    %get3A_41 = vector.load %arg6[%get3A_39, %get3A_40] : memref<512x1024xf32, #tpu.memory_space<vmem>>, vector<512x1024xf32>
    %mul3A_42 = vector.broadcast %get3A_38 : vector<512x1xf32> to vector<512x1024xf32>
    %mul3A_43 = arith.mulf %mul3A_42, %get3A_41 : vector<512x1024xf32>
    %add3A = arith.addf %mul3A_35, %mul3A_43 : vector<512x1024xf32>
    %get3A_44 = arith.constant 0 : index
    %get3A_45 = arith.constant 0 : index
    %get3A_46 = vector.load %arg9[%get3A_44, %get3A_45] : memref<512x1xf32, #tpu.memory_space<vmem>>, vector<512x1xf32>
    %get3A_47 = arith.constant 0 : index
    %get3A_48 = arith.constant 0 : index
    %get3A_49 = vector.load %arg7[%get3A_47, %get3A_48] : memref<512x1024xf32, #tpu.memory_space<vmem>>, vector<512x1024xf32>
    %mul3A_50 = vector.broadcast %get3A_46 : vector<512x1xf32> to vector<512x1024xf32>
    %mul3A_51 = arith.mulf %mul3A_50, %get3A_49 : vector<512x1024xf32>
    %add3A_52 = arith.addf %add3A, %mul3A_51 : vector<512x1024xf32>
    %swap3A = arith.constant 0 : index
    %swap3A_53 = arith.constant 0 : index
    %swap3A_54 = vector.load %arg10[%swap3A, %swap3A_53] : memref<512x1024xf32, #tpu.memory_space<vmem>>, vector<512x1024xf32>
    tpu.vector_store %arg10[%swap3A, %swap3A_53], %add3A_52 {strides = array<i32>} : memref<512x1024xf32, #tpu.memory_space<vmem>>, vector<512x1024xf32>,
    return
  }
  func.func @transform_0(%arg0: i32) -> (i32, i32) {
    %c0_i32 = arith.constant 0 : i32
    %c0_i32_0 = arith.constant 0 : i32
    return %arg0, %c0_i32 : i32, i32
  }
  func.func @transform_1(%arg0: i32) -> (i32, i32) {
    %c0_i32 = arith.constant 0 : i32
    %c0_i32_0 = arith.constant 0 : i32
    %c0_i32_1 = arith.constant 0 : i32
    return %c0_i32, %c0_i32_0 : i32, i32
  }
  func.func @transform_2(%arg0: i32) -> (i32, i32) {
    %c0_i32 = arith.constant 0 : i32
    %c0_i32_0 = arith.constant 0 : i32
    %c0_i32_1 = arith.constant 0 : i32
    return %c0_i32, %c0_i32_0 : i32, i32
  }
  func.func @transform_3(%arg0: i32) -> (i32, i32) {
    %c0_i32 = arith.constant 0 : i32
    %c0_i32_0 = arith.constant 0 : i32
    %c0_i32_1 = arith.constant 0 : i32
    return %c0_i32, %c0_i32_0 : i32, i32
  }
  func.func @transform_4(%arg0: i32) -> (i32, i32) {
    %c0_i32 = arith.constant 0 : i32
    %c0_i32_0 = arith.constant 0 : i32
    %c0_i32_1 = arith.constant 0 : i32
    return %c0_i32, %c0_i32_0 : i32, i32
  }
  func.func @transform_5(%arg0: i32) -> (i32, i32) {
    %c0_i32 = arith.constant 0 : i32
    %c0_i32_0 = arith.constant 0 : i32
    return %arg0, %c0_i32 : i32, i32
  }
  func.func @transform_6(%arg0: i32) -> (i32, i32) {
    %c0_i32 = arith.constant 0 : i32
    %c0_i32_0 = arith.constant 0 : i32
    return %arg0, %c0_i32 : i32, i32
  }
  func.func @transform_7(%arg0: i32) -> (i32, i32) {
    %c0_i32 = arith.constant 0 : i32
    %c0_i32_0 = arith.constant 0 : i32
    return %arg0, %c0_i32 : i32, i32
  }
  func.func @transform_8(%arg0: i32) -> (i32, i32) {
    %c0_i32 = arith.constant 0 : i32
    %c0_i32_0 = arith.constant 0 : i32
    return %arg0, %c0_i32 : i32, i32
  }
  func.func @transform_9(%arg0: i32) -> (i32, i32) {
    %c0_i32 = arith.constant 0 : i32
    %c0_i32_0 = arith.constant 0 : i32
    return %arg0, %c0_i32 : i32, i32
  }
}

</mosaic_0001>

<sc_bundles>
// kernel: kernel.10.cloned.1.call-start
scs
__scs_entry_jumppad:
0x0: {  	(pc) =	sbr.rel $0x88, $3  }
0x1: {  	(tag) =	ssettag $0x0;
	lr =	simm.s32 $0x1  }
0x2: {  	[smem:$0x3F98] =	sst lr;
	_ =	strace $0xD0000000  }
0x3: {  	_ = 	snop  }
0x4: {  	_ = 	snop  }
0x5: {  	_ = 	snop  }
0x6: {  	_ = 	snop  }
0x7: {  	_ = 	snop  }
__scs_overlays_trampoline_lowered:
0x8: {  	[smem:$0x3FA7] =	sst s0  }
0x9: {  	[smem:$0x3FA8] =	sst s1  }
0xa: {  	[smem:$0x3FA9] =	sst s2  }
0xb: {  	[smem:$0x3FAA] =	sst s3  }
0xc: {  	[smem:$0x3FAB] =	sst s4  }
0xd: {  	[smem:$0x3FAC] =	sst s5  }
0xe: {  	[smem:$0x3FAD] =	sst s6  }
0xf: {  	[smem:$0x3FAE] =	sst s7  }
0x10: {  	[smem:$0x3FAF] =	sst s8  }
0x11: {  	[smem:$0x3FB0] =	sst s9;
	s0 =	simm.s32 @!p0 $0x0  }
0x12: {  	s1 =	sld [smem:$0x3F96];
	s0 =	simm.s32 @p0 $0x1  }
0x13: {  	[smem:$0x3FB1] =	sst s0;
	s0 =	simm.s32 @!p1 $0x0  }
0x14: {  	s2 =	sld [smem:$0x3F95];
	s0 =	simm.s32 @p1 $0x1  }
0x15: {  	[smem:$0x3FB2] =	sst s0;
	s0 =	simm.s32 @!p2 $0x0  }
0x16: {  	s3 =	sld [smem:$0x3FDB];
	s0 =	simm.s32 @p2 $0x1  }
0x17: {  	s4 =	simm.s32 $0x1BF5;
	[smem:$0x3FB4] =	sst s0  }
0x18: {  	s0 =	sld [smem:$0x3F97];
	_ =	swait.ge [sflag:s4], $0x0  }
0x19: {  	s7 =	sld [smem:$0x3F98]  }
0x1a: {  	s8 =	sadd.s32 $0xFFFFE003, lr  }
0x1b: {  	s9 =	sadd.s32 $0xFFFFFEF7, lr;
	s5 =	simm.s32 $0xFFFFFFFF;
	p2 =	slt.u32 s8, $0xFFFFF086  }
0x1c: {  	p1 =	slt.u32 s9, $0xF7A;
	s5 =	simm.s32 @!p2 $0x0  }
0x1d: {  	s5 =	simm.s32 @p1 $0x1;
	p0 =	seq.s32 s7, s2  }
0x1e: {  	s7 =	smul.u32 @!p0 $0xF7A, s2;
	p2 =	seq.s32 @!p0 s5, $0x0  }
0x1f: {  	s9 =	smul.u32 $0xF7A, s1;
	s8 =	simm.s32 @!p0 $0x1BF5;
	p2 =	por !p2, p0  }
0x20: {  	[sflag:s8] =	ssyncset.s32 @!p0 $0xFFFFF086;
	s6 =	sadd.s32 @!p0 s3, s7;
	s7 =	simm.s32 @!p0 $0x108  }
0x21: {  	s3 =	sadd.s32 s3, s9;
	s6 =	sadd.s32 @!p0 $0x88, s6;
	s7 =	simm.s32 @p2 $0x1082  }
0x22: {  	[simem:s7], [sflag:s8] =	dma.local @!p0 [hbm:s6], $0xF7A  }
0x23: {  	s9 =	sor.u32 $0xD0000000, s2;
	s6 =	simm.s32 $0x108;
	_ =	swait.ge @!p0 [sflag:s8], $0x0  }
0x24: {  	s3 =	sadd.s32 $0x88, s3;
	s6 =	simm.s32 @!p1 $0x1082;
	[sflag:s4] =	ssyncset.s32 $0xFFFFF086  }
0x25: {  	[simem:s6], [sflag:s4] =	dma.local [hbm:s3], $0xF7A  }
0x26: {  	[smem:$0x3F98] =	sst s1;
	(tag) =	ssettag s2;
	_ =	strace s9  }
0x27: {  	s1 =	sld [smem:$0x3FA8]  }
0x28: {  	s2 =	sld [smem:$0x3FA9]  }
0x29: {  	s4 =	sld [smem:$0x3FAB]  }
0x2a: {  	p0 =	seq.s32 s5, $0x0;
	s5 =	sld [smem:$0x3FAC]  }
0x2b: {  	s6 =	sld [smem:$0x3FAD]  }
0x2c: {  	s7 =	sld [smem:$0x3FAE]  }
0x2d: {  	s3 =	simm.s32 $0x108;
	s8 =	sld [smem:$0x3FAF]  }
0x2e: {  	s3 =	simm.s32 @!p0 $0x1082;
	s9 =	sld [smem:$0x3FB0]  }
0x2f: {  	lr =	sadd.s32 s0, s3;
	s0 =	sld [smem:$0x3FA7]  }
0x30: {  	s3 =	sld [smem:$0x3FAA]  }
0x31: {  	[smem:$0x3FB3] =	sst s10  }
0x32: {  	s10 =	sld [smem:$0x3FB1];
	_ =	sdelay $0x3  }
0x33: {  	p0 =	seq.s32 s10, $0x1;
	s10 =	sld [smem:$0x3FB3];
	_ =	sdelay $0x3  }
0x34: {  	[smem:$0x3FB3] =	sst s10  }
0x35: {  	s10 =	sld [smem:$0x3FB2];
	_ =	sdelay $0x3  }
0x36: {  	p1 =	seq.s32 s10, $0x1;
	s10 =	sld [smem:$0x3FB3];
	_ =	sdelay $0x3  }
0x37: {  	[smem:$0x3FB3] =	sst s10  }
0x38: {  	s10 =	sld [smem:$0x3FB4]  }
0x39: {  	_ = 	snop;
	(pc) =	sbr.ind lr, $3  }
0x3a: {  	_ = 	snop  }
0x3b: {  	_ = 	snop  }
0x3c: {  	p2 =	seq.s32 s10, $0x1;
	s10 =	sld [smem:$0x3FB3]  }
0x3d: {  	_ =	shalt  }
0x3e: {  	_ =	shalt  }
0x3f: {  	_ =	shalt  }
0x40: {  	_ =	shalt  }
0x41: {  	_ =	shalt  }
0x42: {  	_ =	shalt  }
0x43: {  	_ =	shalt  }
0x44: {  	_ =	shalt  }
0x45: {  	_ =	shalt  }
0x46: {  	_ =	shalt  }
0x47: {  	_ =	shalt  }
0x48: {  	_ =	shalt  }
0x49: {  	_ =	shalt  }
0x4a: {  	_ =	shalt  }
0x4b: {  	_ =	shalt  }
0x4c: {  	_ =	shalt  }
0x4d: {  	_ =	shalt  }
0x4e: {  	_ =	shalt  }
0x4f: {  	_ =	shalt  }
0x50: {  	_ =	shalt  }
0x51: {  	_ =	shalt  }
0x52: {  	_ =	shalt  }
0x53: {  	_ =	shalt  }
0x54: {  	_ =	shalt  }
0x55: {  	_ =	shalt  }
0x56: {  	_ =	shalt  }
0x57: {  	_ =	shalt  }
0x58: {  	_ =	shalt  }
0x59: {  	_ =	shalt  }
0x5a: {  	_ =	shalt  }
0x5b: {  	_ =	shalt  }
0x5c: {  	_ =	shalt  }
0x5d: {  	_ =	shalt  }
0x5e: {  	_ =	shalt  }
0x5f: {  	_ =	shalt  }
0x60: {  	_ =	shalt  }
0x61: {  	_ =	shalt  }
0x62: {  	_ =	shalt  }
0x63: {  	_ =	shalt  }
0x64: {  	_ =	shalt  }
0x65: {  	_ =	shalt  }
0x66: {  	_ =	shalt  }
0x67: {  	_ =	shalt  }
0x68: {  	_ =	shalt  }
0x69: {  	_ =	shalt  }
0x6a: {  	_ =	shalt  }
0x6b: {  	_ =	shalt  }
0x6c: {  	_ =	shalt  }
0x6d: {  	_ =	shalt  }
0x6e: {  	_ =	shalt  }
0x6f: {  	_ =	shalt  }
0x70: {  	_ =	shalt  }
0x71: {  	_ =	shalt  }
0x72: {  	_ =	shalt  }
0x73: {  	_ =	shalt  }
0x74: {  	_ =	shalt  }
0x75: {  	_ =	shalt  }
0x76: {  	_ =	shalt  }
0x77: {  	_ =	shalt  }
0x78: {  	_ =	shalt  }
0x79: {  	_ =	shalt  }
0x7a: {  	_ =	shalt  }
0x7b: {  	_ =	shalt  }
0x7c: {  	_ =	shalt  }
0x7d: {  	_ =	shalt  }
0x7e: {  	_ =	shalt  }
0x7f: {  	_ =	shalt  }
0x80: {  	_ =	shalt  }
0x81: {  	_ =	shalt  }
0x82: {  	_ =	shalt  }
0x83: {  	_ =	shalt  }
0x84: {  	_ =	shalt  }
0x85: {  	_ =	shalt  }
0x86: {  	_ =	shalt  }
0x87: {  	_ =	shalt  }
.Lfunc_end0:
.L_simem_size_0:
called_computation.1_lowered:
.L_overlay_start_0:
0x88: {  	s2 =	sld [smem:$0x3FD9]  }
0x89: {  	s3 =	sld [smem:$0x3FFE];
	_ =	sdelay $0x1  }
0x8a: {  	s1 =	srdreg.scid  }
0x8b: {  	s0 =	sand.u32 $0x1, s1  }
0x8c: {  	s16 =	sshll.u32 s0, $0xA;
	s2 =	sadd.s32 s3, s2  }
0x8d: {  	s2 =	sadd.s32 s2, s16  }
0x8e: {  	[smem:$0x3FBF] =	sst s2  }
0x8f: {  	_ = 	snop  }
0x90: {  	(tm) =	ssettm $0x1  }
0x91: {  	s17 =	sld [smem:$0x3FFB];
	_ =	sdelay $0x3  }
0x92: {  	_ =	strace s17  }
0x93: {  	s2 =	sld [smem:$0x3FFC];
	_ =	sdelay $0x3  }
0x94: {  	_ =	strace s2  }
0x95: {  	s2 =	sld [smem:$0x3FFD];
	_ =	sdelay $0x3  }
0x96: {  	_ =	strace s2  }
0x97: {  	_ =	strace $0x8FFFFFFF  }
0x98: {  	s18 =	sld [smem:$0x3FDB];
	_ =	sdelay $0x1  }
0x99: {  	s19 =	simm.s32 $_scs_section_size  }
0x9a: {  	s4 =	simm.s32 $_size__tile_overlayer_lowered;
	s5 =	simm.s32 $_tile_overlayer_lowered  }
0x9b: {  	s22 =	simm.s32 $0x1BFF;
	s21 =	sshll.u32 s5, $0x1;
	s2 =	sadd.s32 s19, s18  }
0x9c: {  	s6 =	simm.s32 $0x0;
	s20 =	sshll.u32 s4, $0x1;
	s4 =	sadd.s32 s21, s2  }
0x9d: {  	[timem:s6], [sflag:s22] =	dma.local [hbm:s4], s20  }
0x9e: {  	_ =	swait.ge [sflag:s22], s20  }
0x9f: {  	s3 =	ssub.s32 $0x0, s20;
	[sflag:s22] =	ssyncset.done $0x0  }
0xa0: {  	[sflag:s22] =	ssyncadd.s32 s3;
	_ =	sdelay $0x1  }
0xa1: {  	s23 =	simm.s32 $0x1B8B  }
0xa2: {  	_ =	swait.ge [sflag:s23], $0x1  }
0xa3: {  	[sflag:s23] =	ssyncset.done $0x0  }
0xa4: {  	s25 =	simm.s32 $0x1B8E;
	s24 =	sld [smem:$0x3FFE];
	[sflag:s23] =	ssyncadd.s32 $0xFFFFFFFF  }
0xa5: {  	s26 =	simm.s32 $execute0_lowered;
	[smem:$0x3FD2] =	sst s25  }
0xa6: {  	s4 =	sshll.u32 s26, $0x1;
	_ =	strace $0x80000049;
	[dreg:$0x1] =	wrdreg $0xFFFFFFFF  }
0xa7: {  	s28 =	simm.s32 $_size_execute0_lowered;
	s2 =	sadd.s32 s2, s4;
	[dreg:$0x0] =	wrdreg $0x0  }
0xa8: {  	s4 =	sshll.u32 s28, $0x1;
	[dreg:$0x2] =	wrdreg s2  }
0xa9: {  	[dreg:$0x3] =	wrdreg s4  }
0xaa: {  	[dreg:$0x4] =	wrdreg $0xC0  }
0xab: {  	_ =	task [dreg:s6], $0x5FFFF  }
0xac: {  	[dreg:$0x1] =	wrdreg $0xFFFFFFFF  }
0xad: {  	[dreg:$0x0] =	wrdreg $0x60  }
0xae: {  	[dreg:$0x2] =	wrdreg s24  }
0xaf: {  	[dreg:$0x3] =	wrdreg $0x9  }
0xb0: {  	_ =	task.clear_ibuf [dreg:s6], $0x4FFFF;
	_ =	strace $0x90000049  }
0xb1: {  	s29 =	simm.s32 $0x9;
	_ =	strace $0x8000004B  }
0xb2: {  	_ =	swait.ge [sflag:s29], $0x1  }
0xb3: {  	[sflag:s29] =	ssyncadd.s32 $0xFFFFFFFF  }
0xb4: {  	_ =	strace $0x9000004B  }
0xb5: {  	_ =	sfence  }
0xb6: {  	s30 =	sld [smem:$0x0];
	_ =	sdelay $0x2  }
0xb7: {  	s31 =	sshll.u32 s1, $0xD;
	s1 =	sshrl.u32 s1, $0x2  }
0xb8: {  	s3 =	sand.u32 $0x4000, s31;
	s1 =	sadd.s32 s1, s30  }
0xb9: {  	s0 =	sor.u32 s3, s0;
	s1 =	sshll.u32 s1, $0x11  }
0xba: {  	s0 =	sor.u32 s1, s0  }
0xbb: {  	s0 =	sadd.s32 $0x8F2B, s0  }
0xbc: {  	[sflag:s0] =	ssyncadd.remote.s32 $0x1  }
0xbd: {  	_ =	sfence.sel $0xFFFF  }
0xbe: {  	[dreg:$0x0] =	wrdreg $0xFFFFFFFF;
	(pc) =	sbr.abs _section_cstart, $3  }
0xbf: {  	[dreg:$0x1] =	wrdreg $0xFFFFFFFF  }
0xc0: {  	_ =	task.clear_ibuf [dreg:s6], $0x2FFFF;
	_ =	strace $0x9FFFFFFF  }
0xc1: {  	(tm) =	ssettm $0x7FFFFFFF  }
tec
execute0_lowered:
.L_overlay_start_1:
0x0: {  	(tag) =	ssettag $0x1  }
0x1: {  	s0 =	srdreg.scid;
	s2 =	stileid.u32  }
0x2: {  	s1 =	rddreg [dreg:$0x0];
	s26 =	simm.s32 $0x100;
	s18 =	simm.s32 $0x1  }
0x3: {  	s19 =	simm.s32 $0x3;
	s20 =	simm.s32 $0x2;
	s21 =	simm.s32 $0x4  }
0x4: {  	s28 =	simm.s32 $0x2200;
	s29 =	simm.s32 $0x2A00;
	s30 =	simm.s32 $0x3200  }
0x5: {  	s31 =	simm.s32 $0x3A00;
	s11 =	simm.s32 $0x5A00;
	s12 =	simm.s32 $0x6200  }
0x6: {  	s13 =	simm.s32 $0x6A00;
	s14 =	simm.s32 $0x7200;
	s15 =	simm.s32 $0x7A00  }
0x7: {  	s16 =	simm.s32 $0x8A00;
	s17 =	simm.s32 $0x9200;
	s0 =	sand.u32 $0x1, s0  }
0x8: {  	s3 =	sshll.u32 s2, $0x1;
	s2 =	simm.s32 $0x0;
	s6 =	sadd.s32 $0x3C00, s1  }
0x9: {  	s7 =	sadd.s32 $0x43C00, s1;
	s4 =	sor.u32 s0, s3;
	[smem:$0x7FF] =	sst s2  }
0xa: {  	s0 =	ssub.s32 $0x2, s0;
	s3 =	sshll.u32 s4, $0x5;
	_ =	strace $0x8000004A  }
0xb: {  	s8 =	sshrl.u32 s0, $0x1;
	s23 =	sshll.u32 s4, $0xD;
	[dreg:$0x8] =	wrdreg s26  }
0xc: {  	s26 =	simm.s32 $0x1A00;
	s5 =	sadd.s32 s3, s1;
	s3 =	sadd.s32 $0xBC400, s1  }
0xd: {  	s4 =	sadd.s32 s6, s23;
	s10 =	sor.u32 $0x1000, s23;
	s0 =	ssub.s32 s0, s8  }
0xe: {  	s25 =	sadd.s32 s7, s23;
	s8 =	simm.s32 $0x8200;
	[dreg:$0x4] =	wrdreg s4  }
0xf: {  	s9 =	sadd.s32 $0x3400, s5;
	s5 =	sadd.s32 $0x3800, s5;
	[dreg:$0x6] =	wrdreg s25  }
0x10: {  	s24 =	sadd.s32 s6, s10;
	s4 =	sadd.s32 $0xBC500, s1;
	[dreg:$0x2] =	wrdreg s9  }
0x11: {  	s7 =	sadd.s32 s7, s10;
	s6 =	sadd.s32 $0xBC700, s1;
	[dreg:$0x3] =	wrdreg s5  }
0x12: {  	v2 =	vlaneseq.u32;
	s25 =	simm.s32 $0x200;
	s10 =	simm.s32 $0x5200;
	[dreg:$0x5] =	wrdreg s24  }
0x13: {  	vm0 =	vmmov $0xffff;
	v1 =	vshrl.u32 v2, $0x3;
	s5 =	sadd.s32 $0xBC600, s1;
	[dreg:$0x7] =	wrdreg s7;
	s7 =	smax.u32 s0, $0x1  }
0x14: {  	v0 =	vand.u32 $0x7, v2;
	v2 =	vor.u32 $0x8, v2;
	v1 =	vmul.u32 $0x8, v1;
	s24 =	simm.s32 $0x1200;
	s1 =	simm.s32 $0x4200;
	s9 =	simm.s32 $0x9A00  }
.LBB2_1:
0x15: {  	s22 =	rddreg [dreg:$0x2];
	s0 =	simm.s32 $0x5  }
0x16: {  	[tilespmem:s2], [sflag:$0x5] =	stream.linear.gather [hbm4b:s22+s2], $0x100, $0x38;
	[tilespmem:$0x10200] =	vst v63  }
0x17: {  	_ =	swait.ge [sflag:s0], $0x100  }
0x18: {  	s22 =	rddreg [dreg:$0x3];
	[sflag:s0] =	ssyncset.done $0x0  }
0x19: {  	s23 =	rddreg [dreg:$0x8];
	[sflag:s0] =	ssyncadd.s32 $0xFFFFFF00  }
0x1a: {  	[tilespmem:s23], [sflag:$0x5] =	stream.linear.gather [hbm4b:s22+s2], $0x100, $0x38;
	[tilespmem:$0x10200] =	vst v63  }
0x1b: {  	_ =	swait.ge [sflag:s0], $0x100  }
0x1c: {  	[sflag:s0] =	ssyncset.done $0x0  }
0x1d: {  	[sflag:s0] =	ssyncadd.s32 $0xFFFFFF00  }
0x1e: {  	v3 =	vld [tilespmem:$0x0];
	_ =	sdelay $0x4  }
0x1f: {  	v4 =	vshll.u32 v3, $0x3  }
0x20: {  	v3 =	vand.u32 $0x7, v3;
	v4 =	vand.u32 $0xFFFFFFC0, v4  }
0x21: {  	v3 =	vor.u32 v3, v4  }
0x22: {  	v4 =	vperm.xlane v3, v0;
	_ =	sdelay $0x1  }
0x23: {  	v4 =	vadd.s32 v1, v4;
	_ =	sdelay $0x4  }
0x24: {  	[tilespmem:s25], [sflag:$0x1] =	stream.indirect_vreg.gather [hbm4b:s3+s2], $0x80, v4, vm0, $0xb8;
	[tilespmem:$0x10200] =	vst v63  }
0x25: {  	s23 =	simm.s32 $0xA00;
	v3 =	vperm.xlane v3, v2  }
0x26: {  	[tilespmem:s23], [sflag:$0x1] =	stream.indirect_vreg.gather [hbm4b:s4+s2], $0x80, v4, vm0, $0xb8;
	[tilespmem:$0x10200] =	vst v63  }
0x27: {  	v3 =	vadd.s32 v1, v3  }
0x28: {  	[tilespmem:s24], [sflag:$0x1] =	stream.indirect_vreg.gather [hbm4b:s5+s2], $0x80, v4, vm0, $0xb8;
	[tilespmem:$0x10200] =	vst v63  }
0x29: {  	_ = 	snop  }
0x2a: {  	[tilespmem:s26], [sflag:$0x1] =	stream.indirect_vreg.gather [hbm4b:s6+s2], $0x80, v4, vm0, $0xb8;
	[tilespmem:$0x10200] =	vst v63  }
0x2b: {  	_ = 	snop  }
0x2c: {  	[tilespmem:s28], [sflag:$0x1] =	stream.indirect_vreg.gather [hbm4b:s3+s2], $0x80, v3, vm0, $0xb8;
	[tilespmem:$0x10200] =	vst v63  }
0x2d: {  	_ = 	snop  }
0x2e: {  	[tilespmem:s29], [sflag:$0x1] =	stream.indirect_vreg.gather [hbm4b:s4+s2], $0x80, v3, vm0, $0xb8;
	[tilespmem:$0x10200] =	vst v63  }
0x2f: {  	_ = 	snop  }
0x30: {  	[tilespmem:s30], [sflag:$0x1] =	stream.indirect_vreg.gather [hbm4b:s5+s2], $0x80, v3, vm0, $0xb8;
	[tilespmem:$0x10200] =	vst v63  }
0x31: {  	_ = 	snop  }
0x32: {  	[tilespmem:s31], [sflag:$0x1] =	stream.indirect_vreg.gather [hbm4b:s6+s2], $0x80, v3, vm0, $0xb8;
	[tilespmem:$0x10200] =	vst v63  }
0x33: {  	v3 =	vld [tilespmem:$0x10];
	_ =	sdelay $0x4  }
0x34: {  	v57 =	vshll.u32 v3, $0x3  }
0x35: {  	v3 =	vand.u32 $0x7, v3;
	v4 =	vand.u32 $0xFFFFFFC0, v57  }
0x36: {  	v3 =	vor.u32 v3, v4  }
0x37: {  	v4 =	vperm.xlane v3, v0;
	_ =	sdelay $0x1  }
0x38: {  	v4 =	vadd.s32 v1, v4;
	_ =	sdelay $0x4  }
0x39: {  	[tilespmem:s1], [sflag:$0x1] =	stream.indirect_vreg.gather [hbm4b:s3+s2], $0x80, v4, vm0, $0xb8;
	[tilespmem:$0x10200] =	vst v63  }
0x3a: {  	s0 =	simm.s32 $0x4A00;
	v3 =	vperm.xlane v3, v2  }
0x3b: {  	[tilespmem:s0], [sflag:$0x1] =	stream.indirect_vreg.gather [hbm4b:s4+s2], $0x80, v4, vm0, $0xb8;
	[tilespmem:$0x10200] =	vst v63  }
0x3c: {  	v3 =	vadd.s32 v1, v3  }
0x3d: {  	[tilespmem:s10], [sflag:$0x1] =	stream.indirect_vreg.gather [hbm4b:s5+s2], $0x80, v4, vm0, $0xb8;
	[tilespmem:$0x10200] =	vst v63  }
0x3e: {  	_ = 	snop  }
0x3f: {  	[tilespmem:s11], [sflag:$0x1] =	stream.indirect_vreg.gather [hbm4b:s6+s2], $0x80, v4, vm0, $0xb8;
	[tilespmem:$0x10200] =	vst v63  }
0x40: {  	_ = 	snop  }
0x41: {  	[tilespmem:s12], [sflag:$0x1] =	stream.indirect_vreg.gather [hbm4b:s3+s2], $0x80, v3, vm0, $0xb8;
	[tilespmem:$0x10200] =	vst v63  }
0x42: {  	_ = 	snop  }
0x43: {  	[tilespmem:s13], [sflag:$0x1] =	stream.indirect_vreg.gather [hbm4b:s4+s2], $0x80, v3, vm0, $0xb8;
	[tilespmem:$0x10200] =	vst v63  }
0x44: {  	_ = 	snop  }
0x45: {  	[tilespmem:s14], [sflag:$0x1] =	stream.indirect_vreg.gather [hbm4b:s5+s2], $0x80, v3, vm0, $0xb8;
	[tilespmem:$0x10200] =	vst v63  }
0x46: {  	_ = 	snop  }
0x47: {  	[tilespmem:s15], [sflag:$0x1] =	stream.indirect_vreg.gather [hbm4b:s6+s2], $0x80, v3, vm0, $0xb8;
	[tilespmem:$0x10200] =	vst v63  }
0x48: {  	v3 =	vld [tilespmem:$0x80];
	_ =	sdelay $0x4  }
0x49: {  	v58 =	vshll.u32 v3, $0x3  }
0x4a: {  	v3 =	vand.u32 $0x7, v3;
	v4 =	vand.u32 $0xFFFFFFC0, v58  }
0x4b: {  	v3 =	vor.u32 v3, v4  }
0x4c: {  	v4 =	vperm.xlane v3, v0;
	_ =	sdelay $0x1  }
0x4d: {  	v4 =	vadd.s32 v1, v4;
	_ =	sdelay $0x4  }
0x4e: {  	[tilespmem:s8], [sflag:$0x2] =	stream.indirect_vreg.gather [hbm4b:s3+s2], $0x80, v4, vm0, $0xb8;
	[tilespmem:$0x10200] =	vst v63  }
0x4f: {  	v3 =	vperm.xlane v3, v2  }
0x50: {  	[tilespmem:s16], [sflag:$0x2] =	stream.indirect_vreg.gather [hbm4b:s4+s2], $0x80, v4, vm0, $0xb8;
	[tilespmem:$0x10200] =	vst v63  }
0x51: {  	v3 =	vadd.s32 v1, v3  }
0x52: {  	[tilespmem:s17], [sflag:$0x2] =	stream.indirect_vreg.gather [hbm4b:s5+s2], $0x80, v4, vm0, $0xb8;
	[tilespmem:$0x10200] =	vst v63  }
0x53: {  	_ = 	snop  }
0x54: {  	[tilespmem:s9], [sflag:$0x2] =	stream.indirect_vreg.gather [hbm4b:s6+s2], $0x80, v4, vm0, $0xb8;
	[tilespmem:$0x10200] =	vst v63  }
0x55: {  	s22 =	simm.s32 $0xA200  }
0x56: {  	[tilespmem:s22], [sflag:$0x2] =	stream.indirect_vreg.gather [hbm4b:s3+s2], $0x80, v3, vm0, $0xb8;
	[tilespmem:$0x10200] =	vst v63  }
0x57: {  	s22 =	simm.s32 $0xAA00  }
0x58: {  	[tilespmem:s22], [sflag:$0x2] =	stream.indirect_vreg.gather [hbm4b:s4+s2], $0x80, v3, vm0, $0xb8;
	[tilespmem:$0x10200] =	vst v63  }
0x59: {  	s22 =	simm.s32 $0xB200  }
0x5a: {  	[tilespmem:s22], [sflag:$0x2] =	stream.indirect_vreg.gather [hbm4b:s5+s2], $0x80, v3, vm0, $0xb8;
	[tilespmem:$0x10200] =	vst v63  }
0x5b: {  	s22 =	simm.s32 $0xBA00  }
0x5c: {  	[tilespmem:s22], [sflag:$0x2] =	stream.indirect_vreg.gather [hbm4b:s6+s2], $0x80, v3, vm0, $0xb8;
	[tilespmem:$0x10200] =	vst v63  }
0x5d: {  	v3 =	vld [tilespmem:$0x90];
	_ =	sdelay $0x4  }
0x5e: {  	v59 =	vshll.u32 v3, $0x3  }
0x5f: {  	v3 =	vand.u32 $0x7, v3;
	v4 =	vand.u32 $0xFFFFFFC0, v59  }
0x60: {  	v3 =	vor.u32 v3, v4  }
0x61: {  	v4 =	vperm.xlane v3, v0;
	_ =	sdelay $0x1  }
0x62: {  	v4 =	vadd.s32 v1, v4;
	_ =	sdelay $0x3  }
0x63: {  	s22 =	simm.s32 $0xC200  }
0x64: {  	[tilespmem:s22], [sflag:$0x2] =	stream.indirect_vreg.gather [hbm4b:s3+s2], $0x80, v4, vm0, $0xb8;
	[tilespmem:$0x10200] =	vst v63  }
0x65: {  	v3 =	vperm.xlane v3, v2;
	s22 =	simm.s32 $0xCA00  }
0x66: {  	[tilespmem:s22], [sflag:$0x2] =	stream.indirect_vreg.gather [hbm4b:s4+s2], $0x80, v4, vm0, $0xb8;
	[tilespmem:$0x10200] =	vst v63  }
0x67: {  	v3 =	vadd.s32 v1, v3;
	s22 =	simm.s32 $0xD200  }
0x68: {  	[tilespmem:s22], [sflag:$0x2] =	stream.indirect_vreg.gather [hbm4b:s5+s2], $0x80, v4, vm0, $0xb8;
	[tilespmem:$0x10200] =	vst v63  }
0x69: {  	s22 =	simm.s32 $0xDA00  }
0x6a: {  	[tilespmem:s22], [sflag:$0x2] =	stream.indirect_vreg.gather [hbm4b:s6+s2], $0x80, v4, vm0, $0xb8;
	[tilespmem:$0x10200] =	vst v63  }
0x6b: {  	s22 =	simm.s32 $0xE200  }
0x6c: {  	[tilespmem:s22], [sflag:$0x2] =	stream.indirect_vreg.gather [hbm4b:s3+s2], $0x80, v3, vm0, $0xb8;
	[tilespmem:$0x10200] =	vst v63  }
0x6d: {  	s22 =	simm.s32 $0xEA00  }
0x6e: {  	[tilespmem:s22], [sflag:$0x2] =	stream.indirect_vreg.gather [hbm4b:s4+s2], $0x80, v3, vm0, $0xb8;
	[tilespmem:$0x10200] =	vst v63  }
0x6f: {  	s22 =	simm.s32 $0xF200  }
0x70: {  	[tilespmem:s22], [sflag:$0x2] =	stream.indirect_vreg.gather [hbm4b:s5+s2], $0x80, v3, vm0, $0xb8;
	[tilespmem:$0x10200] =	vst v63  }
0x71: {  	s22 =	simm.s32 $0xFA00  }
0x72: {  	[tilespmem:s22], [sflag:$0x2] =	stream.indirect_vreg.gather [hbm4b:s6+s2], $0x80, v3, vm0, $0xb8;
	[tilespmem:$0x10200] =	vst v63  }
0x73: {  	_ =	swait.ge [sflag:s18], $0x8000  }
0x74: {  	[sflag:s18] =	ssyncset.done $0x0  }
0x75: {  	s22 =	rddreg [dreg:$0x4];
	[sflag:s18] =	ssyncadd.s32 $0xFFFF8000  }
0x76: {  	[hbm4b:s22+s2] =	stream.linear.scatter [tilespmem:s25], [sflag:$0x3], $0x8000, $0x38;
	[tilespmem:$0x10200] =	vst v63  }
0x77: {  	_ =	swait.ge [sflag:s19], $0x8000  }
0x78: {  	[sflag:s19] =	ssyncset.done $0x0  }
0x79: {  	[sflag:s19] =	ssyncadd.s32 $0xFFFF8000  }
0x7a: {  	v3 =	vld [tilespmem:$0x100];
	_ =	sdelay $0x4  }
0x7b: {  	v60 =	vshll.u32 v3, $0x3  }
0x7c: {  	v3 =	vand.u32 $0x7, v3;
	v4 =	vand.u32 $0xFFFFFFC0, v60  }
0x7d: {  	v3 =	vor.u32 v3, v4  }
0x7e: {  	v4 =	vperm.xlane v3, v0;
	_ =	sdelay $0x1  }
0x7f: {  	v4 =	vadd.s32 v1, v4;
	_ =	sdelay $0x4  }
0x80: {  	[tilespmem:s25], [sflag:$0x1] =	stream.indirect_vreg.gather [hbm4b:s3+s2], $0x80, v4, vm0, $0xb8;
	[tilespmem:$0x10200] =	vst v63  }
0x81: {  	v3 =	vperm.xlane v3, v2  }
0x82: {  	[tilespmem:s23], [sflag:$0x1] =	stream.indirect_vreg.gather [hbm4b:s4+s2], $0x80, v4, vm0, $0xb8;
	[tilespmem:$0x10200] =	vst v63  }
0x83: {  	v3 =	vadd.s32 v1, v3  }
0x84: {  	[tilespmem:s24], [sflag:$0x1] =	stream.indirect_vreg.gather [hbm4b:s5+s2], $0x80, v4, vm0, $0xb8;
	[tilespmem:$0x10200] =	vst v63  }
0x85: {  	_ = 	snop  }
0x86: {  	[tilespmem:s26], [sflag:$0x1] =	stream.indirect_vreg.gather [hbm4b:s6+s2], $0x80, v4, vm0, $0xb8;
	[tilespmem:$0x10200] =	vst v63  }
0x87: {  	_ = 	snop  }
0x88: {  	[tilespmem:s28], [sflag:$0x1] =	stream.indirect_vreg.gather [hbm4b:s3+s2], $0x80, v3, vm0, $0xb8;
	[tilespmem:$0x10200] =	vst v63  }
0x89: {  	_ = 	snop  }
0x8a: {  	[tilespmem:s29], [sflag:$0x1] =	stream.indirect_vreg.gather [hbm4b:s4+s2], $0x80, v3, vm0, $0xb8;
	[tilespmem:$0x10200] =	vst v63  }
0x8b: {  	_ = 	snop  }
0x8c: {  	[tilespmem:s30], [sflag:$0x1] =	stream.indirect_vreg.gather [hbm4b:s5+s2], $0x80, v3, vm0, $0xb8;
	[tilespmem:$0x10200] =	vst v63  }
0x8d: {  	_ = 	snop  }
0x8e: {  	[tilespmem:s31], [sflag:$0x1] =	stream.indirect_vreg.gather [hbm4b:s6+s2], $0x80, v3, vm0, $0xb8;
	[tilespmem:$0x10200] =	vst v63  }
0x8f: {  	v3 =	vld [tilespmem:$0x110];
	_ =	sdelay $0x4  }
0x90: {  	v61 =	vshll.u32 v3, $0x3  }
0x91: {  	v3 =	vand.u32 $0x7, v3;
	v4 =	vand.u32 $0xFFFFFFC0, v61  }
0x92: {  	v3 =	vor.u32 v3, v4  }
0x93: {  	v4 =	vperm.xlane v3, v0;
	_ =	sdelay $0x1  }
0x94: {  	v4 =	vadd.s32 v1, v4;
	_ =	sdelay $0x4  }
0x95: {  	[tilespmem:s1], [sflag:$0x1] =	stream.indirect_vreg.gather [hbm4b:s3+s2], $0x80, v4, vm0, $0xb8;
	[tilespmem:$0x10200] =	vst v63  }
0x96: {  	v3 =	vperm.xlane v3, v2  }
0x97: {  	[tilespmem:s0], [sflag:$0x1] =	stream.indirect_vreg.gather [hbm4b:s4+s2], $0x80, v4, vm0, $0xb8;
	[tilespmem:$0x10200] =	vst v63  }
0x98: {  	v3 =	vadd.s32 v1, v3  }
0x99: {  	[tilespmem:s10], [sflag:$0x1] =	stream.indirect_vreg.gather [hbm4b:s5+s2], $0x80, v4, vm0, $0xb8;
	[tilespmem:$0x10200] =	vst v63  }
0x9a: {  	_ = 	snop  }
0x9b: {  	[tilespmem:s11], [sflag:$0x1] =	stream.indirect_vreg.gather [hbm4b:s6+s2], $0x80, v4, vm0, $0xb8;
	[tilespmem:$0x10200] =	vst v63  }
0x9c: {  	_ = 	snop  }
0x9d: {  	[tilespmem:s12], [sflag:$0x1] =	stream.indirect_vreg.gather [hbm4b:s3+s2], $0x80, v3, vm0, $0xb8;
	[tilespmem:$0x10200] =	vst v63  }
0x9e: {  	_ = 	snop  }
0x9f: {  	[tilespmem:s13], [sflag:$0x1] =	stream.indirect_vreg.gather [hbm4b:s4+s2], $0x80, v3, vm0, $0xb8;
	[tilespmem:$0x10200] =	vst v63  }
0xa0: {  	_ = 	snop  }
0xa1: {  	[tilespmem:s14], [sflag:$0x1] =	stream.indirect_vreg.gather [hbm4b:s5+s2], $0x80, v3, vm0, $0xb8;
	[tilespmem:$0x10200] =	vst v63  }
0xa2: {  	_ = 	snop  }
0xa3: {  	[tilespmem:s15], [sflag:$0x1] =	stream.indirect_vreg.gather [hbm4b:s6+s2], $0x80, v3, vm0, $0xb8;
	[tilespmem:$0x10200] =	vst v63  }
0xa4: {  	_ =	swait.ge [sflag:s20], $0x8000  }
0xa5: {  	[sflag:s20] =	ssyncset.done $0x0  }
0xa6: {  	s0 =	rddreg [dreg:$0x5];
	[sflag:s20] =	ssyncadd.s32 $0xFFFF8000  }
0xa7: {  	[hbm4b:s0+s2] =	stream.linear.scatter [tilespmem:s8], [sflag:$0x4], $0x8000, $0x38;
	[tilespmem:$0x10200] =	vst v63  }
0xa8: {  	_ =	swait.ge [sflag:s21], $0x8000  }
0xa9: {  	[sflag:s21] =	ssyncset.done $0x0  }
0xaa: {  	[sflag:s21] =	ssyncadd.s32 $0xFFFF8000  }
0xab: {  	v3 =	vld [tilespmem:$0x180];
	_ =	sdelay $0x4  }
0xac: {  	v62 =	vshll.u32 v3, $0x3  }
0xad: {  	v3 =	vand.u32 $0x7, v3;
	v4 =	vand.u32 $0xFFFFFFC0, v62  }
0xae: {  	v3 =	vor.u32 v3, v4  }
0xaf: {  	v4 =	vperm.xlane v3, v0;
	_ =	sdelay $0x1  }
0xb0: {  	v4 =	vadd.s32 v1, v4;
	_ =	sdelay $0x4  }
0xb1: {  	[tilespmem:s8], [sflag:$0x2] =	stream.indirect_vreg.gather [hbm4b:s3+s2], $0x80, v4, vm0, $0xb8;
	[tilespmem:$0x10200] =	vst v63  }
0xb2: {  	v3 =	vperm.xlane v3, v2  }
0xb3: {  	[tilespmem:s16], [sflag:$0x2] =	stream.indirect_vreg.gather [hbm4b:s4+s2], $0x80, v4, vm0, $0xb8;
	[tilespmem:$0x10200] =	vst v63  }
0xb4: {  	v3 =	vadd.s32 v1, v3  }
0xb5: {  	[tilespmem:s17], [sflag:$0x2] =	stream.indirect_vreg.gather [hbm4b:s5+s2], $0x80, v4, vm0, $0xb8;
	[tilespmem:$0x10200] =	vst v63  }
0xb6: {  	_ = 	snop  }
0xb7: {  	[tilespmem:s9], [sflag:$0x2] =	stream.indirect_vreg.gather [hbm4b:s6+s2], $0x80, v4, vm0, $0xb8;
	[tilespmem:$0x10200] =	vst v63  }
0xb8: {  	s22 =	simm.s32 $0xA200  }
0xb9: {  	[tilespmem:s22], [sflag:$0x2] =	stream.indirect_vreg.gather [hbm4b:s3+s2], $0x80, v3, vm0, $0xb8;
	[tilespmem:$0x10200] =	vst v63  }
0xba: {  	s23 =	simm.s32 $0xAA00  }
0xbb: {  	[tilespmem:s23], [sflag:$0x2] =	stream.indirect_vreg.gather [hbm4b:s4+s2], $0x80, v3, vm0, $0xb8;
	[tilespmem:$0x10200] =	vst v63  }
0xbc: {  	s22 =	simm.s32 $0xB200  }
0xbd: {  	[tilespmem:s22], [sflag:$0x2] =	stream.indirect_vreg.gather [hbm4b:s5+s2], $0x80, v3, vm0, $0xb8;
	[tilespmem:$0x10200] =	vst v63  }
0xbe: {  	s23 =	simm.s32 $0xBA00  }
0xbf: {  	[tilespmem:s23], [sflag:$0x2] =	stream.indirect_vreg.gather [hbm4b:s6+s2], $0x80, v3, vm0, $0xb8;
	[tilespmem:$0x10200] =	vst v63  }
0xc0: {  	v3 =	vld [tilespmem:$0x190];
	_ =	sdelay $0x4  }
0xc1: {  	v63 =	vshll.u32 v3, $0x3  }
0xc2: {  	v3 =	vand.u32 $0x7, v3;
	v4 =	vand.u32 $0xFFFFFFC0, v63  }
0xc3: {  	v3 =	vor.u32 v3, v4  }
0xc4: {  	v4 =	vperm.xlane v3, v0;
	_ =	sdelay $0x1  }
0xc5: {  	v4 =	vadd.s32 v1, v4;
	_ =	sdelay $0x3  }
0xc6: {  	s22 =	simm.s32 $0xC200  }
0xc7: {  	[tilespmem:s22], [sflag:$0x2] =	stream.indirect_vreg.gather [hbm4b:s3+s2], $0x80, v4, vm0, $0xb8;
	[tilespmem:$0x10200] =	vst v63  }
0xc8: {  	s23 =	simm.s32 $0xCA00;
	v3 =	vperm.xlane v3, v2  }
0xc9: {  	[tilespmem:s23], [sflag:$0x2] =	stream.indirect_vreg.gather [hbm4b:s4+s2], $0x80, v4, vm0, $0xb8;
	[tilespmem:$0x10200] =	vst v63  }
0xca: {  	v3 =	vadd.s32 v1, v3;
	s22 =	simm.s32 $0xD200  }
0xcb: {  	[tilespmem:s22], [sflag:$0x2] =	stream.indirect_vreg.gather [hbm4b:s5+s2], $0x80, v4, vm0, $0xb8;
	[tilespmem:$0x10200] =	vst v63  }
0xcc: {  	s23 =	simm.s32 $0xDA00  }
0xcd: {  	[tilespmem:s23], [sflag:$0x2] =	stream.indirect_vreg.gather [hbm4b:s6+s2], $0x80, v4, vm0, $0xb8;
	[tilespmem:$0x10200] =	vst v63  }
0xce: {  	s22 =	simm.s32 $0xE200  }
0xcf: {  	[tilespmem:s22], [sflag:$0x2] =	stream.indirect_vreg.gather [hbm4b:s3+s2], $0x80, v3, vm0, $0xb8;
	[tilespmem:$0x10200] =	vst v63  }
0xd0: {  	s23 =	simm.s32 $0xEA00  }
0xd1: {  	[tilespmem:s23], [sflag:$0x2] =	stream.indirect_vreg.gather [hbm4b:s4+s2], $0x80, v3, vm0, $0xb8;
	[tilespmem:$0x10200] =	vst v63  }
0xd2: {  	s22 =	simm.s32 $0xF200  }
0xd3: {  	[tilespmem:s22], [sflag:$0x2] =	stream.indirect_vreg.gather [hbm4b:s5+s2], $0x80, v3, vm0, $0xb8;
	[tilespmem:$0x10200] =	vst v63  }
0xd4: {  	s23 =	simm.s32 $0xFA00  }
0xd5: {  	[tilespmem:s23], [sflag:$0x2] =	stream.indirect_vreg.gather [hbm4b:s6+s2], $0x80, v3, vm0, $0xb8;
	[tilespmem:$0x10200] =	vst v63  }
0xd6: {  	_ =	swait.ge [sflag:s18], $0x8000  }
0xd7: {  	[sflag:s18] =	ssyncset.done $0x0  }
0xd8: {  	s0 =	rddreg [dreg:$0x6];
	[sflag:s18] =	ssyncadd.s32 $0xFFFF8000  }
0xd9: {  	[hbm4b:s0+s2] =	stream.linear.scatter [tilespmem:s25], [sflag:$0x3], $0x8000, $0x38;
	[tilespmem:$0x10200] =	vst v63  }
0xda: {  	_ =	swait.ge [sflag:s20], $0x8000  }
0xdb: {  	[sflag:s20] =	ssyncset.done $0x0  }
0xdc: {  	s23 =	rddreg [dreg:$0x7];
	[sflag:s20] =	ssyncadd.s32 $0xFFFF8000  }
0xdd: {  	[hbm4b:s23+s2] =	stream.linear.scatter [tilespmem:s8], [sflag:$0x4], $0x8000, $0x38;
	[tilespmem:$0x10200] =	vst v63  }
0xde: {  	p0 =	sne.s32 s7, $0x1;
	_ =	swait.ge [sflag:s19], $0x8000  }
.Ltmp0:
0xdf: {  	[sflag:s19] =	ssyncset.done $0x0;
	(pc) =	sbr.rel @p0 .LBB2_1-.Ltmp0, $4  }
0xe0: {  	[sflag:s19] =	ssyncadd.s32 $0xFFFF8000  }
0xe1: {  	_ =	swait.ge [sflag:s21], $0x8000  }
0xe2: {  	[sflag:s21] =	ssyncset.done $0x0  }
0xe3: {  	s7 =	sadd.s32 $0xFFFFFFFF, s7;
	[sflag:s21] =	ssyncadd.s32 $0xFFFF8000  }
0xe4: {  	_ =	sfence.sel $0x180000  }
0xe5: {  	[bflag:$0x0] =	sbarrier.arrive $0xFFFF  }
0xe6: {  	_ =	strace $0x9000004A  }
0xe7: {  	s0 =	stileid.u32;
	[bflag:$0x2] =	sbarrier.arrive $0xFFFF  }
0xe8: {  	p0 =	sne.s32 s0, $0x0;
	s0 =	rddreg [dreg:$0x1]  }
0xe9: {  	s0 =	sadd.s32 @!p0 $0x100000, s0  }
0xea: {  	[sflag:s0] =	ssyncadd.tile.s32 @!p0 $0x1;
	_ =	shalt  }
.Lfunc_end2:
_tile_overlayer_lowered:
.L_overlay_start_2:
0xeb: {  	(tag) =	ssettag $0x2  }
0xec: {  	s0 =	rddreg [dreg:$0x0];
	s2 =	stileid.u32  }
0xed: {  	s1 =	rddreg [dreg:$0x1];
	p0 =	sne.s32 s2, $0x0  }
0xee: {  	s3 =	rddreg [dreg:$0x2];
	[bflag:$0x3] =	sbarrier.arrive $0xFFFF;
	s2 =	simm.s32 @!p0 $0x1C05  }
0xef: {  	[timem:s3], [sflag:s2] =	dma.local @!p0 [hbm:s0], s1  }
0xf0: {  	s0 =	simm.s32 @!p0 $0x5  }
0xf1: {  	_ =	swait.ge @!p0 [sflag:s0], s1  }
0xf2: {  	s1 =	ssub.s32 @!p0 $0x0, s1;
	[sflag:s0] =	ssyncset.done @!p0 $0x0  }
0xf3: {  	[sflag:s0] =	ssyncadd.s32 @!p0 s1  }
0xf4: {  	[bflag:$0x3] =	sbarrier.arrive $0xFFFF  }
0xf5: {  	_ =	shalt  }

// kernel: kernel.7.cloned.1.call-start
scs
__scs_entry_jumppad:
0x0: {  	(pc) =	sbr.rel $0x88, $3  }
0x1: {  	(tag) =	ssettag $0x0;
	lr =	simm.s32 $0x1  }
0x2: {  	[smem:$0x3F98] =	sst lr;
	_ =	strace $0xD0000000  }
0x3: {  	_ = 	snop  }
0x4: {  	_ = 	snop  }
0x5: {  	_ = 	snop  }
0x6: {  	_ = 	snop  }
0x7: {  	_ = 	snop  }
__scs_overlays_trampoline_lowered:
0x8: {  	[smem:$0x3FA7] =	sst s0  }
0x9: {  	[smem:$0x3FA8] =	sst s1  }
0xa: {  	[smem:$0x3FA9] =	sst s2  }
0xb: {  	[smem:$0x3FAA] =	sst s3  }
0xc: {  	[smem:$0x3FAB] =	sst s4  }
0xd: {  	[smem:$0x3FAC] =	sst s5  }
0xe: {  	[smem:$0x3FAD] =	sst s6  }
0xf: {  	[smem:$0x3FAE] =	sst s7  }
0x10: {  	[smem:$0x3FAF] =	sst s8  }
0x11: {  	[smem:$0x3FB0] =	sst s9;
	s0 =	simm.s32 @!p0 $0x0  }
0x12: {  	s1 =	sld [smem:$0x3F96];
	s0 =	simm.s32 @p0 $0x1  }
0x13: {  	[smem:$0x3FB1] =	sst s0;
	s0 =	simm.s32 @!p1 $0x0  }
0x14: {  	s2 =	sld [smem:$0x3F95];
	s0 =	simm.s32 @p1 $0x1  }
0x15: {  	[smem:$0x3FB2] =	sst s0;
	s0 =	simm.s32 @!p2 $0x0  }
0x16: {  	s3 =	sld [smem:$0x3FDB];
	s0 =	simm.s32 @p2 $0x1  }
0x17: {  	s4 =	simm.s32 $0x1BF5;
	[smem:$0x3FB4] =	sst s0  }
0x18: {  	s0 =	sld [smem:$0x3F97];
	_ =	swait.ge [sflag:s4], $0x0  }
0x19: {  	s7 =	sld [smem:$0x3F98]  }
0x1a: {  	s8 =	sadd.s32 $0xFFFFE003, lr  }
0x1b: {  	s9 =	sadd.s32 $0xFFFFFEF7, lr;
	s5 =	simm.s32 $0xFFFFFFFF;
	p2 =	slt.u32 s8, $0xFFFFF086  }
0x1c: {  	p1 =	slt.u32 s9, $0xF7A;
	s5 =	simm.s32 @!p2 $0x0  }
0x1d: {  	s5 =	simm.s32 @p1 $0x1;
	p0 =	seq.s32 s7, s2  }
0x1e: {  	s7 =	smul.u32 @!p0 $0xF7A, s2;
	p2 =	seq.s32 @!p0 s5, $0x0  }
0x1f: {  	s9 =	smul.u32 $0xF7A, s1;
	s8 =	simm.s32 @!p0 $0x1BF5;
	p2 =	por !p2, p0  }
0x20: {  	[sflag:s8] =	ssyncset.s32 @!p0 $0xFFFFF086;
	s6 =	sadd.s32 @!p0 s3, s7;
	s7 =	simm.s32 @!p0 $0x108  }
0x21: {  	s3 =	sadd.s32 s3, s9;
	s6 =	sadd.s32 @!p0 $0x88, s6;
	s7 =	simm.s32 @p2 $0x1082  }
0x22: {  	[simem:s7], [sflag:s8] =	dma.local @!p0 [hbm:s6], $0xF7A  }
0x23: {  	s9 =	sor.u32 $0xD0000000, s2;
	s6 =	simm.s32 $0x108;
	_ =	swait.ge @!p0 [sflag:s8], $0x0  }
0x24: {  	s3 =	sadd.s32 $0x88, s3;
	s6 =	simm.s32 @!p1 $0x1082;
	[sflag:s4] =	ssyncset.s32 $0xFFFFF086  }
0x25: {  	[simem:s6], [sflag:s4] =	dma.local [hbm:s3], $0xF7A  }
0x26: {  	[smem:$0x3F98] =	sst s1;
	(tag) =	ssettag s2;
	_ =	strace s9  }
0x27: {  	s1 =	sld [smem:$0x3FA8]  }
0x28: {  	s2 =	sld [smem:$0x3FA9]  }
0x29: {  	s4 =	sld [smem:$0x3FAB]  }
0x2a: {  	p0 =	seq.s32 s5, $0x0;
	s5 =	sld [smem:$0x3FAC]  }
0x2b: {  	s6 =	sld [smem:$0x3FAD]  }
0x2c: {  	s7 =	sld [smem:$0x3FAE]  }
0x2d: {  	s3 =	simm.s32 $0x108;
	s8 =	sld [smem:$0x3FAF]  }
0x2e: {  	s3 =	simm.s32 @!p0 $0x1082;
	s9 =	sld [smem:$0x3FB0]  }
0x2f: {  	lr =	sadd.s32 s0, s3;
	s0 =	sld [smem:$0x3FA7]  }
0x30: {  	s3 =	sld [smem:$0x3FAA]  }
0x31: {  	[smem:$0x3FB3] =	sst s10  }
0x32: {  	s10 =	sld [smem:$0x3FB1];
	_ =	sdelay $0x3  }
0x33: {  	p0 =	seq.s32 s10, $0x1;
	s10 =	sld [smem:$0x3FB3];
	_ =	sdelay $0x3  }
0x34: {  	[smem:$0x3FB3] =	sst s10  }
0x35: {  	s10 =	sld [smem:$0x3FB2];
	_ =	sdelay $0x3  }
0x36: {  	p1 =	seq.s32 s10, $0x1;
	s10 =	sld [smem:$0x3FB3];
	_ =	sdelay $0x3  }
0x37: {  	[smem:$0x3FB3] =	sst s10  }
0x38: {  	s10 =	sld [smem:$0x3FB4]  }
0x39: {  	_ = 	snop;
	(pc) =	sbr.ind lr, $3  }
0x3a: {  	_ = 	snop  }
0x3b: {  	_ = 	snop  }
0x3c: {  	p2 =	seq.s32 s10, $0x1;
	s10 =	sld [smem:$0x3FB3]  }
0x3d: {  	_ =	shalt  }
0x3e: {  	_ =	shalt  }
0x3f: {  	_ =	shalt  }
0x40: {  	_ =	shalt  }
0x41: {  	_ =	shalt  }
0x42: {  	_ =	shalt  }
0x43: {  	_ =	shalt  }
0x44: {  	_ =	shalt  }
0x45: {  	_ =	shalt  }
0x46: {  	_ =	shalt  }
0x47: {  	_ =	shalt  }
0x48: {  	_ =	shalt  }
0x49: {  	_ =	shalt  }
0x4a: {  	_ =	shalt  }
0x4b: {  	_ =	shalt  }
0x4c: {  	_ =	shalt  }
0x4d: {  	_ =	shalt  }
0x4e: {  	_ =	shalt  }
0x4f: {  	_ =	shalt  }
0x50: {  	_ =	shalt  }
0x51: {  	_ =	shalt  }
0x52: {  	_ =	shalt  }
0x53: {  	_ =	shalt  }
0x54: {  	_ =	shalt  }
0x55: {  	_ =	shalt  }
0x56: {  	_ =	shalt  }
0x57: {  	_ =	shalt  }
0x58: {  	_ =	shalt  }
0x59: {  	_ =	shalt  }
0x5a: {  	_ =	shalt  }
0x5b: {  	_ =	shalt  }
0x5c: {  	_ =	shalt  }
0x5d: {  	_ =	shalt  }
0x5e: {  	_ =	shalt  }
0x5f: {  	_ =	shalt  }
0x60: {  	_ =	shalt  }
0x61: {  	_ =	shalt  }
0x62: {  	_ =	shalt  }
0x63: {  	_ =	shalt  }
0x64: {  	_ =	shalt  }
0x65: {  	_ =	shalt  }
0x66: {  	_ =	shalt  }
0x67: {  	_ =	shalt  }
0x68: {  	_ =	shalt  }
0x69: {  	_ =	shalt  }
0x6a: {  	_ =	shalt  }
0x6b: {  	_ =	shalt  }
0x6c: {  	_ =	shalt  }
0x6d: {  	_ =	shalt  }
0x6e: {  	_ =	shalt  }
0x6f: {  	_ =	shalt  }
0x70: {  	_ =	shalt  }
0x71: {  	_ =	shalt  }
0x72: {  	_ =	shalt  }
0x73: {  	_ =	shalt  }
0x74: {  	_ =	shalt  }
0x75: {  	_ =	shalt  }
0x76: {  	_ =	shalt  }
0x77: {  	_ =	shalt  }
0x78: {  	_ =	shalt  }
0x79: {  	_ =	shalt  }
0x7a: {  	_ =	shalt  }
0x7b: {  	_ =	shalt  }
0x7c: {  	_ =	shalt  }
0x7d: {  	_ =	shalt  }
0x7e: {  	_ =	shalt  }
0x7f: {  	_ =	shalt  }
0x80: {  	_ =	shalt  }
0x81: {  	_ =	shalt  }
0x82: {  	_ =	shalt  }
0x83: {  	_ =	shalt  }
0x84: {  	_ =	shalt  }
0x85: {  	_ =	shalt  }
0x86: {  	_ =	shalt  }
0x87: {  	_ =	shalt  }
.Lfunc_end0:
.L_simem_size_0:
called_computation_lowered:
.L_overlay_start_0:
0x88: {  	s2 =	sld [smem:$0x3FD9]  }
0x89: {  	s3 =	sld [smem:$0x3FFE];
	_ =	sdelay $0x1  }
0x8a: {  	s1 =	srdreg.scid  }
0x8b: {  	s0 =	sand.u32 $0x1, s1  }
0x8c: {  	s17 =	sshll.u32 s0, $0xA;
	s2 =	sadd.s32 s3, s2  }
0x8d: {  	s2 =	sadd.s32 s2, s17  }
0x8e: {  	[smem:$0x3FBF] =	sst s2  }
0x8f: {  	_ = 	snop  }
0x90: {  	s2 =	sld [smem:$0x3FC9];
	(tm) =	ssettm $0x1  }
0x91: {  	s18 =	sld [smem:$0x3FFB];
	_ =	sdelay $0x3  }
0x92: {  	_ =	strace s18  }
0x93: {  	s3 =	sld [smem:$0x3FFC];
	_ =	sdelay $0x3  }
0x94: {  	_ =	strace s3  }
0x95: {  	s3 =	sld [smem:$0x3FFD];
	_ =	sdelay $0x3  }
0x96: {  	_ =	strace s3  }
0x97: {  	_ =	strace $0x8FFFFFFF  }
0x98: {  	s19 =	sld [smem:$0x3FDB];
	_ =	sdelay $0x1  }
0x99: {  	s4 =	simm.s32 $_scs_section_size  }
0x9a: {  	s5 =	simm.s32 $_size__tile_overlayer_lowered;
	s6 =	simm.s32 $_tile_overlayer_lowered  }
0x9b: {  	s22 =	simm.s32 $0x1BFF;
	s21 =	sshll.u32 s6, $0x1;
	s3 =	sadd.s32 s4, s19  }
0x9c: {  	s7 =	simm.s32 $0x0;
	s20 =	sshll.u32 s5, $0x1;
	s5 =	sadd.s32 s21, s3  }
0x9d: {  	[timem:s7], [sflag:s22] =	dma.local [hbm:s5], s20  }
0x9e: {  	_ =	swait.ge [sflag:s22], s20  }
0x9f: {  	s4 =	ssub.s32 $0x0, s20;
	[sflag:s22] =	ssyncset.done $0x0  }
0xa0: {  	[sflag:s22] =	ssyncadd.s32 s4;
	_ =	sdelay $0x1  }
0xa1: {  	s23 =	simm.s32 $0x1B8B  }
0xa2: {  	_ =	swait.ge [sflag:s23], $0x1  }
0xa3: {  	[sflag:s23] =	ssyncset.done $0x0  }
0xa4: {  	s25 =	simm.s32 $0x1B8E;
	s24 =	sld [smem:$0x3FFE];
	[sflag:s23] =	ssyncadd.s32 $0xFFFFFFFF  }
0xa5: {  	s26 =	simm.s32 $execute0_lowered;
	[smem:$0x3FD2] =	sst s25  }
0xa6: {  	s5 =	sshll.u32 s26, $0x1;
	_ =	strace $0x80000046;
	[dreg:$0x1] =	wrdreg $0xFFFFFFFF  }
0xa7: {  	s28 =	simm.s32 $_size_execute0_lowered;
	s3 =	sadd.s32 s3, s5;
	[dreg:$0x0] =	wrdreg $0x0  }
0xa8: {  	s5 =	sshll.u32 s28, $0x1;
	[dreg:$0x2] =	wrdreg s3  }
0xa9: {  	[dreg:$0x3] =	wrdreg s5  }
0xaa: {  	[dreg:$0x4] =	wrdreg $0xC0  }
0xab: {  	_ =	task [dreg:s7], $0x5FFFF  }
0xac: {  	[dreg:$0x1] =	wrdreg $0xFFFFFFFF  }
0xad: {  	[dreg:$0x0] =	wrdreg $0x60  }
0xae: {  	[dreg:$0x2] =	wrdreg s24  }
0xaf: {  	[dreg:$0x3] =	wrdreg s2  }
0xb0: {  	[dreg:$0x4] =	wrdreg $0x9  }
0xb1: {  	_ =	task.clear_ibuf [dreg:s7], $0x5FFFF;
	_ =	strace $0x90000046  }
0xb2: {  	s29 =	simm.s32 $0x9;
	_ =	strace $0x80000048  }
0xb3: {  	_ =	swait.ge [sflag:s29], $0x1  }
0xb4: {  	[sflag:s29] =	ssyncadd.s32 $0xFFFFFFFF  }
0xb5: {  	_ =	strace $0x90000048  }
0xb6: {  	_ =	sfence  }
0xb7: {  	s30 =	sld [smem:$0x0];
	_ =	sdelay $0x2  }
0xb8: {  	s31 =	sshll.u32 s1, $0xD;
	s1 =	sshrl.u32 s1, $0x2  }
0xb9: {  	s3 =	sand.u32 $0x4000, s31;
	s1 =	sadd.s32 s1, s30  }
0xba: {  	s0 =	sor.u32 s3, s0;
	s1 =	sshll.u32 s1, $0x11  }
0xbb: {  	s0 =	sor.u32 s1, s0  }
0xbc: {  	s0 =	sadd.s32 $0x8F2B, s0  }
0xbd: {  	[sflag:s0] =	ssyncadd.remote.s32 $0x1  }
0xbe: {  	_ =	sfence.sel $0xFFFF  }
0xbf: {  	[dreg:$0x0] =	wrdreg $0xFFFFFFFF;
	(pc) =	sbr.abs _section_cstart, $3  }
0xc0: {  	[dreg:$0x1] =	wrdreg $0xFFFFFFFF  }
0xc1: {  	_ =	task.clear_ibuf [dreg:s7], $0x2FFFF;
	_ =	strace $0x9FFFFFFF  }
0xc2: {  	(tm) =	ssettm $0x7FFFFFFF  }
0xc3: {  	_ =	shalt  }
tec
execute0_lowered:
.L_overlay_start_1:
0x0: {  	(tag) =	ssettag $0x1  }
0x1: {  	s0 =	rddreg [dreg:$0x0]  }
0x2: {  	s2 =	rddreg [dreg:$0x1];
	s1 =	srdreg.scid  }
0x3: {  	s4 =	stileid.u32;
	s3 =	simm.s32 $0x0;
	s31 =	simm.s32 $0x200  }
0x4: {  	s26 =	simm.s32 $0x4;
	s1 =	sand.u32 $0x1, s1;
	s4 =	sshll.u32 s4, $0x7  }
0x5: {  	[smem:$0x7FF] =	sst s3;
	s8 =	sadd.s32 $0x4500, s0;
	s9 =	sadd.s32 $0x4600, s0  }
0x6: {  	s10 =	sadd.s32 $0x4700, s0;
	s5 =	sshll.u32 s1, $0x6;
	_ =	strace $0x80000047  }
0x7: {  	s1 =	ssub.s32 $0x2, s1;
	[dreg:$0x5] =	wrdreg s31;
	s4 =	sor.u32 s5, s4  }
0x8: {  	s7 =	sshrl.u32 s1, $0x1;
	s5 =	sadd.s32 s4, s0;
	s4 =	sadd.s32 $0x4400, s0  }
0x9: {  	v2 =	vlaneseq.u32;
	s1 =	ssub.s32 s1, s7;
	s7 =	sadd.s32 $0x300, s2;
	s6 =	sadd.s32 $0x3C00, s5  }
0xa: {  	vm0 =	vmmov $0xffff;
	v1 =	vshrl.u32 v2, $0x3;
	s5 =	sadd.s32 $0x3400, s5;
	s1 =	smax.u32 s1, $0x1;
	[dreg:$0x3] =	wrdreg s6  }
0xb: {  	v0 =	vand.u32 $0x7, v2;
	v2 =	vor.u32 $0x8, v2;
	v1 =	vmul.u32 $0x8, v1;
	[dreg:$0x4] =	wrdreg s5;
	s5 =	sadd.s32 $0x100, s2;
	s6 =	sadd.s32 $0x200, s2  }
.LBB2_1:
0xc: {  	s30 =	rddreg [dreg:$0x3];
	s0 =	simm.s32 $0x5  }
0xd: {  	[tilespmem:s3], [sflag:$0x5] =	stream.linear.gather [hbm4b:s30+s3], $0x200, $0x38;
	[tilespmem:$0x10400] =	vst v63  }
0xe: {  	_ =	swait.ge [sflag:s0], $0x200  }
0xf: {  	s11 =	rddreg [dreg:$0x4];
	[sflag:s0] =	ssyncset.done $0x0  }
0x10: {  	s31 =	rddreg [dreg:$0x5];
	[sflag:s0] =	ssyncadd.s32 $0xFFFFFE00  }
0x11: {  	[tilespmem:s31], [sflag:$0x5] =	stream.linear.gather [hbm4b:s11+s3], $0x200, $0x38;
	[tilespmem:$0x10400] =	vst v63  }
0x12: {  	_ =	swait.ge [sflag:s0], $0x200  }
0x13: {  	[sflag:s0] =	ssyncset.done $0x0  }
0x14: {  	[sflag:s0] =	ssyncadd.s32 $0xFFFFFE00  }
0x15: {  	v3 =	vld [tilespmem:$0x0];
	_ =	sdelay $0x4  }
0x16: {  	v4 =	vshll.u32 v3, $0x3  }
0x17: {  	v3 =	vand.u32 $0x7, v3;
	v4 =	vand.u32 $0xFFFFFFC0, v4  }
0x18: {  	v3 =	vor.u32 v3, v4  }
0x19: {  	v4 =	vperm.xlane v3, v0;
	_ =	sdelay $0x1  }
0x1a: {  	v4 =	vadd.s32 v1, v4;
	_ =	sdelay $0x3  }
0x1b: {  	s12 =	simm.s32 $0x400  }
0x1c: {  	[tilespmem:s12], [sflag:$0x1] =	stream.indirect_vreg.gather [hbm4b:s2+s3], $0x80, v4, vm0, $0xb8;
	[tilespmem:$0x10400] =	vst v63  }
0x1d: {  	s31 =	simm.s32 $0xC00;
	v3 =	vperm.xlane v3, v2  }
0x1e: {  	[tilespmem:s31], [sflag:$0x1] =	stream.indirect_vreg.gather [hbm4b:s5+s3], $0x80, v4, vm0, $0xb8;
	[tilespmem:$0x10400] =	vst v63  }
0x1f: {  	s13 =	simm.s32 $0x1400;
	v3 =	vadd.s32 v1, v3  }
0x20: {  	[tilespmem:s13], [sflag:$0x1] =	stream.indirect_vreg.gather [hbm4b:s6+s3], $0x80, v4, vm0, $0xb8;
	[tilespmem:$0x10400] =	vst v63  }
0x21: {  	s14 =	simm.s32 $0x1C00  }
0x22: {  	[tilespmem:s14], [sflag:$0x1] =	stream.indirect_vreg.gather [hbm4b:s7+s3], $0x80, v4, vm0, $0xb8;
	[tilespmem:$0x10400] =	vst v63  }
0x23: {  	s15 =	simm.s32 $0x2400  }
0x24: {  	[tilespmem:s15], [sflag:$0x1] =	stream.indirect_vreg.gather [hbm4b:s2+s3], $0x80, v3, vm0, $0xb8;
	[tilespmem:$0x10400] =	vst v63  }
0x25: {  	s16 =	simm.s32 $0x2C00  }
0x26: {  	[tilespmem:s16], [sflag:$0x1] =	stream.indirect_vreg.gather [hbm4b:s5+s3], $0x80, v3, vm0, $0xb8;
	[tilespmem:$0x10400] =	vst v63  }
0x27: {  	s17 =	simm.s32 $0x3400  }
0x28: {  	[tilespmem:s17], [sflag:$0x1] =	stream.indirect_vreg.gather [hbm4b:s6+s3], $0x80, v3, vm0, $0xb8;
	[tilespmem:$0x10400] =	vst v63  }
0x29: {  	s18 =	simm.s32 $0x3C00  }
0x2a: {  	[tilespmem:s18], [sflag:$0x1] =	stream.indirect_vreg.gather [hbm4b:s7+s3], $0x80, v3, vm0, $0xb8;
	[tilespmem:$0x10400] =	vst v63  }
0x2b: {  	v3 =	vld [tilespmem:$0x10];
	_ =	sdelay $0x4  }
0x2c: {  	v49 =	vshll.u32 v3, $0x3  }
0x2d: {  	v3 =	vand.u32 $0x7, v3;
	v4 =	vand.u32 $0xFFFFFFC0, v49  }
0x2e: {  	v3 =	vor.u32 v3, v4  }
0x2f: {  	v4 =	vperm.xlane v3, v0;
	_ =	sdelay $0x1  }
0x30: {  	v4 =	vadd.s32 v1, v4;
	_ =	sdelay $0x3  }
0x31: {  	s19 =	simm.s32 $0x4400  }
0x32: {  	[tilespmem:s19], [sflag:$0x1] =	stream.indirect_vreg.gather [hbm4b:s2+s3], $0x80, v4, vm0, $0xb8;
	[tilespmem:$0x10400] =	vst v63  }
0x33: {  	s20 =	simm.s32 $0x4C00;
	v3 =	vperm.xlane v3, v2  }
0x34: {  	[tilespmem:s20], [sflag:$0x1] =	stream.indirect_vreg.gather [hbm4b:s5+s3], $0x80, v4, vm0, $0xb8;
	[tilespmem:$0x10400] =	vst v63  }
0x35: {  	s21 =	simm.s32 $0x5400;
	v3 =	vadd.s32 v1, v3  }
0x36: {  	[tilespmem:s21], [sflag:$0x1] =	stream.indirect_vreg.gather [hbm4b:s6+s3], $0x80, v4, vm0, $0xb8;
	[tilespmem:$0x10400] =	vst v63  }
0x37: {  	s22 =	simm.s32 $0x5C00  }
0x38: {  	[tilespmem:s22], [sflag:$0x1] =	stream.indirect_vreg.gather [hbm4b:s7+s3], $0x80, v4, vm0, $0xb8;
	[tilespmem:$0x10400] =	vst v63  }
0x39: {  	s23 =	simm.s32 $0x6400  }
0x3a: {  	[tilespmem:s23], [sflag:$0x1] =	stream.indirect_vreg.gather [hbm4b:s2+s3], $0x80, v3, vm0, $0xb8;
	[tilespmem:$0x10400] =	vst v63  }
0x3b: {  	s24 =	simm.s32 $0x6C00  }
0x3c: {  	[tilespmem:s24], [sflag:$0x1] =	stream.indirect_vreg.gather [hbm4b:s5+s3], $0x80, v3, vm0, $0xb8;
	[tilespmem:$0x10400] =	vst v63  }
0x3d: {  	s25 =	simm.s32 $0x7400  }
0x3e: {  	[tilespmem:s25], [sflag:$0x1] =	stream.indirect_vreg.gather [hbm4b:s6+s3], $0x80, v3, vm0, $0xb8;
	[tilespmem:$0x10400] =	vst v63  }
0x3f: {  	s28 =	simm.s32 $0x7C00  }
0x40: {  	[tilespmem:s28], [sflag:$0x1] =	stream.indirect_vreg.gather [hbm4b:s7+s3], $0x80, v3, vm0, $0xb8;
	[tilespmem:$0x10400] =	vst v63  }
0x41: {  	v3 =	vld [tilespmem:$0x80];
	_ =	sdelay $0x4  }
0x42: {  	v50 =	vshll.u32 v3, $0x3  }
0x43: {  	v3 =	vand.u32 $0x7, v3;
	v4 =	vand.u32 $0xFFFFFFC0, v50  }
0x44: {  	v3 =	vor.u32 v3, v4  }
0x45: {  	v4 =	vperm.xlane v3, v0;
	_ =	sdelay $0x1  }
0x46: {  	v4 =	vadd.s32 v1, v4;
	_ =	sdelay $0x3  }
0x47: {  	s29 =	simm.s32 $0x8400  }
0x48: {  	[tilespmem:s29], [sflag:$0x2] =	stream.indirect_vreg.gather [hbm4b:s2+s3], $0x80, v4, vm0, $0xb8;
	[tilespmem:$0x10400] =	vst v63  }
0x49: {  	s30 =	simm.s32 $0x8C00;
	v3 =	vperm.xlane v3, v2  }
0x4a: {  	[tilespmem:s30], [sflag:$0x2] =	stream.indirect_vreg.gather [hbm4b:s5+s3], $0x80, v4, vm0, $0xb8;
	[tilespmem:$0x10400] =	vst v63  }
0x4b: {  	s11 =	simm.s32 $0x9400;
	v3 =	vadd.s32 v1, v3  }
0x4c: {  	[tilespmem:s11], [sflag:$0x2] =	stream.indirect_vreg.gather [hbm4b:s6+s3], $0x80, v4, vm0, $0xb8;
	[tilespmem:$0x10400] =	vst v63  }
0x4d: {  	s12 =	simm.s32 $0x9C00  }
0x4e: {  	[tilespmem:s12], [sflag:$0x2] =	stream.indirect_vreg.gather [hbm4b:s7+s3], $0x80, v4, vm0, $0xb8;
	[tilespmem:$0x10400] =	vst v63  }
0x4f: {  	s13 =	simm.s32 $0xA400  }
0x50: {  	[tilespmem:s13], [sflag:$0x2] =	stream.indirect_vreg.gather [hbm4b:s2+s3], $0x80, v3, vm0, $0xb8;
	[tilespmem:$0x10400] =	vst v63  }
0x51: {  	s14 =	simm.s32 $0xAC00  }
0x52: {  	[tilespmem:s14], [sflag:$0x2] =	stream.indirect_vreg.gather [hbm4b:s5+s3], $0x80, v3, vm0, $0xb8;
	[tilespmem:$0x10400] =	vst v63  }
0x53: {  	s15 =	simm.s32 $0xB400  }
0x54: {  	[tilespmem:s15], [sflag:$0x2] =	stream.indirect_vreg.gather [hbm4b:s6+s3], $0x80, v3, vm0, $0xb8;
	[tilespmem:$0x10400] =	vst v63  }
0x55: {  	s16 =	simm.s32 $0xBC00  }
0x56: {  	[tilespmem:s16], [sflag:$0x2] =	stream.indirect_vreg.gather [hbm4b:s7+s3], $0x80, v3, vm0, $0xb8;
	[tilespmem:$0x10400] =	vst v63  }
0x57: {  	v3 =	vld [tilespmem:$0x90];
	_ =	sdelay $0x4  }
0x58: {  	v51 =	vshll.u32 v3, $0x3  }
0x59: {  	v3 =	vand.u32 $0x7, v3;
	v4 =	vand.u32 $0xFFFFFFC0, v51  }
0x5a: {  	v3 =	vor.u32 v3, v4  }
0x5b: {  	v4 =	vperm.xlane v3, v0;
	_ =	sdelay $0x1  }
0x5c: {  	v4 =	vadd.s32 v1, v4;
	_ =	sdelay $0x3  }
0x5d: {  	s17 =	simm.s32 $0xC400  }
0x5e: {  	[tilespmem:s17], [sflag:$0x2] =	stream.indirect_vreg.gather [hbm4b:s2+s3], $0x80, v4, vm0, $0xb8;
	[tilespmem:$0x10400] =	vst v63  }
0x5f: {  	s18 =	simm.s32 $0xCC00;
	v3 =	vperm.xlane v3, v2  }
0x60: {  	[tilespmem:s18], [sflag:$0x2] =	stream.indirect_vreg.gather [hbm4b:s5+s3], $0x80, v4, vm0, $0xb8;
	[tilespmem:$0x10400] =	vst v63  }
0x61: {  	s19 =	simm.s32 $0xD400;
	v3 =	vadd.s32 v1, v3  }
0x62: {  	[tilespmem:s19], [sflag:$0x2] =	stream.indirect_vreg.gather [hbm4b:s6+s3], $0x80, v4, vm0, $0xb8;
	[tilespmem:$0x10400] =	vst v63  }
0x63: {  	s20 =	simm.s32 $0xDC00  }
0x64: {  	[tilespmem:s20], [sflag:$0x2] =	stream.indirect_vreg.gather [hbm4b:s7+s3], $0x80, v4, vm0, $0xb8;
	[tilespmem:$0x10400] =	vst v63  }
0x65: {  	s21 =	simm.s32 $0xE400  }
0x66: {  	[tilespmem:s21], [sflag:$0x2] =	stream.indirect_vreg.gather [hbm4b:s2+s3], $0x80, v3, vm0, $0xb8;
	[tilespmem:$0x10400] =	vst v63  }
0x67: {  	s22 =	simm.s32 $0xEC00  }
0x68: {  	[tilespmem:s22], [sflag:$0x2] =	stream.indirect_vreg.gather [hbm4b:s5+s3], $0x80, v3, vm0, $0xb8;
	[tilespmem:$0x10400] =	vst v63  }
0x69: {  	s23 =	simm.s32 $0xF400  }
0x6a: {  	[tilespmem:s23], [sflag:$0x2] =	stream.indirect_vreg.gather [hbm4b:s6+s3], $0x80, v3, vm0, $0xb8;
	[tilespmem:$0x10400] =	vst v63  }
0x6b: {  	s0 =	simm.s32 $0x1;
	s24 =	simm.s32 $0xFC00  }
0x6c: {  	[tilespmem:s24], [sflag:$0x2] =	stream.indirect_vreg.gather [hbm4b:s7+s3], $0x80, v3, vm0, $0xb8;
	[tilespmem:$0x10400] =	vst v63  }
0x6d: {  	_ =	swait.ge [sflag:s0], $0x8000  }
0x6e: {  	[sflag:s0] =	ssyncset.done $0x0  }
0x6f: {  	[sflag:s0] =	ssyncadd.s32 $0xFFFF8000  }
0x70: {  	v3 =	vld [tilespmem:$0x200];
	_ =	sdelay $0x4  }
0x71: {  	v52 =	vshll.u32 v3, $0x3  }
0x72: {  	v3 =	vand.u32 $0x7, v3;
	v4 =	vand.u32 $0xFFFFFFC0, v52  }
0x73: {  	v3 =	vor.u32 v3, v4  }
0x74: {  	v4 =	vperm.xlane v3, v0;
	_ =	sdelay $0x1  }
0x75: {  	v4 =	vadd.s32 v1, v4;
	_ =	sdelay $0x3  }
0x76: {  	s21 =	simm.s32 $0x400  }
0x77: {  	[hbm4b:s4+s3] =	stream.indirect_vreg.scatter [tilespmem:s21], [sflag:$0x3], $0x80, v4, vm0, $0xb8;
	[tilespmem:$0x10400] =	vst v63  }
0x78: {  	v3 =	vperm.xlane v3, v2  }
0x79: {  	[hbm4b:s8+s3] =	stream.indirect_vreg.scatter [tilespmem:s31], [sflag:$0x3], $0x80, v4, vm0, $0xb8;
	[tilespmem:$0x10400] =	vst v63  }
0x7a: {  	s11 =	simm.s32 $0x1400;
	v3 =	vadd.s32 v1, v3  }
0x7b: {  	[hbm4b:s9+s3] =	stream.indirect_vreg.scatter [tilespmem:s11], [sflag:$0x3], $0x80, v4, vm0, $0xb8;
	[tilespmem:$0x10400] =	vst v63  }
0x7c: {  	s12 =	simm.s32 $0x1C00  }
0x7d: {  	[hbm4b:s10+s3] =	stream.indirect_vreg.scatter [tilespmem:s12], [sflag:$0x3], $0x80, v4, vm0, $0xb8;
	[tilespmem:$0x10400] =	vst v63  }
0x7e: {  	s13 =	simm.s32 $0x2400  }
0x7f: {  	[hbm4b:s4+s3] =	stream.indirect_vreg.scatter [tilespmem:s13], [sflag:$0x3], $0x80, v3, vm0, $0xb8;
	[tilespmem:$0x10400] =	vst v63  }
0x80: {  	s14 =	simm.s32 $0x2C00  }
0x81: {  	[hbm4b:s8+s3] =	stream.indirect_vreg.scatter [tilespmem:s14], [sflag:$0x3], $0x80, v3, vm0, $0xb8;
	[tilespmem:$0x10400] =	vst v63  }
0x82: {  	s15 =	simm.s32 $0x3400  }
0x83: {  	[hbm4b:s9+s3] =	stream.indirect_vreg.scatter [tilespmem:s15], [sflag:$0x3], $0x80, v3, vm0, $0xb8;
	[tilespmem:$0x10400] =	vst v63  }
0x84: {  	s22 =	simm.s32 $0x3C00  }
0x85: {  	[hbm4b:s10+s3] =	stream.indirect_vreg.scatter [tilespmem:s22], [sflag:$0x3], $0x80, v3, vm0, $0xb8;
	[tilespmem:$0x10400] =	vst v63  }
0x86: {  	v3 =	vld [tilespmem:$0x210];
	_ =	sdelay $0x4  }
0x87: {  	v53 =	vshll.u32 v3, $0x3  }
0x88: {  	v3 =	vand.u32 $0x7, v3;
	v4 =	vand.u32 $0xFFFFFFC0, v53  }
0x89: {  	v3 =	vor.u32 v3, v4  }
0x8a: {  	v4 =	vperm.xlane v3, v0;
	_ =	sdelay $0x1  }
0x8b: {  	v4 =	vadd.s32 v1, v4;
	_ =	sdelay $0x3  }
0x8c: {  	s23 =	simm.s32 $0x4400  }
0x8d: {  	[hbm4b:s4+s3] =	stream.indirect_vreg.scatter [tilespmem:s23], [sflag:$0x3], $0x80, v4, vm0, $0xb8;
	[tilespmem:$0x10400] =	vst v63  }
0x8e: {  	s24 =	simm.s32 $0x4C00;
	v3 =	vperm.xlane v3, v2  }
0x8f: {  	[hbm4b:s8+s3] =	stream.indirect_vreg.scatter [tilespmem:s24], [sflag:$0x3], $0x80, v4, vm0, $0xb8;
	[tilespmem:$0x10400] =	vst v63  }
0x90: {  	s16 =	simm.s32 $0x5400;
	v3 =	vadd.s32 v1, v3  }
0x91: {  	[hbm4b:s9+s3] =	stream.indirect_vreg.scatter [tilespmem:s16], [sflag:$0x3], $0x80, v4, vm0, $0xb8;
	[tilespmem:$0x10400] =	vst v63  }
0x92: {  	s17 =	simm.s32 $0x5C00  }
0x93: {  	[hbm4b:s10+s3] =	stream.indirect_vreg.scatter [tilespmem:s17], [sflag:$0x3], $0x80, v4, vm0, $0xb8;
	[tilespmem:$0x10400] =	vst v63  }
0x94: {  	s18 =	simm.s32 $0x6400  }
0x95: {  	[hbm4b:s4+s3] =	stream.indirect_vreg.scatter [tilespmem:s18], [sflag:$0x3], $0x80, v3, vm0, $0xb8;
	[tilespmem:$0x10400] =	vst v63  }
0x96: {  	s19 =	simm.s32 $0x6C00  }
0x97: {  	[hbm4b:s8+s3] =	stream.indirect_vreg.scatter [tilespmem:s19], [sflag:$0x3], $0x80, v3, vm0, $0xb8;
	[tilespmem:$0x10400] =	vst v63  }
0x98: {  	s20 =	simm.s32 $0x7400  }
0x99: {  	[hbm4b:s9+s3] =	stream.indirect_vreg.scatter [tilespmem:s20], [sflag:$0x3], $0x80, v3, vm0, $0xb8;
	[tilespmem:$0x10400] =	vst v63  }
0x9a: {  	s25 =	simm.s32 $0x7C00;
	s30 =	simm.s32 $0x3  }
0x9b: {  	[hbm4b:s10+s3] =	stream.indirect_vreg.scatter [tilespmem:s25], [sflag:$0x3], $0x80, v3, vm0, $0xb8;
	[tilespmem:$0x10400] =	vst v63  }
0x9c: {  	_ =	swait.ge [sflag:s30], $0x8000  }
0x9d: {  	[sflag:s30] =	ssyncset.done $0x0  }
0x9e: {  	[sflag:s30] =	ssyncadd.s32 $0xFFFF8000  }
0x9f: {  	v3 =	vld [tilespmem:$0x100];
	_ =	sdelay $0x4  }
0xa0: {  	v54 =	vshll.u32 v3, $0x3  }
0xa1: {  	v3 =	vand.u32 $0x7, v3;
	v4 =	vand.u32 $0xFFFFFFC0, v54  }
0xa2: {  	v3 =	vor.u32 v3, v4  }
0xa3: {  	v4 =	vperm.xlane v3, v0;
	_ =	sdelay $0x1  }
0xa4: {  	v4 =	vadd.s32 v1, v4;
	_ =	sdelay $0x4  }
0xa5: {  	[tilespmem:s21], [sflag:$0x1] =	stream.indirect_vreg.gather [hbm4b:s2+s3], $0x80, v4, vm0, $0xb8;
	[tilespmem:$0x10400] =	vst v63  }
0xa6: {  	v3 =	vperm.xlane v3, v2  }
0xa7: {  	[tilespmem:s31], [sflag:$0x1] =	stream.indirect_vreg.gather [hbm4b:s5+s3], $0x80, v4, vm0, $0xb8;
	[tilespmem:$0x10400] =	vst v63  }
0xa8: {  	v3 =	vadd.s32 v1, v3  }
0xa9: {  	[tilespmem:s11], [sflag:$0x1] =	stream.indirect_vreg.gather [hbm4b:s6+s3], $0x80, v4, vm0, $0xb8;
	[tilespmem:$0x10400] =	vst v63  }
0xaa: {  	_ = 	snop  }
0xab: {  	[tilespmem:s12], [sflag:$0x1] =	stream.indirect_vreg.gather [hbm4b:s7+s3], $0x80, v4, vm0, $0xb8;
	[tilespmem:$0x10400] =	vst v63  }
0xac: {  	_ = 	snop  }
0xad: {  	[tilespmem:s13], [sflag:$0x1] =	stream.indirect_vreg.gather [hbm4b:s2+s3], $0x80, v3, vm0, $0xb8;
	[tilespmem:$0x10400] =	vst v63  }
0xae: {  	_ = 	snop  }
0xaf: {  	[tilespmem:s14], [sflag:$0x1] =	stream.indirect_vreg.gather [hbm4b:s5+s3], $0x80, v3, vm0, $0xb8;
	[tilespmem:$0x10400] =	vst v63  }
0xb0: {  	_ = 	snop  }
0xb1: {  	[tilespmem:s15], [sflag:$0x1] =	stream.indirect_vreg.gather [hbm4b:s6+s3], $0x80, v3, vm0, $0xb8;
	[tilespmem:$0x10400] =	vst v63  }
0xb2: {  	_ = 	snop  }
0xb3: {  	[tilespmem:s22], [sflag:$0x1] =	stream.indirect_vreg.gather [hbm4b:s7+s3], $0x80, v3, vm0, $0xb8;
	[tilespmem:$0x10400] =	vst v63  }
0xb4: {  	v3 =	vld [tilespmem:$0x110];
	_ =	sdelay $0x4  }
0xb5: {  	v55 =	vshll.u32 v3, $0x3  }
0xb6: {  	v3 =	vand.u32 $0x7, v3;
	v4 =	vand.u32 $0xFFFFFFC0, v55  }
0xb7: {  	v3 =	vor.u32 v3, v4  }
0xb8: {  	v4 =	vperm.xlane v3, v0;
	_ =	sdelay $0x1  }
0xb9: {  	v4 =	vadd.s32 v1, v4;
	_ =	sdelay $0x4  }
0xba: {  	[tilespmem:s23], [sflag:$0x1] =	stream.indirect_vreg.gather [hbm4b:s2+s3], $0x80, v4, vm0, $0xb8;
	[tilespmem:$0x10400] =	vst v63  }
0xbb: {  	v3 =	vperm.xlane v3, v2  }
0xbc: {  	[tilespmem:s24], [sflag:$0x1] =	stream.indirect_vreg.gather [hbm4b:s5+s3], $0x80, v4, vm0, $0xb8;
	[tilespmem:$0x10400] =	vst v63  }
0xbd: {  	v3 =	vadd.s32 v1, v3  }
0xbe: {  	[tilespmem:s16], [sflag:$0x1] =	stream.indirect_vreg.gather [hbm4b:s6+s3], $0x80, v4, vm0, $0xb8;
	[tilespmem:$0x10400] =	vst v63  }
0xbf: {  	_ = 	snop  }
0xc0: {  	[tilespmem:s17], [sflag:$0x1] =	stream.indirect_vreg.gather [hbm4b:s7+s3], $0x80, v4, vm0, $0xb8;
	[tilespmem:$0x10400] =	vst v63  }
0xc1: {  	_ = 	snop  }
0xc2: {  	[tilespmem:s18], [sflag:$0x1] =	stream.indirect_vreg.gather [hbm4b:s2+s3], $0x80, v3, vm0, $0xb8;
	[tilespmem:$0x10400] =	vst v63  }
0xc3: {  	_ = 	snop  }
0xc4: {  	[tilespmem:s19], [sflag:$0x1] =	stream.indirect_vreg.gather [hbm4b:s5+s3], $0x80, v3, vm0, $0xb8;
	[tilespmem:$0x10400] =	vst v63  }
0xc5: {  	_ = 	snop  }
0xc6: {  	[tilespmem:s20], [sflag:$0x1] =	stream.indirect_vreg.gather [hbm4b:s6+s3], $0x80, v3, vm0, $0xb8;
	[tilespmem:$0x10400] =	vst v63  }
0xc7: {  	s11 =	simm.s32 $0x2  }
0xc8: {  	[tilespmem:s25], [sflag:$0x1] =	stream.indirect_vreg.gather [hbm4b:s7+s3], $0x80, v3, vm0, $0xb8;
	[tilespmem:$0x10400] =	vst v63  }
0xc9: {  	_ =	swait.ge [sflag:s11], $0x8000  }
0xca: {  	[sflag:s11] =	ssyncset.done $0x0  }
0xcb: {  	[sflag:s11] =	ssyncadd.s32 $0xFFFF8000  }
0xcc: {  	v3 =	vld [tilespmem:$0x280];
	_ =	sdelay $0x4  }
0xcd: {  	v56 =	vshll.u32 v3, $0x3  }
0xce: {  	v3 =	vand.u32 $0x7, v3;
	v4 =	vand.u32 $0xFFFFFFC0, v56  }
0xcf: {  	v3 =	vor.u32 v3, v4  }
0xd0: {  	v4 =	vperm.xlane v3, v0;
	_ =	sdelay $0x1  }
0xd1: {  	v4 =	vadd.s32 v1, v4;
	_ =	sdelay $0x3  }
0xd2: {  	s21 =	simm.s32 $0x8400  }
0xd3: {  	[hbm4b:s4+s3] =	stream.indirect_vreg.scatter [tilespmem:s21], [sflag:$0x4], $0x80, v4, vm0, $0xb8;
	[tilespmem:$0x10400] =	vst v63  }
0xd4: {  	s22 =	simm.s32 $0x8C00;
	v3 =	vperm.xlane v3, v2  }
0xd5: {  	[hbm4b:s8+s3] =	stream.indirect_vreg.scatter [tilespmem:s22], [sflag:$0x4], $0x80, v4, vm0, $0xb8;
	[tilespmem:$0x10400] =	vst v63  }
0xd6: {  	s29 =	simm.s32 $0x9400;
	v3 =	vadd.s32 v1, v3  }
0xd7: {  	[hbm4b:s9+s3] =	stream.indirect_vreg.scatter [tilespmem:s29], [sflag:$0x4], $0x80, v4, vm0, $0xb8;
	[tilespmem:$0x10400] =	vst v63  }
0xd8: {  	s28 =	simm.s32 $0x9C00  }
0xd9: {  	[hbm4b:s10+s3] =	stream.indirect_vreg.scatter [tilespmem:s28], [sflag:$0x4], $0x80, v4, vm0, $0xb8;
	[tilespmem:$0x10400] =	vst v63  }
0xda: {  	s20 =	simm.s32 $0xA400  }
0xdb: {  	[hbm4b:s4+s3] =	stream.indirect_vreg.scatter [tilespmem:s20], [sflag:$0x4], $0x80, v3, vm0, $0xb8;
	[tilespmem:$0x10400] =	vst v63  }
0xdc: {  	s12 =	simm.s32 $0xAC00  }
0xdd: {  	[hbm4b:s8+s3] =	stream.indirect_vreg.scatter [tilespmem:s12], [sflag:$0x4], $0x80, v3, vm0, $0xb8;
	[tilespmem:$0x10400] =	vst v63  }
0xde: {  	s13 =	simm.s32 $0xB400  }
0xdf: {  	[hbm4b:s9+s3] =	stream.indirect_vreg.scatter [tilespmem:s13], [sflag:$0x4], $0x80, v3, vm0, $0xb8;
	[tilespmem:$0x10400] =	vst v63  }
0xe0: {  	s23 =	simm.s32 $0xBC00  }
0xe1: {  	[hbm4b:s10+s3] =	stream.indirect_vreg.scatter [tilespmem:s23], [sflag:$0x4], $0x80, v3, vm0, $0xb8;
	[tilespmem:$0x10400] =	vst v63  }
0xe2: {  	v3 =	vld [tilespmem:$0x290];
	_ =	sdelay $0x4  }
0xe3: {  	v57 =	vshll.u32 v3, $0x3  }
0xe4: {  	v3 =	vand.u32 $0x7, v3;
	v4 =	vand.u32 $0xFFFFFFC0, v57  }
0xe5: {  	v3 =	vor.u32 v3, v4  }
0xe6: {  	v4 =	vperm.xlane v3, v0;
	_ =	sdelay $0x1  }
0xe7: {  	v4 =	vadd.s32 v1, v4;
	_ =	sdelay $0x3  }
0xe8: {  	s24 =	simm.s32 $0xC400  }
0xe9: {  	[hbm4b:s4+s3] =	stream.indirect_vreg.scatter [tilespmem:s24], [sflag:$0x4], $0x80, v4, vm0, $0xb8;
	[tilespmem:$0x10400] =	vst v63  }
0xea: {  	s25 =	simm.s32 $0xCC00;
	v3 =	vperm.xlane v3, v2  }
0xeb: {  	[hbm4b:s8+s3] =	stream.indirect_vreg.scatter [tilespmem:s25], [sflag:$0x4], $0x80, v4, vm0, $0xb8;
	[tilespmem:$0x10400] =	vst v63  }
0xec: {  	s14 =	simm.s32 $0xD400;
	v3 =	vadd.s32 v1, v3  }
0xed: {  	[hbm4b:s9+s3] =	stream.indirect_vreg.scatter [tilespmem:s14], [sflag:$0x4], $0x80, v4, vm0, $0xb8;
	[tilespmem:$0x10400] =	vst v63  }
0xee: {  	s15 =	simm.s32 $0xDC00  }
0xef: {  	[hbm4b:s10+s3] =	stream.indirect_vreg.scatter [tilespmem:s15], [sflag:$0x4], $0x80, v4, vm0, $0xb8;
	[tilespmem:$0x10400] =	vst v63  }
0xf0: {  	s16 =	simm.s32 $0xE400  }
0xf1: {  	[hbm4b:s4+s3] =	stream.indirect_vreg.scatter [tilespmem:s16], [sflag:$0x4], $0x80, v3, vm0, $0xb8;
	[tilespmem:$0x10400] =	vst v63  }
0xf2: {  	s17 =	simm.s32 $0xEC00  }
0xf3: {  	[hbm4b:s8+s3] =	stream.indirect_vreg.scatter [tilespmem:s17], [sflag:$0x4], $0x80, v3, vm0, $0xb8;
	[tilespmem:$0x10400] =	vst v63  }
0xf4: {  	s18 =	simm.s32 $0xF400  }
0xf5: {  	[hbm4b:s9+s3] =	stream.indirect_vreg.scatter [tilespmem:s18], [sflag:$0x4], $0x80, v3, vm0, $0xb8;
	[tilespmem:$0x10400] =	vst v63  }
0xf6: {  	s19 =	simm.s32 $0xFC00  }
0xf7: {  	[hbm4b:s10+s3] =	stream.indirect_vreg.scatter [tilespmem:s19], [sflag:$0x4], $0x80, v3, vm0, $0xb8;
	[tilespmem:$0x10400] =	vst v63  }
0xf8: {  	_ =	swait.ge [sflag:s26], $0x8000  }
0xf9: {  	[sflag:s26] =	ssyncset.done $0x0  }
0xfa: {  	[sflag:s26] =	ssyncadd.s32 $0xFFFF8000  }
0xfb: {  	v3 =	vld [tilespmem:$0x180];
	_ =	sdelay $0x4  }
0xfc: {  	v58 =	vshll.u32 v3, $0x3  }
0xfd: {  	v3 =	vand.u32 $0x7, v3;
	v4 =	vand.u32 $0xFFFFFFC0, v58  }
0xfe: {  	v3 =	vor.u32 v3, v4  }
0xff: {  	v4 =	vperm.xlane v3, v0;
	_ =	sdelay $0x1  }
0x100: {  	v4 =	vadd.s32 v1, v4;
	_ =	sdelay $0x4  }
0x101: {  	[tilespmem:s21], [sflag:$0x2] =	stream.indirect_vreg.gather [hbm4b:s2+s3], $0x80, v4, vm0, $0xb8;
	[tilespmem:$0x10400] =	vst v63  }
0x102: {  	v3 =	vperm.xlane v3, v2  }
0x103: {  	[tilespmem:s22], [sflag:$0x2] =	stream.indirect_vreg.gather [hbm4b:s5+s3], $0x80, v4, vm0, $0xb8;
	[tilespmem:$0x10400] =	vst v63  }
0x104: {  	v3 =	vadd.s32 v1, v3  }
0x105: {  	[tilespmem:s29], [sflag:$0x2] =	stream.indirect_vreg.gather [hbm4b:s6+s3], $0x80, v4, vm0, $0xb8;
	[tilespmem:$0x10400] =	vst v63  }
0x106: {  	_ = 	snop  }
0x107: {  	[tilespmem:s28], [sflag:$0x2] =	stream.indirect_vreg.gather [hbm4b:s7+s3], $0x80, v4, vm0, $0xb8;
	[tilespmem:$0x10400] =	vst v63  }
0x108: {  	_ = 	snop  }
0x109: {  	[tilespmem:s20], [sflag:$0x2] =	stream.indirect_vreg.gather [hbm4b:s2+s3], $0x80, v3, vm0, $0xb8;
	[tilespmem:$0x10400] =	vst v63  }
0x10a: {  	_ = 	snop  }
0x10b: {  	[tilespmem:s12], [sflag:$0x2] =	stream.indirect_vreg.gather [hbm4b:s5+s3], $0x80, v3, vm0, $0xb8;
	[tilespmem:$0x10400] =	vst v63  }
0x10c: {  	_ = 	snop  }
0x10d: {  	[tilespmem:s13], [sflag:$0x2] =	stream.indirect_vreg.gather [hbm4b:s6+s3], $0x80, v3, vm0, $0xb8;
	[tilespmem:$0x10400] =	vst v63  }
0x10e: {  	_ = 	snop  }
0x10f: {  	[tilespmem:s23], [sflag:$0x2] =	stream.indirect_vreg.gather [hbm4b:s7+s3], $0x80, v3, vm0, $0xb8;
	[tilespmem:$0x10400] =	vst v63  }
0x110: {  	v3 =	vld [tilespmem:$0x190];
	_ =	sdelay $0x4  }
0x111: {  	v59 =	vshll.u32 v3, $0x3  }
0x112: {  	v3 =	vand.u32 $0x7, v3;
	v4 =	vand.u32 $0xFFFFFFC0, v59  }
0x113: {  	v3 =	vor.u32 v3, v4  }
0x114: {  	v4 =	vperm.xlane v3, v0;
	_ =	sdelay $0x1  }
0x115: {  	v4 =	vadd.s32 v1, v4;
	_ =	sdelay $0x4  }
0x116: {  	[tilespmem:s24], [sflag:$0x2] =	stream.indirect_vreg.gather [hbm4b:s2+s3], $0x80, v4, vm0, $0xb8;
	[tilespmem:$0x10400] =	vst v63  }
0x117: {  	v3 =	vperm.xlane v3, v2  }
0x118: {  	[tilespmem:s25], [sflag:$0x2] =	stream.indirect_vreg.gather [hbm4b:s5+s3], $0x80, v4, vm0, $0xb8;
	[tilespmem:$0x10400] =	vst v63  }
0x119: {  	v3 =	vadd.s32 v1, v3  }
0x11a: {  	[tilespmem:s14], [sflag:$0x2] =	stream.indirect_vreg.gather [hbm4b:s6+s3], $0x80, v4, vm0, $0xb8;
	[tilespmem:$0x10400] =	vst v63  }
0x11b: {  	_ = 	snop  }
0x11c: {  	[tilespmem:s15], [sflag:$0x2] =	stream.indirect_vreg.gather [hbm4b:s7+s3], $0x80, v4, vm0, $0xb8;
	[tilespmem:$0x10400] =	vst v63  }
0x11d: {  	_ = 	snop  }
0x11e: {  	[tilespmem:s16], [sflag:$0x2] =	stream.indirect_vreg.gather [hbm4b:s2+s3], $0x80, v3, vm0, $0xb8;
	[tilespmem:$0x10400] =	vst v63  }
0x11f: {  	_ = 	snop  }
0x120: {  	[tilespmem:s17], [sflag:$0x2] =	stream.indirect_vreg.gather [hbm4b:s5+s3], $0x80, v3, vm0, $0xb8;
	[tilespmem:$0x10400] =	vst v63  }
0x121: {  	_ = 	snop  }
0x122: {  	[tilespmem:s18], [sflag:$0x2] =	stream.indirect_vreg.gather [hbm4b:s6+s3], $0x80, v3, vm0, $0xb8;
	[tilespmem:$0x10400] =	vst v63  }
0x123: {  	_ = 	snop  }
0x124: {  	[tilespmem:s19], [sflag:$0x2] =	stream.indirect_vreg.gather [hbm4b:s7+s3], $0x80, v3, vm0, $0xb8;
	[tilespmem:$0x10400] =	vst v63  }
0x125: {  	_ =	swait.ge [sflag:s0], $0x8000  }
0x126: {  	[sflag:s0] =	ssyncset.done $0x0  }
0x127: {  	[sflag:s0] =	ssyncadd.s32 $0xFFFF8000  }
0x128: {  	v3 =	vld [tilespmem:$0x300];
	_ =	sdelay $0x4  }
0x129: {  	v60 =	vshll.u32 v3, $0x3  }
0x12a: {  	v3 =	vand.u32 $0x7, v3;
	v4 =	vand.u32 $0xFFFFFFC0, v60  }
0x12b: {  	v3 =	vor.u32 v3, v4  }
0x12c: {  	v4 =	vperm.xlane v3, v0;
	_ =	sdelay $0x1  }
0x12d: {  	v4 =	vadd.s32 v1, v4;
	_ =	sdelay $0x3  }
0x12e: {  	s25 =	simm.s32 $0x400  }
0x12f: {  	[hbm4b:s4+s3] =	stream.indirect_vreg.scatter [tilespmem:s25], [sflag:$0x3], $0x80, v4, vm0, $0xb8;
	[tilespmem:$0x10400] =	vst v63  }
0x130: {  	v3 =	vperm.xlane v3, v2  }
0x131: {  	[hbm4b:s8+s3] =	stream.indirect_vreg.scatter [tilespmem:s31], [sflag:$0x3], $0x80, v4, vm0, $0xb8;
	[tilespmem:$0x10400] =	vst v63  }
0x132: {  	s19 =	simm.s32 $0x1400;
	v3 =	vadd.s32 v1, v3  }
0x133: {  	[hbm4b:s9+s3] =	stream.indirect_vreg.scatter [tilespmem:s19], [sflag:$0x3], $0x80, v4, vm0, $0xb8;
	[tilespmem:$0x10400] =	vst v63  }
0x134: {  	s24 =	simm.s32 $0x1C00  }
0x135: {  	[hbm4b:s10+s3] =	stream.indirect_vreg.scatter [tilespmem:s24], [sflag:$0x3], $0x80, v4, vm0, $0xb8;
	[tilespmem:$0x10400] =	vst v63  }
0x136: {  	s25 =	simm.s32 $0x2400  }
0x137: {  	[hbm4b:s4+s3] =	stream.indirect_vreg.scatter [tilespmem:s25], [sflag:$0x3], $0x80, v3, vm0, $0xb8;
	[tilespmem:$0x10400] =	vst v63  }
0x138: {  	s31 =	simm.s32 $0x2C00  }
0x139: {  	[hbm4b:s8+s3] =	stream.indirect_vreg.scatter [tilespmem:s31], [sflag:$0x3], $0x80, v3, vm0, $0xb8;
	[tilespmem:$0x10400] =	vst v63  }
0x13a: {  	s19 =	simm.s32 $0x3400  }
0x13b: {  	[hbm4b:s9+s3] =	stream.indirect_vreg.scatter [tilespmem:s19], [sflag:$0x3], $0x80, v3, vm0, $0xb8;
	[tilespmem:$0x10400] =	vst v63  }
0x13c: {  	s24 =	simm.s32 $0x3C00  }
0x13d: {  	[hbm4b:s10+s3] =	stream.indirect_vreg.scatter [tilespmem:s24], [sflag:$0x3], $0x80, v3, vm0, $0xb8;
	[tilespmem:$0x10400] =	vst v63  }
0x13e: {  	v3 =	vld [tilespmem:$0x310];
	_ =	sdelay $0x4  }
0x13f: {  	v61 =	vshll.u32 v3, $0x3  }
0x140: {  	v3 =	vand.u32 $0x7, v3;
	v4 =	vand.u32 $0xFFFFFFC0, v61  }
0x141: {  	v3 =	vor.u32 v3, v4  }
0x142: {  	v4 =	vperm.xlane v3, v0;
	_ =	sdelay $0x1  }
0x143: {  	v4 =	vadd.s32 v1, v4;
	_ =	sdelay $0x3  }
0x144: {  	s25 =	simm.s32 $0x4400  }
0x145: {  	[hbm4b:s4+s3] =	stream.indirect_vreg.scatter [tilespmem:s25], [sflag:$0x3], $0x80, v4, vm0, $0xb8;
	[tilespmem:$0x10400] =	vst v63  }
0x146: {  	s31 =	simm.s32 $0x4C00;
	v3 =	vperm.xlane v3, v2  }
0x147: {  	[hbm4b:s8+s3] =	stream.indirect_vreg.scatter [tilespmem:s31], [sflag:$0x3], $0x80, v4, vm0, $0xb8;
	[tilespmem:$0x10400] =	vst v63  }
0x148: {  	s19 =	simm.s32 $0x5400;
	v3 =	vadd.s32 v1, v3  }
0x149: {  	[hbm4b:s9+s3] =	stream.indirect_vreg.scatter [tilespmem:s19], [sflag:$0x3], $0x80, v4, vm0, $0xb8;
	[tilespmem:$0x10400] =	vst v63  }
0x14a: {  	s24 =	simm.s32 $0x5C00  }
0x14b: {  	[hbm4b:s10+s3] =	stream.indirect_vreg.scatter [tilespmem:s24], [sflag:$0x3], $0x80, v4, vm0, $0xb8;
	[tilespmem:$0x10400] =	vst v63  }
0x14c: {  	s25 =	simm.s32 $0x6400  }
0x14d: {  	[hbm4b:s4+s3] =	stream.indirect_vreg.scatter [tilespmem:s25], [sflag:$0x3], $0x80, v3, vm0, $0xb8;
	[tilespmem:$0x10400] =	vst v63  }
0x14e: {  	s31 =	simm.s32 $0x6C00  }
0x14f: {  	[hbm4b:s8+s3] =	stream.indirect_vreg.scatter [tilespmem:s31], [sflag:$0x3], $0x80, v3, vm0, $0xb8;
	[tilespmem:$0x10400] =	vst v63  }
0x150: {  	s19 =	simm.s32 $0x7400  }
0x151: {  	[hbm4b:s9+s3] =	stream.indirect_vreg.scatter [tilespmem:s19], [sflag:$0x3], $0x80, v3, vm0, $0xb8;
	[tilespmem:$0x10400] =	vst v63  }
0x152: {  	s24 =	simm.s32 $0x7C00  }
0x153: {  	[hbm4b:s10+s3] =	stream.indirect_vreg.scatter [tilespmem:s24], [sflag:$0x3], $0x80, v3, vm0, $0xb8;
	[tilespmem:$0x10400] =	vst v63  }
0x154: {  	_ =	swait.ge [sflag:s11], $0x8000  }
0x155: {  	[sflag:s11] =	ssyncset.done $0x0  }
0x156: {  	[sflag:s11] =	ssyncadd.s32 $0xFFFF8000  }
0x157: {  	v3 =	vld [tilespmem:$0x380];
	_ =	sdelay $0x4  }
0x158: {  	v62 =	vshll.u32 v3, $0x3  }
0x159: {  	v3 =	vand.u32 $0x7, v3;
	v4 =	vand.u32 $0xFFFFFFC0, v62  }
0x15a: {  	v3 =	vor.u32 v3, v4  }
0x15b: {  	v4 =	vperm.xlane v3, v0;
	_ =	sdelay $0x1  }
0x15c: {  	v4 =	vadd.s32 v1, v4;
	_ =	sdelay $0x3  }
0x15d: {  	s25 =	simm.s32 $0x8400  }
0x15e: {  	[hbm4b:s4+s3] =	stream.indirect_vreg.scatter [tilespmem:s25], [sflag:$0x4], $0x80, v4, vm0, $0xb8;
	[tilespmem:$0x10400] =	vst v63  }
0x15f: {  	s21 =	simm.s32 $0x8C00;
	v3 =	vperm.xlane v3, v2  }
0x160: {  	[hbm4b:s8+s3] =	stream.indirect_vreg.scatter [tilespmem:s21], [sflag:$0x4], $0x80, v4, vm0, $0xb8;
	[tilespmem:$0x10400] =	vst v63  }
0x161: {  	s29 =	simm.s32 $0x9400;
	v3 =	vadd.s32 v1, v3  }
0x162: {  	[hbm4b:s9+s3] =	stream.indirect_vreg.scatter [tilespmem:s29], [sflag:$0x4], $0x80, v4, vm0, $0xb8;
	[tilespmem:$0x10400] =	vst v63  }
0x163: {  	s29 =	simm.s32 $0x9C00  }
0x164: {  	[hbm4b:s10+s3] =	stream.indirect_vreg.scatter [tilespmem:s29], [sflag:$0x4], $0x80, v4, vm0, $0xb8;
	[tilespmem:$0x10400] =	vst v63  }
0x165: {  	s31 =	simm.s32 $0xA400  }
0x166: {  	[hbm4b:s4+s3] =	stream.indirect_vreg.scatter [tilespmem:s31], [sflag:$0x4], $0x80, v3, vm0, $0xb8;
	[tilespmem:$0x10400] =	vst v63  }
0x167: {  	s28 =	simm.s32 $0xAC00  }
0x168: {  	[hbm4b:s8+s3] =	stream.indirect_vreg.scatter [tilespmem:s28], [sflag:$0x4], $0x80, v3, vm0, $0xb8;
	[tilespmem:$0x10400] =	vst v63  }
0x169: {  	s12 =	simm.s32 $0xB400  }
0x16a: {  	[hbm4b:s9+s3] =	stream.indirect_vreg.scatter [tilespmem:s12], [sflag:$0x4], $0x80, v3, vm0, $0xb8;
	[tilespmem:$0x10400] =	vst v63  }
0x16b: {  	s20 =	simm.s32 $0xBC00  }
0x16c: {  	[hbm4b:s10+s3] =	stream.indirect_vreg.scatter [tilespmem:s20], [sflag:$0x4], $0x80, v3, vm0, $0xb8;
	[tilespmem:$0x10400] =	vst v63  }
0x16d: {  	v3 =	vld [tilespmem:$0x390];
	_ =	sdelay $0x4  }
0x16e: {  	v63 =	vshll.u32 v3, $0x3  }
0x16f: {  	v3 =	vand.u32 $0x7, v3;
	v4 =	vand.u32 $0xFFFFFFC0, v63  }
0x170: {  	v3 =	vor.u32 v3, v4  }
0x171: {  	v4 =	vperm.xlane v3, v0;
	_ =	sdelay $0x1  }
0x172: {  	v4 =	vadd.s32 v1, v4;
	_ =	sdelay $0x3  }
0x173: {  	s22 =	simm.s32 $0xC400  }
0x174: {  	[hbm4b:s4+s3] =	stream.indirect_vreg.scatter [tilespmem:s22], [sflag:$0x4], $0x80, v4, vm0, $0xb8;
	[tilespmem:$0x10400] =	vst v63  }
0x175: {  	s23 =	simm.s32 $0xCC00;
	v3 =	vperm.xlane v3, v2  }
0x176: {  	[hbm4b:s8+s3] =	stream.indirect_vreg.scatter [tilespmem:s23], [sflag:$0x4], $0x80, v4, vm0, $0xb8;
	[tilespmem:$0x10400] =	vst v63  }
0x177: {  	s13 =	simm.s32 $0xD400;
	v3 =	vadd.s32 v1, v3  }
0x178: {  	[hbm4b:s9+s3] =	stream.indirect_vreg.scatter [tilespmem:s13], [sflag:$0x4], $0x80, v4, vm0, $0xb8;
	[tilespmem:$0x10400] =	vst v63  }
0x179: {  	s14 =	simm.s32 $0xDC00  }
0x17a: {  	[hbm4b:s10+s3] =	stream.indirect_vreg.scatter [tilespmem:s14], [sflag:$0x4], $0x80, v4, vm0, $0xb8;
	[tilespmem:$0x10400] =	vst v63  }
0x17b: {  	s15 =	simm.s32 $0xE400  }
0x17c: {  	[hbm4b:s4+s3] =	stream.indirect_vreg.scatter [tilespmem:s15], [sflag:$0x4], $0x80, v3, vm0, $0xb8;
	[tilespmem:$0x10400] =	vst v63  }
0x17d: {  	s16 =	simm.s32 $0xEC00  }
0x17e: {  	[hbm4b:s8+s3] =	stream.indirect_vreg.scatter [tilespmem:s16], [sflag:$0x4], $0x80, v3, vm0, $0xb8;
	[tilespmem:$0x10400] =	vst v63  }
0x17f: {  	s17 =	simm.s32 $0xF400  }
0x180: {  	[hbm4b:s9+s3] =	stream.indirect_vreg.scatter [tilespmem:s17], [sflag:$0x4], $0x80, v3, vm0, $0xb8;
	[tilespmem:$0x10400] =	vst v63  }
0x181: {  	s18 =	simm.s32 $0xFC00  }
0x182: {  	[hbm4b:s10+s3] =	stream.indirect_vreg.scatter [tilespmem:s18], [sflag:$0x4], $0x80, v3, vm0, $0xb8;
	[tilespmem:$0x10400] =	vst v63  }
0x183: {  	p0 =	sne.s32 s1, $0x1;
	_ =	swait.ge [sflag:s30], $0x8000  }
.Ltmp0:
0x184: {  	[sflag:s30] =	ssyncset.done $0x0;
	(pc) =	sbr.rel @p0 .LBB2_1-.Ltmp0, $4  }
0x185: {  	[sflag:s30] =	ssyncadd.s32 $0xFFFF8000  }
0x186: {  	_ =	swait.ge [sflag:s26], $0x8000  }
0x187: {  	[sflag:s26] =	ssyncset.done $0x0  }
0x188: {  	s1 =	sadd.s32 $0xFFFFFFFF, s1;
	[sflag:s26] =	ssyncadd.s32 $0xFFFF8000  }
0x189: {  	_ =	sfence.sel $0x180000  }
0x18a: {  	[bflag:$0x0] =	sbarrier.arrive $0xFFFF  }
0x18b: {  	_ =	strace $0x90000047  }
0x18c: {  	s0 =	stileid.u32;
	[bflag:$0x2] =	sbarrier.arrive $0xFFFF  }
0x18d: {  	p0 =	sne.s32 s0, $0x0;
	s0 =	rddreg [dreg:$0x2]  }
0x18e: {  	s0 =	sadd.s32 @!p0 $0x100000, s0  }
0x18f: {  	[sflag:s0] =	ssyncadd.tile.s32 @!p0 $0x1;
	_ =	shalt  }
.Lfunc_end2:
_tile_overlayer_lowered:
.L_overlay_start_2:
0x190: {  	(tag) =	ssettag $0x2  }
0x191: {  	s0 =	rddreg [dreg:$0x0];
	s2 =	stileid.u32  }
0x192: {  	s1 =	rddreg [dreg:$0x1];
	p0 =	sne.s32 s2, $0x0  }
0x193: {  	s3 =	rddreg [dreg:$0x2];
	[bflag:$0x3] =	sbarrier.arrive $0xFFFF;
	s2 =	simm.s32 @!p0 $0x1C05  }
0x194: {  	[timem:s3], [sflag:s2] =	dma.local @!p0 [hbm:s0], s1  }
0x195: {  	s0 =	simm.s32 @!p0 $0x5  }
0x196: {  	_ =	swait.ge @!p0 [sflag:s0], s1  }
0x197: {  	s1 =	ssub.s32 @!p0 $0x0, s1;
	[sflag:s0] =	ssyncset.done @!p0 $0x0  }
0x198: {  	[sflag:s0] =	ssyncadd.s32 @!p0 s1  }
0x199: {  	[bflag:$0x3] =	sbarrier.arrive $0xFFFF  }
0x19a: {  	_ =	shalt  }

</sc_bundles>
